<compile_context>
chip_gen: v7x
topology: tpu7x:2x2x1
jax: 0.10.2.dev20260603
libtpu: 0.0.44.dev20260713+nightly
codegen_flags: <defaults>
</compile_context>

<pallas_src>
import functools

import jax
import jax.numpy as jnp
from jax import lax
from jax.experimental import pallas as pl
from jax.experimental.pallas import tpu as pltpu
from jax.experimental.pallas import tpu_sc as plsc

N = 10000
D = 128
E = 320000
QSCALE = 2048.0

NC = 2
NS = 16
NW = NC * NS

C = 128
EPW = 10240
NCHUNK = EPW // C
NSLOT = 8
E_PAD = NW * EPW
E_ALLOC = E_PAD + NSLOT * C
N_PAD = 10240
RPT = N_PAD // NS

_MESH = dict(core_axis_name="c", subcore_axis_name="s", num_cores=NC,
             num_subcores=NS)


def _wid():
    return lax.axis_index("s") * NC + lax.axis_index("c")


def _deg_body(dst_hbm, out_hbm, idx, deg_priv, isems):
    cid = lax.axis_index("c")
    sid = lax.axis_index("s")
    wid = _wid()
    ones_v = jnp.full((16,), 1.0, jnp.float32)

    def zero(r, carry):
        deg_priv[pl.ds(r * 16, 16)] = jnp.zeros((16,), jnp.float32)
        return carry

    lax.fori_loop(0, N_PAD // 16, zero, 0)

    def fetch(slot, c):
        pltpu.async_copy(dst_hbm.at[pl.ds(wid * EPW + c * C, C)],
                         idx.at[slot], isems.at[slot])

    for s in range(2):
        fetch(s, s)

    def chunk(i, carry):
        for s in range(2):
            c = 2 * i + s
            pltpu.make_async_copy(dst_hbm.at[pl.ds(0, C)], idx.at[s],
                                  isems.at[s]).wait()
            for g in range(C // 16):
                iv = idx[s, pl.ds(g * 16, 16)]
                plsc.addupdate_scatter(deg_priv, [iv], ones_v)
            fetch(s, c + 2)
        return carry

    lax.fori_loop(0, NCHUNK // 2, chunk, 0)
    for s in range(2):
        pltpu.make_async_copy(dst_hbm.at[pl.ds(0, C)], idx.at[s],
                              isems.at[s]).wait()
    pltpu.sync_copy(deg_priv, out_hbm.at[cid, sid])


def _agg_body(src_hbm, dst_hbm, q_hbm, zeros_hbm, out_hbm,
              idx_s, idx_d, rows, acc, gsems, ssems):
    cid = lax.axis_index("c")
    sid = lax.axis_index("s")
    wid = _wid()

    def prep(slot, c):
        base = wid * EPW + c * C
        pltpu.sync_copy(src_hbm.at[pl.ds(base, C)], idx_s.at[slot])
        pltpu.sync_copy(dst_hbm.at[pl.ds(base, C)], idx_d.at[slot])

    pltpu.sync_copy(zeros_hbm, acc.at[pl.ds(sid * RPT, RPT)])
    plsc.subcore_barrier()

    for s in range(NSLOT):
        prep(s, s)
        pltpu.async_copy(q_hbm.at[idx_s.at[s]], rows.at[s], gsems.at[s])

    def body(i, carry):
        for s in range(NSLOT):
            pltpu.make_async_copy(q_hbm.at[idx_s.at[s]], rows.at[s],
                                  gsems.at[s]).wait()
            pltpu.async_copy(rows.at[s], acc.at[idx_d.at[s]],
                             ssems.at[s], add=True)
        for s in range(NSLOT):
            c_next = NSLOT * (i + 1) + s
            pltpu.make_async_copy(rows.at[s], acc.at[idx_d.at[s]],
                                  ssems.at[s]).wait()
            prep(s, c_next)
            pltpu.async_copy(q_hbm.at[idx_s.at[s]], rows.at[s], gsems.at[s])
        return carry

    lax.fori_loop(0, NCHUNK // NSLOT, body, 0)
    for s in range(NSLOT):
        pltpu.make_async_copy(q_hbm.at[idx_s.at[s]], rows.at[s],
                              gsems.at[s]).wait()
    plsc.subcore_barrier()
    pltpu.sync_copy(acc.at[pl.ds(sid * RPT, RPT)],
                    out_hbm.at[cid, pl.ds(sid * RPT, RPT)])


@functools.cache
def _sc_kernels():
    mesh = plsc.VectorSubcoreMesh(**_MESH)
    deg_kernel = pl.kernel(
        _deg_body,
        out_type=jax.ShapeDtypeStruct((NC, NS, N_PAD), jnp.float32),
        mesh=mesh,
        scratch_types=[
            pltpu.VMEM((2, C), jnp.int32),
            pltpu.VMEM((N_PAD,), jnp.float32),
            pltpu.SemaphoreType.DMA((2,)),
        ],
        compiler_params=pltpu.CompilerParams(use_tc_tiling_on_sc=False,
                                             needs_layout_passes=False),
    )
    agg_kernel = pl.kernel(
        _agg_body,
        out_type=jax.ShapeDtypeStruct((NC, N_PAD, D), jnp.int16),
        mesh=mesh,
        scratch_types=[
            pltpu.VMEM((NSLOT, C), jnp.int32),
            pltpu.VMEM((NSLOT, C), jnp.int32),
            pltpu.VMEM((NSLOT, C, D), jnp.int16),
            pltpu.VMEM_SHARED((N_PAD, D), jnp.int16),
            pltpu.SemaphoreType.DMA((NSLOT,)),
            pltpu.SemaphoreType.DMA((NSLOT,)),
        ],
        compiler_params=pltpu.CompilerParams(use_tc_tiling_on_sc=False),
    )
    return deg_kernel, agg_kernel


BLK = 2000


def _mm_body(x_ref, w_ref, d_ref, o_ref):
    deg = jnp.sum(d_ref[...], axis=1) + 1.0
    dis = lax.rsqrt(deg)
    xw = jnp.dot(x_ref[...], w_ref[...], preferred_element_type=jnp.float32)
    o_ref[...] = jnp.rint(xw * dis[:, None] * QSCALE).astype(jnp.int16)


def _fin_body(a0_ref, a1_ref, q_ref, d_ref, b_ref, lwt_ref,
              lb_ref, o_ref):
    deg = jnp.sum(d_ref[...], axis=1) + 1.0
    dis = lax.rsqrt(deg)
    tot = (a0_ref[...].astype(jnp.int32) + a1_ref[...].astype(jnp.int32)
           + q_ref[...].astype(jnp.int32))
    pre = tot.astype(jnp.float32) * (dis * (1.0 / QSCALE))[:, None]
    h = jnp.maximum(pre + b_ref[...], 0.0)
    logits = lax.dot_general(h, lwt_ref[...], (((1,), (1,)), ((), ())),
                             preferred_element_type=jnp.float32)
    logits = logits + lb_ref[...]
    m = jnp.max(logits, axis=-1, keepdims=True)
    lse = m + jnp.log(jnp.sum(jnp.exp(logits - m), axis=-1, keepdims=True))
    o_ref[...] = logits - lse


def kernel(x, edge_index, W, b, lin_W, lin_b):
    src = edge_index[0]
    dst = edge_index[1]
    pad = E_ALLOC - E
    src_p = jnp.concatenate([src, jnp.zeros((pad,), jnp.int32)])
    dst_p = jnp.concatenate([dst, jnp.full((pad,), N, jnp.int32)])

    zerosD = jnp.zeros((RPT, D), jnp.int16)

    _deg_kernel, _agg_kernel = _sc_kernels()
    deg_parts = _deg_kernel(dst_p).reshape(NW, N_PAD)[:, :N].T

    q = pl.pallas_call(
        _mm_body,
        grid=(N // BLK,),
        in_specs=[
            pl.BlockSpec((BLK, D), lambda i: (i, 0)),
            pl.BlockSpec((D, D), lambda i: (0, 0)),
            pl.BlockSpec((BLK, NW), lambda i: (i, 0)),
        ],
        out_specs=pl.BlockSpec((BLK, D), lambda i: (i, 0)),
        out_shape=jax.ShapeDtypeStruct((N, D), jnp.int16),
    )(x, W, deg_parts)

    accs = _agg_kernel(src_p, dst_p, q, zerosD)
    a0 = accs[0, :N]
    a1 = accs[1, :N]

    out = pl.pallas_call(
        _fin_body,
        grid=(N // BLK,),
        in_specs=[
            pl.BlockSpec((BLK, D), lambda i: (i, 0)),
            pl.BlockSpec((BLK, D), lambda i: (i, 0)),
            pl.BlockSpec((BLK, D), lambda i: (i, 0)),
            pl.BlockSpec((BLK, NW), lambda i: (i, 0)),
            pl.BlockSpec((1, D), lambda i: (0, 0)),
            pl.BlockSpec((2, D), lambda i: (0, 0)),
            pl.BlockSpec((1, 2), lambda i: (0, 0)),
        ],
        out_specs=pl.BlockSpec((BLK, 2), lambda i: (i, 0)),
        out_shape=jax.ShapeDtypeStruct((N, 2), jnp.float32),
    )(a0, a1, q, deg_parts, b.reshape(1, D), lin_W.T, lin_b.reshape(1, 2))

    return out

# --- scband reference (transcript-rebuilt; emitter-appended) ---
"""Pipeline reference for scband-simple-model02-5755256176695 (READ-ONLY COPY).

The authoritative reference and input builder live on the scoring server;
editing this copy changes nothing except your own understanding.
"""

import jax, jax.numpy as jnp
import numpy as np

N_NODES = 10000
D_IN = 128
D_HID = 128
D_OUT = 2
N_EDGES = 320000


def setup_inputs(seed: int = 0) -> dict:
    key = jax.random.key(seed)
    k_x, k_e, k_w, k_b, k_lw, k_lb = jax.random.split(key, 6)
    x = jax.random.normal(k_x, (N_NODES, D_IN), dtype=jnp.float32)
    edge_index = jax.random.randint(k_e, (2, N_EDGES), 0, N_NODES, dtype=jnp.int32)
    W = jax.random.normal(k_w, (D_IN, D_HID), dtype=jnp.float32) * (1.0 / np.sqrt(D_IN))
    b = jnp.zeros((D_HID,), dtype=jnp.float32)
    lin_W = jax.random.normal(k_lw, (D_HID, D_OUT), dtype=jnp.float32) * (1.0 / np.sqrt(D_HID))
    lin_b = jnp.zeros((D_OUT,), dtype=jnp.float32)
    return {"x": x, "edge_index": edge_index, "W": W, "b": b, "lin_W": lin_W, "lin_b": lin_b}


def reference(x, edge_index, W, b, lin_W, lin_b):
    N = x.shape[0]
    # GCNConv (PyG semantics): add self-loops + symmetric normalization
    loop = jnp.arange(N, dtype=edge_index.dtype)
    src = jnp.concatenate([edge_index[0], loop])
    dst = jnp.concatenate([edge_index[1], loop])
    deg = jnp.zeros((N,), dtype=jnp.float32).at[dst].add(1.0)
    deg_inv_sqrt = jnp.where(deg > 0, 1.0 / jnp.sqrt(deg), 0.0)
    norm = deg_inv_sqrt[src] * deg_inv_sqrt[dst]
    xw = x @ W
    msgs = xw[src] * norm[:, None]
    agg = jax.ops.segment_sum(msgs, dst, num_segments=N)
    h = agg + b
    h = jax.nn.relu(h)
    logits = h @ lin_W + lin_b
    return jax.nn.log_softmax(logits, axis=-1)

if __name__ == "__main__":
    import jax
    _d = setup_inputs()
    print(jax.jit(kernel)(*tuple(_d.values())))

</pallas_src>

<mosaic_0001>
#map = affine_map<(d0, d1) -> (0)>
#map1 = affine_map<(d0, d1) -> (0, 0, 0)>
module attributes {stable_mosaic.version = 14 : i64} {
  func.func @_deg_body(%arg0: i32, %arg1: i32, %arg2: memref<328704xi32, #tpu.memory_space<hbm>>, %arg3: memref<2x16x10240xf32, #tpu.memory_space<hbm>>, %arg4: memref<2x128xi32, #tpu.memory_space<vmem>>, %arg5: memref<10240xf32, #tpu.memory_space<vmem>>, %arg6: memref<2x!tpu.dma_semaphore, #tpu.memory_space<semaphore_mem>>) attributes {dimension_semantics = [#tpu.dimension_semantics<core_parallel>, #tpu.dimension_semantics<subcore_parallel>], iteration_bounds = array<i64: 2, 16>, scalar_prefetch = 0 : i64, scratch_operands = 3 : i64, tpu.core_type = #tpu.core_type<sc_vector_subcore>, window_params = [{transform_indices = #map}, {transform_indices = #map1}]} {
    %mul3A = arith.constant 2 : i32
    %mul3A_0 = arith.muli %arg1, %mul3A : i32
    %add3A = arith.addi %mul3A_0, %arg0 : i32
    %broadcast_in_dim3A = arith.constant 1.000000e+00 : f32
    %broadcast_in_dim3A_1 = vector.broadcast %broadcast_in_dim3A : f32 to vector<16xf32>
    %scan3A = arith.constant 0 : i32
    %scan3A_2 = arith.constant 0 : i32
    %scan3A_3 = arith.constant 640 : i32
    %scan3A_4 = arith.addi %scan3A_2, %scan3A_3 : i32
    %scan3A_5 = arith.constant 1 : i32
    scf.for %scan3A_71 = %scan3A_2 to %scan3A_4 step %scan3A_5  : i32 {
      %broadcast_in_dim3A_72 = arith.constant 0.000000e+00 : f32
      %broadcast_in_dim3A_73 = vector.broadcast %broadcast_in_dim3A_72 : f32 to vector<16xf32>
      %mul3A_74 = arith.constant 16 : i32
      %mul3A_75 = arith.muli %scan3A_71, %mul3A_74 : i32
      %swap3A = arith.index_cast %mul3A_75 : i32 to index
      %swap3A_76 = tpu.vector_load %arg5[%swap3A] {strides = array<i32>} : memref<10240xf32, #tpu.memory_space<vmem>>, vector<16xf32>,
      tpu.vector_store %arg5[%swap3A], %broadcast_in_dim3A_73 {strides = array<i32>} : memref<10240xf32, #tpu.memory_space<vmem>>, vector<16xf32>,
    }
    %scan3A_6 = arith.constant 640 : i32
    %mul3A_7 = arith.constant 10240 : i32
    %mul3A_8 = arith.muli %add3A, %mul3A_7 : i32
    %add3A_9 = arith.constant 0 : i32
    %add3A_10 = arith.addi %mul3A_8, %add3A_9 : i32
    %dma_start3A = arith.constant 0 : i32
    %dma_start3A_11 = arith.constant 0 : i32
    %dma_start3A_12 = arith.constant 0 : i32
    %dma_start3A_13 = tpu.memref_slice %arg4[%dma_start3A, %dma_start3A_12] : memref<2x128xi32, #tpu.memory_space<vmem>> -> memref<1x128xi32, #tpu.memory_space<vmem>>
    %dma_start3A_14 = tpu.memref_squeeze %dma_start3A_13 : memref<1x128xi32, #tpu.memory_space<vmem>> -> memref<128xi32, #tpu.memory_space<vmem>>
    %dma_start3A_15 = tpu.memref_slice %arg2[%add3A_10] : memref<328704xi32, #tpu.memory_space<hbm>> -> memref<128xi32, #tpu.memory_space<hbm>>
    %dma_start3A_16 = tpu.memref_slice %arg6[%dma_start3A_11] : memref<2x!tpu.dma_semaphore, #tpu.memory_space<semaphore_mem>> -> memref<1x!tpu.dma_semaphore, #tpu.memory_space<semaphore_mem>>
    %dma_start3A_17 = tpu.memref_squeeze %dma_start3A_16 : memref<1x!tpu.dma_semaphore, #tpu.memory_space<semaphore_mem>> -> memref<!tpu.dma_semaphore, #tpu.memory_space<semaphore_mem>>
    %dma_start3A_18 = arith.constant 0 : i32
    %dma_start3A_19 = tpu.memref_slice %arg4[%dma_start3A, %dma_start3A_18] : memref<2x128xi32, #tpu.memory_space<vmem>> -> memref<1x128xi32, #tpu.memory_space<vmem>>
    %dma_start3A_20 = tpu.memref_squeeze %dma_start3A_19 : memref<1x128xi32, #tpu.memory_space<vmem>> -> memref<128xi32, #tpu.memory_space<vmem>>
    %dma_start3A_21 = tpu.memref_slice %arg2[%add3A_10] : memref<328704xi32, #tpu.memory_space<hbm>> -> memref<128xi32, #tpu.memory_space<hbm>>
    tpu.enqueue_dma source(%dma_start3A_21 : memref<128xi32, #tpu.memory_space<hbm>>) target(%dma_start3A_20 : memref<128xi32, #tpu.memory_space<vmem>>) target_semaphore(%dma_start3A_17 : memref<!tpu.dma_semaphore, #tpu.memory_space<semaphore_mem>>)
    %mul3A_22 = arith.constant 10240 : i32
    %mul3A_23 = arith.muli %add3A, %mul3A_22 : i32
    %add3A_24 = arith.constant 128 : i32
    %add3A_25 = arith.addi %mul3A_23, %add3A_24 : i32
    %dma_start3A_26 = arith.constant 1 : i32
    %dma_start3A_27 = arith.constant 1 : i32
    %dma_start3A_28 = arith.constant 0 : i32
    %dma_start3A_29 = tpu.memref_slice %arg4[%dma_start3A_26, %dma_start3A_28] : memref<2x128xi32, #tpu.memory_space<vmem>> -> memref<1x128xi32, #tpu.memory_space<vmem>>
    %dma_start3A_30 = tpu.memref_squeeze %dma_start3A_29 : memref<1x128xi32, #tpu.memory_space<vmem>> -> memref<128xi32, #tpu.memory_space<vmem>>
    %dma_start3A_31 = tpu.memref_slice %arg2[%add3A_25] : memref<328704xi32, #tpu.memory_space<hbm>> -> memref<128xi32, #tpu.memory_space<hbm>>
    %dma_start3A_32 = tpu.memref_slice %arg6[%dma_start3A_27] : memref<2x!tpu.dma_semaphore, #tpu.memory_space<semaphore_mem>> -> memref<1x!tpu.dma_semaphore, #tpu.memory_space<semaphore_mem>>
    %dma_start3A_33 = tpu.memref_squeeze %dma_start3A_32 : memref<1x!tpu.dma_semaphore, #tpu.memory_space<semaphore_mem>> -> memref<!tpu.dma_semaphore, #tpu.memory_space<semaphore_mem>>
    %dma_start3A_34 = arith.constant 0 : i32
    %dma_start3A_35 = tpu.memref_slice %arg4[%dma_start3A_26, %dma_start3A_34] : memref<2x128xi32, #tpu.memory_space<vmem>> -> memref<1x128xi32, #tpu.memory_space<vmem>>
    %dma_start3A_36 = tpu.memref_squeeze %dma_start3A_35 : memref<1x128xi32, #tpu.memory_space<vmem>> -> memref<128xi32, #tpu.memory_space<vmem>>
    %dma_start3A_37 = tpu.memref_slice %arg2[%add3A_25] : memref<328704xi32, #tpu.memory_space<hbm>> -> memref<128xi32, #tpu.memory_space<hbm>>
    tpu.enqueue_dma source(%dma_start3A_37 : memref<128xi32, #tpu.memory_space<hbm>>) target(%dma_start3A_36 : memref<128xi32, #tpu.memory_space<vmem>>) target_semaphore(%dma_start3A_33 : memref<!tpu.dma_semaphore, #tpu.memory_space<semaphore_mem>>)
    %scan3A_38 = arith.constant 0 : i32
    %scan3A_39 = arith.constant 0 : i32
    %scan3A_40 = arith.constant 40 : i32
    %scan3A_41 = arith.addi %scan3A_39, %scan3A_40 : i32
    %scan3A_42 = arith.constant 1 : i32
    scf.for %scan3A_71 = %scan3A_39 to %scan3A_41 step %scan3A_42  : i32 {
      %mul3A_72 = arith.constant 2 : i32
      %mul3A_73 = arith.muli %mul3A_72, %scan3A_71 : i32
      %add3A_74 = arith.constant 0 : i32
      %add3A_75 = arith.addi %mul3A_73, %add3A_74 : i32
      %dma_wait3A_76 = arith.constant 0 : i32
      %dma_wait3A_77 = arith.constant 0 : i32
      %dma_wait3A_78 = arith.constant 0 : i32
      %dma_wait3A_79 = tpu.memref_slice %arg4[%dma_wait3A_76, %dma_wait3A_78] : memref<2x128xi32, #tpu.memory_space<vmem>> -> memref<1x128xi32, #tpu.memory_space<vmem>>
      %dma_wait3A_80 = tpu.memref_squeeze %dma_wait3A_79 : memref<1x128xi32, #tpu.memory_space<vmem>> -> memref<128xi32, #tpu.memory_space<vmem>>
      %dma_wait3A_81 = arith.constant 0 : i32
      %dma_wait3A_82 = tpu.memref_slice %arg2[%dma_wait3A_81] : memref<328704xi32, #tpu.memory_space<hbm>> -> memref<128xi32, #tpu.memory_space<hbm>>
      %dma_wait3A_83 = tpu.memref_slice %arg6[%dma_wait3A_77] : memref<2x!tpu.dma_semaphore, #tpu.memory_space<semaphore_mem>> -> memref<1x!tpu.dma_semaphore, #tpu.memory_space<semaphore_mem>>
      %dma_wait3A_84 = tpu.memref_squeeze %dma_wait3A_83 : memref<1x!tpu.dma_semaphore, #tpu.memory_space<semaphore_mem>> -> memref<!tpu.dma_semaphore, #tpu.memory_space<semaphore_mem>>
      %dma_wait3A_85 = arith.constant 0 : i32
      %dma_wait3A_86 = tpu.memref_slice %arg4[%dma_wait3A_76, %dma_wait3A_85] : memref<2x128xi32, #tpu.memory_space<vmem>> -> memref<1x128xi32, #tpu.memory_space<vmem>>
      %dma_wait3A_87 = tpu.memref_squeeze %dma_wait3A_86 : memref<1x128xi32, #tpu.memory_space<vmem>> -> memref<128xi32, #tpu.memory_space<vmem>>
      %dma_wait3A_88 = arith.constant 0 : i32
      %dma_wait3A_89 = tpu.memref_slice %arg2[%dma_wait3A_88] : memref<328704xi32, #tpu.memory_space<hbm>> -> memref<128xi32, #tpu.memory_space<hbm>>
      tpu.wait_dma2 semaphore(%dma_wait3A_84 : memref<!tpu.dma_semaphore, #tpu.memory_space<semaphore_mem>>) src(%dma_wait3A_89 : memref<128xi32, #tpu.memory_space<hbm>>) dst(%dma_wait3A_87 : memref<128xi32, #tpu.memory_space<vmem>>)
      %get3A = arith.constant 0 : i32
      %get3A_90 = arith.index_cast %get3A : i32 to index
      %get3A_91 = arith.constant 0 : index
      %get3A_92 = tpu.vector_load %arg4[%get3A_90, %get3A_91] {strides = array<i32>} : memref<2x128xi32, #tpu.memory_space<vmem>>, vector<16xi32>,
      tpu.vector_store_idx %arg5[%get3A_92], %broadcast_in_dim3A_1 {add = true} : memref<10240xf32, #tpu.memory_space<vmem>>[vector<16xi32>], vector<16xf32>,
      %get3A_93 = arith.constant 0 : i32
      %get3A_94 = arith.index_cast %get3A_93 : i32 to index
      %get3A_95 = arith.constant 16 : index
      %get3A_96 = tpu.vector_load %arg4[%get3A_94, %get3A_95] {strides = array<i32>} : memref<2x128xi32, #tpu.memory_space<vmem>>, vector<16xi32>,
      tpu.vector_store_idx %arg5[%get3A_96], %broadcast_in_dim3A_1 {add = true} : memref<10240xf32, #tpu.memory_space<vmem>>[vector<16xi32>], vector<16xf32>,
      %get3A_97 = arith.constant 0 : i32
      %get3A_98 = arith.index_cast %get3A_97 : i32 to index
      %get3A_99 = arith.constant 32 : index
      %get3A_100 = tpu.vector_load %arg4[%get3A_98, %get3A_99] {strides = array<i32>} : memref<2x128xi32, #tpu.memory_space<vmem>>, vector<16xi32>,
      tpu.vector_store_idx %arg5[%get3A_100], %broadcast_in_dim3A_1 {add = true} : memref<10240xf32, #tpu.memory_space<vmem>>[vector<16xi32>], vector<16xf32>,
      %get3A_101 = arith.constant 0 : i32
      %get3A_102 = arith.index_cast %get3A_101 : i32 to index
      %get3A_103 = arith.constant 48 : index
      %get3A_104 = tpu.vector_load %arg4[%get3A_102, %get3A_103] {strides = array<i32>} : memref<2x128xi32, #tpu.memory_space<vmem>>, vector<16xi32>,
      tpu.vector_store_idx %arg5[%get3A_104], %broadcast_in_dim3A_1 {add = true} : memref<10240xf32, #tpu.memory_space<vmem>>[vector<16xi32>], vector<16xf32>,
      %get3A_105 = arith.constant 0 : i32
      %get3A_106 = arith.index_cast %get3A_105 : i32 to index
      %get3A_107 = arith.constant 64 : index
      %get3A_108 = tpu.vector_load %arg4[%get3A_106, %get3A_107] {strides = array<i32>} : memref<2x128xi32, #tpu.memory_space<vmem>>, vector<16xi32>,
      tpu.vector_store_idx %arg5[%get3A_108], %broadcast_in_dim3A_1 {add = true} : memref<10240xf32, #tpu.memory_space<vmem>>[vector<16xi32>], vector<16xf32>,
      %get3A_109 = arith.constant 0 : i32
      %get3A_110 = arith.index_cast %get3A_109 : i32 to index
      %get3A_111 = arith.constant 80 : index
      %get3A_112 = tpu.vector_load %arg4[%get3A_110, %get3A_111] {strides = array<i32>} : memref<2x128xi32, #tpu.memory_space<vmem>>, vector<16xi32>,
      tpu.vector_store_idx %arg5[%get3A_112], %broadcast_in_dim3A_1 {add = true} : memref<10240xf32, #tpu.memory_space<vmem>>[vector<16xi32>], vector<16xf32>,
      %get3A_113 = arith.constant 0 : i32
      %get3A_114 = arith.index_cast %get3A_113 : i32 to index
      %get3A_115 = arith.constant 96 : index
      %get3A_116 = tpu.vector_load %arg4[%get3A_114, %get3A_115] {strides = array<i32>} : memref<2x128xi32, #tpu.memory_space<vmem>>, vector<16xi32>,
      tpu.vector_store_idx %arg5[%get3A_116], %broadcast_in_dim3A_1 {add = true} : memref<10240xf32, #tpu.memory_space<vmem>>[vector<16xi32>], vector<16xf32>,
      %get3A_117 = arith.constant 0 : i32
      %get3A_118 = arith.index_cast %get3A_117 : i32 to index
      %get3A_119 = arith.constant 112 : index
      %get3A_120 = tpu.vector_load %arg4[%get3A_118, %get3A_119] {strides = array<i32>} : memref<2x128xi32, #tpu.memory_space<vmem>>, vector<16xi32>,
      tpu.vector_store_idx %arg5[%get3A_120], %broadcast_in_dim3A_1 {add = true} : memref<10240xf32, #tpu.memory_space<vmem>>[vector<16xi32>], vector<16xf32>,
      %add3A_121 = arith.constant 2 : i32
      %add3A_122 = arith.addi %add3A_75, %add3A_121 : i32
      %mul3A_123 = arith.constant 10240 : i32
      %mul3A_124 = arith.muli %add3A, %mul3A_123 : i32
      %mul3A_125 = arith.constant 128 : i32
      %mul3A_126 = arith.muli %add3A_122, %mul3A_125 : i32
      %add3A_127 = arith.addi %mul3A_124, %mul3A_126 : i32
      %dma_start3A_128 = arith.constant 0 : i32
      %dma_start3A_129 = arith.constant 0 : i32
      %dma_start3A_130 = arith.constant 0 : i32
      %dma_start3A_131 = tpu.memref_slice %arg4[%dma_start3A_128, %dma_start3A_130] : memref<2x128xi32, #tpu.memory_space<vmem>> -> memref<1x128xi32, #tpu.memory_space<vmem>>
      %dma_start3A_132 = tpu.memref_squeeze %dma_start3A_131 : memref<1x128xi32, #tpu.memory_space<vmem>> -> memref<128xi32, #tpu.memory_space<vmem>>
      %dma_start3A_133 = tpu.memref_slice %arg2[%add3A_127] : memref<328704xi32, #tpu.memory_space<hbm>> -> memref<128xi32, #tpu.memory_space<hbm>>
      %dma_start3A_134 = tpu.memref_slice %arg6[%dma_start3A_129] : memref<2x!tpu.dma_semaphore, #tpu.memory_space<semaphore_mem>> -> memref<1x!tpu.dma_semaphore, #tpu.memory_space<semaphore_mem>>
      %dma_start3A_135 = tpu.memref_squeeze %dma_start3A_134 : memref<1x!tpu.dma_semaphore, #tpu.memory_space<semaphore_mem>> -> memref<!tpu.dma_semaphore, #tpu.memory_space<semaphore_mem>>
      %dma_start3A_136 = arith.constant 0 : i32
      %dma_start3A_137 = tpu.memref_slice %arg4[%dma_start3A_128, %dma_start3A_136] : memref<2x128xi32, #tpu.memory_space<vmem>> -> memref<1x128xi32, #tpu.memory_space<vmem>>
      %dma_start3A_138 = tpu.memref_squeeze %dma_start3A_137 : memref<1x128xi32, #tpu.memory_space<vmem>> -> memref<128xi32, #tpu.memory_space<vmem>>
      %dma_start3A_139 = tpu.memref_slice %arg2[%add3A_127] : memref<328704xi32, #tpu.memory_space<hbm>> -> memref<128xi32, #tpu.memory_space<hbm>>
      tpu.enqueue_dma source(%dma_start3A_139 : memref<128xi32, #tpu.memory_space<hbm>>) target(%dma_start3A_138 : memref<128xi32, #tpu.memory_space<vmem>>) target_semaphore(%dma_start3A_135 : memref<!tpu.dma_semaphore, #tpu.memory_space<semaphore_mem>>)
      %mul3A_140 = arith.constant 2 : i32
      %mul3A_141 = arith.muli %mul3A_140, %scan3A_71 : i32
      %add3A_142 = arith.constant 1 : i32
      %add3A_143 = arith.addi %mul3A_141, %add3A_142 : i32
      %dma_wait3A_144 = arith.constant 1 : i32
      %dma_wait3A_145 = arith.constant 1 : i32
      %dma_wait3A_146 = arith.constant 0 : i32
      %dma_wait3A_147 = tpu.memref_slice %arg4[%dma_wait3A_144, %dma_wait3A_146] : memref<2x128xi32, #tpu.memory_space<vmem>> -> memref<1x128xi32, #tpu.memory_space<vmem>>
      %dma_wait3A_148 = tpu.memref_squeeze %dma_wait3A_147 : memref<1x128xi32, #tpu.memory_space<vmem>> -> memref<128xi32, #tpu.memory_space<vmem>>
      %dma_wait3A_149 = arith.constant 0 : i32
      %dma_wait3A_150 = tpu.memref_slice %arg2[%dma_wait3A_149] : memref<328704xi32, #tpu.memory_space<hbm>> -> memref<128xi32, #tpu.memory_space<hbm>>
      %dma_wait3A_151 = tpu.memref_slice %arg6[%dma_wait3A_145] : memref<2x!tpu.dma_semaphore, #tpu.memory_space<semaphore_mem>> -> memref<1x!tpu.dma_semaphore, #tpu.memory_space<semaphore_mem>>
      %dma_wait3A_152 = tpu.memref_squeeze %dma_wait3A_151 : memref<1x!tpu.dma_semaphore, #tpu.memory_space<semaphore_mem>> -> memref<!tpu.dma_semaphore, #tpu.memory_space<semaphore_mem>>
      %dma_wait3A_153 = arith.constant 0 : i32
      %dma_wait3A_154 = tpu.memref_slice %arg4[%dma_wait3A_144, %dma_wait3A_153] : memref<2x128xi32, #tpu.memory_space<vmem>> -> memref<1x128xi32, #tpu.memory_space<vmem>>
      %dma_wait3A_155 = tpu.memref_squeeze %dma_wait3A_154 : memref<1x128xi32, #tpu.memory_space<vmem>> -> memref<128xi32, #tpu.memory_space<vmem>>
      %dma_wait3A_156 = arith.constant 0 : i32
      %dma_wait3A_157 = tpu.memref_slice %arg2[%dma_wait3A_156] : memref<328704xi32, #tpu.memory_space<hbm>> -> memref<128xi32, #tpu.memory_space<hbm>>
      tpu.wait_dma2 semaphore(%dma_wait3A_152 : memref<!tpu.dma_semaphore, #tpu.memory_space<semaphore_mem>>) src(%dma_wait3A_157 : memref<128xi32, #tpu.memory_space<hbm>>) dst(%dma_wait3A_155 : memref<128xi32, #tpu.memory_space<vmem>>)
      %get3A_158 = arith.constant 1 : i32
      %get3A_159 = arith.index_cast %get3A_158 : i32 to index
      %get3A_160 = arith.constant 0 : index
      %get3A_161 = tpu.vector_load %arg4[%get3A_159, %get3A_160] {strides = array<i32>} : memref<2x128xi32, #tpu.memory_space<vmem>>, vector<16xi32>,
      tpu.vector_store_idx %arg5[%get3A_161], %broadcast_in_dim3A_1 {add = true} : memref<10240xf32, #tpu.memory_space<vmem>>[vector<16xi32>], vector<16xf32>,
      %get3A_162 = arith.constant 1 : i32
      %get3A_163 = arith.index_cast %get3A_162 : i32 to index
      %get3A_164 = arith.constant 16 : index
      %get3A_165 = tpu.vector_load %arg4[%get3A_163, %get3A_164] {strides = array<i32>} : memref<2x128xi32, #tpu.memory_space<vmem>>, vector<16xi32>,
      tpu.vector_store_idx %arg5[%get3A_165], %broadcast_in_dim3A_1 {add = true} : memref<10240xf32, #tpu.memory_space<vmem>>[vector<16xi32>], vector<16xf32>,
      %get3A_166 = arith.constant 1 : i32
      %get3A_167 = arith.index_cast %get3A_166 : i32 to index
      %get3A_168 = arith.constant 32 : index
      %get3A_169 = tpu.vector_load %arg4[%get3A_167, %get3A_168] {strides = array<i32>} : memref<2x128xi32, #tpu.memory_space<vmem>>, vector<16xi32>,
      tpu.vector_store_idx %arg5[%get3A_169], %broadcast_in_dim3A_1 {add = true} : memref<10240xf32, #tpu.memory_space<vmem>>[vector<16xi32>], vector<16xf32>,
      %get3A_170 = arith.constant 1 : i32
      %get3A_171 = arith.index_cast %get3A_170 : i32 to index
      %get3A_172 = arith.constant 48 : index
      %get3A_173 = tpu.vector_load %arg4[%get3A_171, %get3A_172] {strides = array<i32>} : memref<2x128xi32, #tpu.memory_space<vmem>>, vector<16xi32>,
      tpu.vector_store_idx %arg5[%get3A_173], %broadcast_in_dim3A_1 {add = true} : memref<10240xf32, #tpu.memory_space<vmem>>[vector<16xi32>], vector<16xf32>,
      %get3A_174 = arith.constant 1 : i32
      %get3A_175 = arith.index_cast %get3A_174 : i32 to index
      %get3A_176 = arith.constant 64 : index
      %get3A_177 = tpu.vector_load %arg4[%get3A_175, %get3A_176] {strides = array<i32>} : memref<2x128xi32, #tpu.memory_space<vmem>>, vector<16xi32>,
      tpu.vector_store_idx %arg5[%get3A_177], %broadcast_in_dim3A_1 {add = true} : memref<10240xf32, #tpu.memory_space<vmem>>[vector<16xi32>], vector<16xf32>,
      %get3A_178 = arith.constant 1 : i32
      %get3A_179 = arith.index_cast %get3A_178 : i32 to index
      %get3A_180 = arith.constant 80 : index
      %get3A_181 = tpu.vector_load %arg4[%get3A_179, %get3A_180] {strides = array<i32>} : memref<2x128xi32, #tpu.memory_space<vmem>>, vector<16xi32>,
      tpu.vector_store_idx %arg5[%get3A_181], %broadcast_in_dim3A_1 {add = true} : memref<10240xf32, #tpu.memory_space<vmem>>[vector<16xi32>], vector<16xf32>,
      %get3A_182 = arith.constant 1 : i32
      %get3A_183 = arith.index_cast %get3A_182 : i32 to index
      %get3A_184 = arith.constant 96 : index
      %get3A_185 = tpu.vector_load %arg4[%get3A_183, %get3A_184] {strides = array<i32>} : memref<2x128xi32, #tpu.memory_space<vmem>>, vector<16xi32>,
      tpu.vector_store_idx %arg5[%get3A_185], %broadcast_in_dim3A_1 {add = true} : memref<10240xf32, #tpu.memory_space<vmem>>[vector<16xi32>], vector<16xf32>,
      %get3A_186 = arith.constant 1 : i32
      %get3A_187 = arith.index_cast %get3A_186 : i32 to index
      %get3A_188 = arith.constant 112 : index
      %get3A_189 = tpu.vector_load %arg4[%get3A_187, %get3A_188] {strides = array<i32>} : memref<2x128xi32, #tpu.memory_space<vmem>>, vector<16xi32>,
      tpu.vector_store_idx %arg5[%get3A_189], %broadcast_in_dim3A_1 {add = true} : memref<10240xf32, #tpu.memory_space<vmem>>[vector<16xi32>], vector<16xf32>,
      %add3A_190 = arith.constant 2 : i32
      %add3A_191 = arith.addi %add3A_143, %add3A_190 : i32
      %mul3A_192 = arith.constant 10240 : i32
      %mul3A_193 = arith.muli %add3A, %mul3A_192 : i32
      %mul3A_194 = arith.constant 128 : i32
      %mul3A_195 = arith.muli %add3A_191, %mul3A_194 : i32
      %add3A_196 = arith.addi %mul3A_193, %mul3A_195 : i32
      %dma_start3A_197 = arith.constant 1 : i32
      %dma_start3A_198 = arith.constant 1 : i32
      %dma_start3A_199 = arith.constant 0 : i32
      %dma_start3A_200 = tpu.memref_slice %arg4[%dma_start3A_197, %dma_start3A_199] : memref<2x128xi32, #tpu.memory_space<vmem>> -> memref<1x128xi32, #tpu.memory_space<vmem>>
      %dma_start3A_201 = tpu.memref_squeeze %dma_start3A_200 : memref<1x128xi32, #tpu.memory_space<vmem>> -> memref<128xi32, #tpu.memory_space<vmem>>
      %dma_start3A_202 = tpu.memref_slice %arg2[%add3A_196] : memref<328704xi32, #tpu.memory_space<hbm>> -> memref<128xi32, #tpu.memory_space<hbm>>
      %dma_start3A_203 = tpu.memref_slice %arg6[%dma_start3A_198] : memref<2x!tpu.dma_semaphore, #tpu.memory_space<semaphore_mem>> -> memref<1x!tpu.dma_semaphore, #tpu.memory_space<semaphore_mem>>
      %dma_start3A_204 = tpu.memref_squeeze %dma_start3A_203 : memref<1x!tpu.dma_semaphore, #tpu.memory_space<semaphore_mem>> -> memref<!tpu.dma_semaphore, #tpu.memory_space<semaphore_mem>>
      %dma_start3A_205 = arith.constant 0 : i32
      %dma_start3A_206 = tpu.memref_slice %arg4[%dma_start3A_197, %dma_start3A_205] : memref<2x128xi32, #tpu.memory_space<vmem>> -> memref<1x128xi32, #tpu.memory_space<vmem>>
      %dma_start3A_207 = tpu.memref_squeeze %dma_start3A_206 : memref<1x128xi32, #tpu.memory_space<vmem>> -> memref<128xi32, #tpu.memory_space<vmem>>
      %dma_start3A_208 = tpu.memref_slice %arg2[%add3A_196] : memref<328704xi32, #tpu.memory_space<hbm>> -> memref<128xi32, #tpu.memory_space<hbm>>
      tpu.enqueue_dma source(%dma_start3A_208 : memref<128xi32, #tpu.memory_space<hbm>>) target(%dma_start3A_207 : memref<128xi32, #tpu.memory_space<vmem>>) target_semaphore(%dma_start3A_204 : memref<!tpu.dma_semaphore, #tpu.memory_space<semaphore_mem>>)
    }
    %scan3A_43 = arith.constant 40 : i32
    %dma_wait3A = arith.constant 0 : i32
    %dma_wait3A_44 = arith.constant 0 : i32
    %dma_wait3A_45 = arith.constant 0 : i32
    %dma_wait3A_46 = tpu.memref_slice %arg4[%dma_wait3A, %dma_wait3A_45] : memref<2x128xi32, #tpu.memory_space<vmem>> -> memref<1x128xi32, #tpu.memory_space<vmem>>
    %dma_wait3A_47 = tpu.memref_squeeze %dma_wait3A_46 : memref<1x128xi32, #tpu.memory_space<vmem>> -> memref<128xi32, #tpu.memory_space<vmem>>
    %dma_wait3A_48 = arith.constant 0 : i32
    %dma_wait3A_49 = tpu.memref_slice %arg2[%dma_wait3A_48] : memref<328704xi32, #tpu.memory_space<hbm>> -> memref<128xi32, #tpu.memory_space<hbm>>
    %dma_wait3A_50 = tpu.memref_slice %arg6[%dma_wait3A_44] : memref<2x!tpu.dma_semaphore, #tpu.memory_space<semaphore_mem>> -> memref<1x!tpu.dma_semaphore, #tpu.memory_space<semaphore_mem>>
    %dma_wait3A_51 = tpu.memref_squeeze %dma_wait3A_50 : memref<1x!tpu.dma_semaphore, #tpu.memory_space<semaphore_mem>> -> memref<!tpu.dma_semaphore, #tpu.memory_space<semaphore_mem>>
    %dma_wait3A_52 = arith.constant 0 : i32
    %dma_wait3A_53 = tpu.memref_slice %arg4[%dma_wait3A, %dma_wait3A_52] : memref<2x128xi32, #tpu.memory_space<vmem>> -> memref<1x128xi32, #tpu.memory_space<vmem>>
    %dma_wait3A_54 = tpu.memref_squeeze %dma_wait3A_53 : memref<1x128xi32, #tpu.memory_space<vmem>> -> memref<128xi32, #tpu.memory_space<vmem>>
    %dma_wait3A_55 = arith.constant 0 : i32
    %dma_wait3A_56 = tpu.memref_slice %arg2[%dma_wait3A_55] : memref<328704xi32, #tpu.memory_space<hbm>> -> memref<128xi32, #tpu.memory_space<hbm>>
    tpu.wait_dma2 semaphore(%dma_wait3A_51 : memref<!tpu.dma_semaphore, #tpu.memory_space<semaphore_mem>>) src(%dma_wait3A_56 : memref<128xi32, #tpu.memory_space<hbm>>) dst(%dma_wait3A_54 : memref<128xi32, #tpu.memory_space<vmem>>)
    %dma_wait3A_57 = arith.constant 1 : i32
    %dma_wait3A_58 = arith.constant 1 : i32
    %dma_wait3A_59 = arith.constant 0 : i32
    %dma_wait3A_60 = tpu.memref_slice %arg4[%dma_wait3A_57, %dma_wait3A_59] : memref<2x128xi32, #tpu.memory_space<vmem>> -> memref<1x128xi32, #tpu.memory_space<vmem>>
    %dma_wait3A_61 = tpu.memref_squeeze %dma_wait3A_60 : memref<1x128xi32, #tpu.memory_space<vmem>> -> memref<128xi32, #tpu.memory_space<vmem>>
    %dma_wait3A_62 = arith.constant 0 : i32
    %dma_wait3A_63 = tpu.memref_slice %arg2[%dma_wait3A_62] : memref<328704xi32, #tpu.memory_space<hbm>> -> memref<128xi32, #tpu.memory_space<hbm>>
    %dma_wait3A_64 = tpu.memref_slice %arg6[%dma_wait3A_58] : memref<2x!tpu.dma_semaphore, #tpu.memory_space<semaphore_mem>> -> memref<1x!tpu.dma_semaphore, #tpu.memory_space<semaphore_mem>>
    %dma_wait3A_65 = tpu.memref_squeeze %dma_wait3A_64 : memref<1x!tpu.dma_semaphore, #tpu.memory_space<semaphore_mem>> -> memref<!tpu.dma_semaphore, #tpu.memory_space<semaphore_mem>>
    %dma_wait3A_66 = arith.constant 0 : i32
    %dma_wait3A_67 = tpu.memref_slice %arg4[%dma_wait3A_57, %dma_wait3A_66] : memref<2x128xi32, #tpu.memory_space<vmem>> -> memref<1x128xi32, #tpu.memory_space<vmem>>
    %dma_wait3A_68 = tpu.memref_squeeze %dma_wait3A_67 : memref<1x128xi32, #tpu.memory_space<vmem>> -> memref<128xi32, #tpu.memory_space<vmem>>
    %dma_wait3A_69 = arith.constant 0 : i32
    %dma_wait3A_70 = tpu.memref_slice %arg2[%dma_wait3A_69] : memref<328704xi32, #tpu.memory_space<hbm>> -> memref<128xi32, #tpu.memory_space<hbm>>
    tpu.wait_dma2 semaphore(%dma_wait3A_65 : memref<!tpu.dma_semaphore, #tpu.memory_space<semaphore_mem>>) src(%dma_wait3A_70 : memref<128xi32, #tpu.memory_space<hbm>>) dst(%dma_wait3A_68 : memref<128xi32, #tpu.memory_space<vmem>>)
    "tpu.region"() ({
      %run_scoped3A = tpu.sem_alloc : memref<!tpu.dma_semaphore, #tpu.memory_space<semaphore_mem>>
      %dma_start3A_71 = arith.constant 0 : i32
      %dma_start3A_72 = tpu.memref_slice %arg3[%arg0, %arg1, %dma_start3A_71] : memref<2x16x10240xf32, #tpu.memory_space<hbm>> -> memref<1x1x10240xf32, #tpu.memory_space<hbm>>
      %dma_start3A_73 = tpu.memref_squeeze %dma_start3A_72 : memref<1x1x10240xf32, #tpu.memory_space<hbm>> -> memref<10240xf32, #tpu.memory_space<hbm>>
      %dma_start3A_74 = arith.constant 0 : i32
      %dma_start3A_75 = tpu.memref_slice %arg3[%arg0, %arg1, %dma_start3A_74] : memref<2x16x10240xf32, #tpu.memory_space<hbm>> -> memref<1x1x10240xf32, #tpu.memory_space<hbm>>
      %dma_start3A_76 = tpu.memref_squeeze %dma_start3A_75 : memref<1x1x10240xf32, #tpu.memory_space<hbm>> -> memref<10240xf32, #tpu.memory_space<hbm>>
      tpu.enqueue_dma source(%arg5 : memref<10240xf32, #tpu.memory_space<vmem>>) target(%dma_start3A_76 : memref<10240xf32, #tpu.memory_space<hbm>>) target_semaphore(%run_scoped3A : memref<!tpu.dma_semaphore, #tpu.memory_space<semaphore_mem>>)
      %dma_wait3A_77 = arith.constant 0 : i32
      %dma_wait3A_78 = tpu.memref_slice %arg3[%arg0, %arg1, %dma_wait3A_77] : memref<2x16x10240xf32, #tpu.memory_space<hbm>> -> memref<1x1x10240xf32, #tpu.memory_space<hbm>>
      %dma_wait3A_79 = tpu.memref_squeeze %dma_wait3A_78 : memref<1x1x10240xf32, #tpu.memory_space<hbm>> -> memref<10240xf32, #tpu.memory_space<hbm>>
      %dma_wait3A_80 = arith.constant 0 : i32
      %dma_wait3A_81 = tpu.memref_slice %arg3[%arg0, %arg1, %dma_wait3A_80] : memref<2x16x10240xf32, #tpu.memory_space<hbm>> -> memref<1x1x10240xf32, #tpu.memory_space<hbm>>
      %dma_wait3A_82 = tpu.memref_squeeze %dma_wait3A_81 : memref<1x1x10240xf32, #tpu.memory_space<hbm>> -> memref<10240xf32, #tpu.memory_space<hbm>>
      tpu.wait_dma2 semaphore(%run_scoped3A : memref<!tpu.dma_semaphore, #tpu.memory_space<semaphore_mem>>) src(%arg5 : memref<10240xf32, #tpu.memory_space<vmem>>) dst(%dma_wait3A_82 : memref<10240xf32, #tpu.memory_space<hbm>>)
      tpu.yield
    }) : () -> ()
    return
  }
}

#map = affine_map<(d0, d1) -> (0)>
#map1 = affine_map<(d0, d1) -> (0, 0)>
#map2 = affine_map<(d0, d1) -> (0, 0, 0)>
module attributes {stable_mosaic.version = 14 : i64} {
  func.func @_agg_body(%arg0: i32, %arg1: i32, %arg2: memref<328704xi32, #tpu.memory_space<hbm>>, %arg3: memref<328704xi32, #tpu.memory_space<hbm>>, %arg4: memref<10000x128xi16, #tpu.memory_space<hbm>>, %arg5: memref<640x128xi16, #tpu.memory_space<hbm>>, %arg6: memref<2x10240x128xi16, #tpu.memory_space<hbm>>, %arg7: memref<8x128xi32, #tpu.memory_space<vmem>>, %arg8: memref<8x128xi32, #tpu.memory_space<vmem>>, %arg9: memref<8x128x128xi16, #tpu.memory_space<vmem>>, %arg10: memref<10240x128xi16, #tpu.memory_space<vmem_shared>>, %arg11: memref<8x!tpu.dma_semaphore, #tpu.memory_space<semaphore_mem>>, %arg12: memref<8x!tpu.dma_semaphore, #tpu.memory_space<semaphore_mem>>) attributes {dimension_semantics = [#tpu.dimension_semantics<core_parallel>, #tpu.dimension_semantics<subcore_parallel>], iteration_bounds = array<i64: 2, 16>, scalar_prefetch = 0 : i64, scratch_operands = 6 : i64, tpu.core_type = #tpu.core_type<sc_vector_subcore>, window_params = [{transform_indices = #map}, {transform_indices = #map}, {transform_indices = #map1}, {transform_indices = #map1}, {transform_indices = #map2}]} {
    %mul3A = arith.constant 2 : i32
    %mul3A_0 = arith.muli %arg1, %mul3A : i32
    %add3A = arith.addi %mul3A_0, %arg0 : i32
    %mul3A_1 = arith.constant 640 : i32
    %mul3A_2 = arith.muli %arg1, %mul3A_1 : i32
    "tpu.region"() ({
      %run_scoped3A_298 = tpu.sem_alloc : memref<!tpu.dma_semaphore, #tpu.memory_space<semaphore_mem>>
      %dma_start3A_299 = arith.constant 0 : i32
      %dma_start3A_300 = tpu.memref_slice %arg10[%mul3A_2, %dma_start3A_299] : memref<10240x128xi16, #tpu.memory_space<vmem_shared>> -> memref<640x128xi16, #tpu.memory_space<vmem_shared>>
      tpu.enqueue_dma source(%arg5 : memref<640x128xi16, #tpu.memory_space<hbm>>) target(%dma_start3A_300 : memref<640x128xi16, #tpu.memory_space<vmem_shared>>) target_semaphore(%run_scoped3A_298 : memref<!tpu.dma_semaphore, #tpu.memory_space<semaphore_mem>>)
      %dma_wait3A_301 = arith.constant 0 : i32
      %dma_wait3A_302 = tpu.memref_slice %arg10[%mul3A_2, %dma_wait3A_301] : memref<10240x128xi16, #tpu.memory_space<vmem_shared>> -> memref<640x128xi16, #tpu.memory_space<vmem_shared>>
      tpu.wait_dma2 semaphore(%run_scoped3A_298 : memref<!tpu.dma_semaphore, #tpu.memory_space<semaphore_mem>>) src(%arg5 : memref<640x128xi16, #tpu.memory_space<hbm>>) dst(%dma_wait3A_302 : memref<640x128xi16, #tpu.memory_space<vmem_shared>>)
      tpu.yield
    }) : () -> ()
    %barrier3A = arith.constant 0 : index
    tpu.barrier barrier_id(%barrier3A)
    %mul3A_3 = arith.constant 10240 : i32
    %mul3A_4 = arith.muli %add3A, %mul3A_3 : i32
    %add3A_5 = arith.constant 0 : i32
    %add3A_6 = arith.addi %mul3A_4, %add3A_5 : i32
    %run_scoped3A = arith.constant 0 : i32
    "tpu.region"() ({
      %run_scoped3A_298 = tpu.sem_alloc : memref<!tpu.dma_semaphore, #tpu.memory_space<semaphore_mem>>
      %dma_start3A_299 = arith.constant 0 : i32
      %dma_start3A_300 = tpu.memref_slice %arg7[%run_scoped3A, %dma_start3A_299] : memref<8x128xi32, #tpu.memory_space<vmem>> -> memref<1x128xi32, #tpu.memory_space<vmem>>
      %dma_start3A_301 = tpu.memref_squeeze %dma_start3A_300 : memref<1x128xi32, #tpu.memory_space<vmem>> -> memref<128xi32, #tpu.memory_space<vmem>>
      %dma_start3A_302 = tpu.memref_slice %arg2[%add3A_6] : memref<328704xi32, #tpu.memory_space<hbm>> -> memref<128xi32, #tpu.memory_space<hbm>>
      %dma_start3A_303 = arith.constant 0 : i32
      %dma_start3A_304 = tpu.memref_slice %arg7[%run_scoped3A, %dma_start3A_303] : memref<8x128xi32, #tpu.memory_space<vmem>> -> memref<1x128xi32, #tpu.memory_space<vmem>>
      %dma_start3A_305 = tpu.memref_squeeze %dma_start3A_304 : memref<1x128xi32, #tpu.memory_space<vmem>> -> memref<128xi32, #tpu.memory_space<vmem>>
      %dma_start3A_306 = tpu.memref_slice %arg2[%add3A_6] : memref<328704xi32, #tpu.memory_space<hbm>> -> memref<128xi32, #tpu.memory_space<hbm>>
      tpu.enqueue_dma source(%dma_start3A_306 : memref<128xi32, #tpu.memory_space<hbm>>) target(%dma_start3A_305 : memref<128xi32, #tpu.memory_space<vmem>>) target_semaphore(%run_scoped3A_298 : memref<!tpu.dma_semaphore, #tpu.memory_space<semaphore_mem>>)
      %dma_wait3A_307 = arith.constant 0 : i32
      %dma_wait3A_308 = tpu.memref_slice %arg7[%run_scoped3A, %dma_wait3A_307] : memref<8x128xi32, #tpu.memory_space<vmem>> -> memref<1x128xi32, #tpu.memory_space<vmem>>
      %dma_wait3A_309 = tpu.memref_squeeze %dma_wait3A_308 : memref<1x128xi32, #tpu.memory_space<vmem>> -> memref<128xi32, #tpu.memory_space<vmem>>
      %dma_wait3A_310 = tpu.memref_slice %arg2[%add3A_6] : memref<328704xi32, #tpu.memory_space<hbm>> -> memref<128xi32, #tpu.memory_space<hbm>>
      %dma_wait3A_311 = arith.constant 0 : i32
      %dma_wait3A_312 = tpu.memref_slice %arg7[%run_scoped3A, %dma_wait3A_311] : memref<8x128xi32, #tpu.memory_space<vmem>> -> memref<1x128xi32, #tpu.memory_space<vmem>>
      %dma_wait3A_313 = tpu.memref_squeeze %dma_wait3A_312 : memref<1x128xi32, #tpu.memory_space<vmem>> -> memref<128xi32, #tpu.memory_space<vmem>>
      %dma_wait3A_314 = tpu.memref_slice %arg2[%add3A_6] : memref<328704xi32, #tpu.memory_space<hbm>> -> memref<128xi32, #tpu.memory_space<hbm>>
      tpu.wait_dma2 semaphore(%run_scoped3A_298 : memref<!tpu.dma_semaphore, #tpu.memory_space<semaphore_mem>>) src(%dma_wait3A_314 : memref<128xi32, #tpu.memory_space<hbm>>) dst(%dma_wait3A_313 : memref<128xi32, #tpu.memory_space<vmem>>)
      tpu.yield
    }) : () -> ()
    %run_scoped3A_7 = arith.constant 0 : i32
    "tpu.region"() ({
      %run_scoped3A_298 = tpu.sem_alloc : memref<!tpu.dma_semaphore, #tpu.memory_space<semaphore_mem>>
      %dma_start3A_299 = arith.constant 0 : i32
      %dma_start3A_300 = tpu.memref_slice %arg8[%run_scoped3A_7, %dma_start3A_299] : memref<8x128xi32, #tpu.memory_space<vmem>> -> memref<1x128xi32, #tpu.memory_space<vmem>>
      %dma_start3A_301 = tpu.memref_squeeze %dma_start3A_300 : memref<1x128xi32, #tpu.memory_space<vmem>> -> memref<128xi32, #tpu.memory_space<vmem>>
      %dma_start3A_302 = tpu.memref_slice %arg3[%add3A_6] : memref<328704xi32, #tpu.memory_space<hbm>> -> memref<128xi32, #tpu.memory_space<hbm>>
      %dma_start3A_303 = arith.constant 0 : i32
      %dma_start3A_304 = tpu.memref_slice %arg8[%run_scoped3A_7, %dma_start3A_303] : memref<8x128xi32, #tpu.memory_space<vmem>> -> memref<1x128xi32, #tpu.memory_space<vmem>>
      %dma_start3A_305 = tpu.memref_squeeze %dma_start3A_304 : memref<1x128xi32, #tpu.memory_space<vmem>> -> memref<128xi32, #tpu.memory_space<vmem>>
      %dma_start3A_306 = tpu.memref_slice %arg3[%add3A_6] : memref<328704xi32, #tpu.memory_space<hbm>> -> memref<128xi32, #tpu.memory_space<hbm>>
      tpu.enqueue_dma source(%dma_start3A_306 : memref<128xi32, #tpu.memory_space<hbm>>) target(%dma_start3A_305 : memref<128xi32, #tpu.memory_space<vmem>>) target_semaphore(%run_scoped3A_298 : memref<!tpu.dma_semaphore, #tpu.memory_space<semaphore_mem>>)
      %dma_wait3A_307 = arith.constant 0 : i32
      %dma_wait3A_308 = tpu.memref_slice %arg8[%run_scoped3A_7, %dma_wait3A_307] : memref<8x128xi32, #tpu.memory_space<vmem>> -> memref<1x128xi32, #tpu.memory_space<vmem>>
      %dma_wait3A_309 = tpu.memref_squeeze %dma_wait3A_308 : memref<1x128xi32, #tpu.memory_space<vmem>> -> memref<128xi32, #tpu.memory_space<vmem>>
      %dma_wait3A_310 = tpu.memref_slice %arg3[%add3A_6] : memref<328704xi32, #tpu.memory_space<hbm>> -> memref<128xi32, #tpu.memory_space<hbm>>
      %dma_wait3A_311 = arith.constant 0 : i32
      %dma_wait3A_312 = tpu.memref_slice %arg8[%run_scoped3A_7, %dma_wait3A_311] : memref<8x128xi32, #tpu.memory_space<vmem>> -> memref<1x128xi32, #tpu.memory_space<vmem>>
      %dma_wait3A_313 = tpu.memref_squeeze %dma_wait3A_312 : memref<1x128xi32, #tpu.memory_space<vmem>> -> memref<128xi32, #tpu.memory_space<vmem>>
      %dma_wait3A_314 = tpu.memref_slice %arg3[%add3A_6] : memref<328704xi32, #tpu.memory_space<hbm>> -> memref<128xi32, #tpu.memory_space<hbm>>
      tpu.wait_dma2 semaphore(%run_scoped3A_298 : memref<!tpu.dma_semaphore, #tpu.memory_space<semaphore_mem>>) src(%dma_wait3A_314 : memref<128xi32, #tpu.memory_space<hbm>>) dst(%dma_wait3A_313 : memref<128xi32, #tpu.memory_space<vmem>>)
      tpu.yield
    }) : () -> ()
    %dma_start3A = arith.constant 0 : i32
    %dma_start3A_8 = arith.constant 0 : i32
    %dma_start3A_9 = arith.constant 0 : i32
    %dma_start3A_10 = arith.constant 0 : i32
    %dma_start3A_11 = arith.constant 0 : i32
    %dma_start3A_12 = tpu.memref_slice %arg9[%dma_start3A_8, %dma_start3A_10, %dma_start3A_11] : memref<8x128x128xi16, #tpu.memory_space<vmem>> -> memref<1x128x128xi16, #tpu.memory_space<vmem>>
    %dma_start3A_13 = tpu.memref_squeeze %dma_start3A_12 : memref<1x128x128xi16, #tpu.memory_space<vmem>> -> memref<128x128xi16, #tpu.memory_space<vmem>>
    %dma_start3A_14 = arith.constant 0 : i32
    %dma_start3A_15 = tpu.memref_slice %arg7[%dma_start3A, %dma_start3A_14] : memref<8x128xi32, #tpu.memory_space<vmem>> -> memref<1x128xi32, #tpu.memory_space<vmem>>
    %dma_start3A_16 = tpu.memref_squeeze %dma_start3A_15 : memref<1x128xi32, #tpu.memory_space<vmem>> -> memref<128xi32, #tpu.memory_space<vmem>>
    %dma_start3A_17 = arith.constant 0 : i32
    %dma_start3A_18 = arith.constant 0 : i32
    %dma_start3A_19 = tpu.memref_slice %arg4[%dma_start3A_17, %dma_start3A_18] : memref<10000x128xi16, #tpu.memory_space<hbm>> -> memref<10000x128xi16, #tpu.memory_space<hbm>>
    %dma_start3A_20 = tpu.memref_slice %arg11[%dma_start3A_9] : memref<8x!tpu.dma_semaphore, #tpu.memory_space<semaphore_mem>> -> memref<1x!tpu.dma_semaphore, #tpu.memory_space<semaphore_mem>>
    %dma_start3A_21 = tpu.memref_squeeze %dma_start3A_20 : memref<1x!tpu.dma_semaphore, #tpu.memory_space<semaphore_mem>> -> memref<!tpu.dma_semaphore, #tpu.memory_space<semaphore_mem>>
    tpu.enqueue_indirect_dma source(%dma_start3A_19 : memref<10000x128xi16, #tpu.memory_space<hbm>>) target(%dma_start3A_13 : memref<128x128xi16, #tpu.memory_space<vmem>>) offsets(%dma_start3A_16 : memref<128xi32, #tpu.memory_space<vmem>>) semaphore(%dma_start3A_21 : memref<!tpu.dma_semaphore, #tpu.memory_space<semaphore_mem>>)
    %mul3A_22 = arith.constant 10240 : i32
    %mul3A_23 = arith.muli %add3A, %mul3A_22 : i32
    %add3A_24 = arith.constant 128 : i32
    %add3A_25 = arith.addi %mul3A_23, %add3A_24 : i32
    %run_scoped3A_26 = arith.constant 1 : i32
    "tpu.region"() ({
      %run_scoped3A_298 = tpu.sem_alloc : memref<!tpu.dma_semaphore, #tpu.memory_space<semaphore_mem>>
      %dma_start3A_299 = arith.constant 0 : i32
      %dma_start3A_300 = tpu.memref_slice %arg7[%run_scoped3A_26, %dma_start3A_299] : memref<8x128xi32, #tpu.memory_space<vmem>> -> memref<1x128xi32, #tpu.memory_space<vmem>>
      %dma_start3A_301 = tpu.memref_squeeze %dma_start3A_300 : memref<1x128xi32, #tpu.memory_space<vmem>> -> memref<128xi32, #tpu.memory_space<vmem>>
      %dma_start3A_302 = tpu.memref_slice %arg2[%add3A_25] : memref<328704xi32, #tpu.memory_space<hbm>> -> memref<128xi32, #tpu.memory_space<hbm>>
      %dma_start3A_303 = arith.constant 0 : i32
      %dma_start3A_304 = tpu.memref_slice %arg7[%run_scoped3A_26, %dma_start3A_303] : memref<8x128xi32, #tpu.memory_space<vmem>> -> memref<1x128xi32, #tpu.memory_space<vmem>>
      %dma_start3A_305 = tpu.memref_squeeze %dma_start3A_304 : memref<1x128xi32, #tpu.memory_space<vmem>> -> memref<128xi32, #tpu.memory_space<vmem>>
      %dma_start3A_306 = tpu.memref_slice %arg2[%add3A_25] : memref<328704xi32, #tpu.memory_space<hbm>> -> memref<128xi32, #tpu.memory_space<hbm>>
      tpu.enqueue_dma source(%dma_start3A_306 : memref<128xi32, #tpu.memory_space<hbm>>) target(%dma_start3A_305 : memref<128xi32, #tpu.memory_space<vmem>>) target_semaphore(%run_scoped3A_298 : memref<!tpu.dma_semaphore, #tpu.memory_space<semaphore_mem>>)
      %dma_wait3A_307 = arith.constant 0 : i32
      %dma_wait3A_308 = tpu.memref_slice %arg7[%run_scoped3A_26, %dma_wait3A_307] : memref<8x128xi32, #tpu.memory_space<vmem>> -> memref<1x128xi32, #tpu.memory_space<vmem>>
      %dma_wait3A_309 = tpu.memref_squeeze %dma_wait3A_308 : memref<1x128xi32, #tpu.memory_space<vmem>> -> memref<128xi32, #tpu.memory_space<vmem>>
      %dma_wait3A_310 = tpu.memref_slice %arg2[%add3A_25] : memref<328704xi32, #tpu.memory_space<hbm>> -> memref<128xi32, #tpu.memory_space<hbm>>
      %dma_wait3A_311 = arith.constant 0 : i32
      %dma_wait3A_312 = tpu.memref_slice %arg7[%run_scoped3A_26, %dma_wait3A_311] : memref<8x128xi32, #tpu.memory_space<vmem>> -> memref<1x128xi32, #tpu.memory_space<vmem>>
      %dma_wait3A_313 = tpu.memref_squeeze %dma_wait3A_312 : memref<1x128xi32, #tpu.memory_space<vmem>> -> memref<128xi32, #tpu.memory_space<vmem>>
      %dma_wait3A_314 = tpu.memref_slice %arg2[%add3A_25] : memref<328704xi32, #tpu.memory_space<hbm>> -> memref<128xi32, #tpu.memory_space<hbm>>
      tpu.wait_dma2 semaphore(%run_scoped3A_298 : memref<!tpu.dma_semaphore, #tpu.memory_space<semaphore_mem>>) src(%dma_wait3A_314 : memref<128xi32, #tpu.memory_space<hbm>>) dst(%dma_wait3A_313 : memref<128xi32, #tpu.memory_space<vmem>>)
      tpu.yield
    }) : () -> ()
    %run_scoped3A_27 = arith.constant 1 : i32
    "tpu.region"() ({
      %run_scoped3A_298 = tpu.sem_alloc : memref<!tpu.dma_semaphore, #tpu.memory_space<semaphore_mem>>
      %dma_start3A_299 = arith.constant 0 : i32
      %dma_start3A_300 = tpu.memref_slice %arg8[%run_scoped3A_27, %dma_start3A_299] : memref<8x128xi32, #tpu.memory_space<vmem>> -> memref<1x128xi32, #tpu.memory_space<vmem>>
      %dma_start3A_301 = tpu.memref_squeeze %dma_start3A_300 : memref<1x128xi32, #tpu.memory_space<vmem>> -> memref<128xi32, #tpu.memory_space<vmem>>
      %dma_start3A_302 = tpu.memref_slice %arg3[%add3A_25] : memref<328704xi32, #tpu.memory_space<hbm>> -> memref<128xi32, #tpu.memory_space<hbm>>
      %dma_start3A_303 = arith.constant 0 : i32
      %dma_start3A_304 = tpu.memref_slice %arg8[%run_scoped3A_27, %dma_start3A_303] : memref<8x128xi32, #tpu.memory_space<vmem>> -> memref<1x128xi32, #tpu.memory_space<vmem>>
      %dma_start3A_305 = tpu.memref_squeeze %dma_start3A_304 : memref<1x128xi32, #tpu.memory_space<vmem>> -> memref<128xi32, #tpu.memory_space<vmem>>
      %dma_start3A_306 = tpu.memref_slice %arg3[%add3A_25] : memref<328704xi32, #tpu.memory_space<hbm>> -> memref<128xi32, #tpu.memory_space<hbm>>
      tpu.enqueue_dma source(%dma_start3A_306 : memref<128xi32, #tpu.memory_space<hbm>>) target(%dma_start3A_305 : memref<128xi32, #tpu.memory_space<vmem>>) target_semaphore(%run_scoped3A_298 : memref<!tpu.dma_semaphore, #tpu.memory_space<semaphore_mem>>)
      %dma_wait3A_307 = arith.constant 0 : i32
      %dma_wait3A_308 = tpu.memref_slice %arg8[%run_scoped3A_27, %dma_wait3A_307] : memref<8x128xi32, #tpu.memory_space<vmem>> -> memref<1x128xi32, #tpu.memory_space<vmem>>
      %dma_wait3A_309 = tpu.memref_squeeze %dma_wait3A_308 : memref<1x128xi32, #tpu.memory_space<vmem>> -> memref<128xi32, #tpu.memory_space<vmem>>
      %dma_wait3A_310 = tpu.memref_slice %arg3[%add3A_25] : memref<328704xi32, #tpu.memory_space<hbm>> -> memref<128xi32, #tpu.memory_space<hbm>>
      %dma_wait3A_311 = arith.constant 0 : i32
      %dma_wait3A_312 = tpu.memref_slice %arg8[%run_scoped3A_27, %dma_wait3A_311] : memref<8x128xi32, #tpu.memory_space<vmem>> -> memref<1x128xi32, #tpu.memory_space<vmem>>
      %dma_wait3A_313 = tpu.memref_squeeze %dma_wait3A_312 : memref<1x128xi32, #tpu.memory_space<vmem>> -> memref<128xi32, #tpu.memory_space<vmem>>
      %dma_wait3A_314 = tpu.memref_slice %arg3[%add3A_25] : memref<328704xi32, #tpu.memory_space<hbm>> -> memref<128xi32, #tpu.memory_space<hbm>>
      tpu.wait_dma2 semaphore(%run_scoped3A_298 : memref<!tpu.dma_semaphore, #tpu.memory_space<semaphore_mem>>) src(%dma_wait3A_314 : memref<128xi32, #tpu.memory_space<hbm>>) dst(%dma_wait3A_313 : memref<128xi32, #tpu.memory_space<vmem>>)
      tpu.yield
    }) : () -> ()
    %dma_start3A_28 = arith.constant 1 : i32
    %dma_start3A_29 = arith.constant 1 : i32
    %dma_start3A_30 = arith.constant 1 : i32
    %dma_start3A_31 = arith.constant 0 : i32
    %dma_start3A_32 = arith.constant 0 : i32
    %dma_start3A_33 = tpu.memref_slice %arg9[%dma_start3A_29, %dma_start3A_31, %dma_start3A_32] : memref<8x128x128xi16, #tpu.memory_space<vmem>> -> memref<1x128x128xi16, #tpu.memory_space<vmem>>
    %dma_start3A_34 = tpu.memref_squeeze %dma_start3A_33 : memref<1x128x128xi16, #tpu.memory_space<vmem>> -> memref<128x128xi16, #tpu.memory_space<vmem>>
    %dma_start3A_35 = arith.constant 0 : i32
    %dma_start3A_36 = tpu.memref_slice %arg7[%dma_start3A_28, %dma_start3A_35] : memref<8x128xi32, #tpu.memory_space<vmem>> -> memref<1x128xi32, #tpu.memory_space<vmem>>
    %dma_start3A_37 = tpu.memref_squeeze %dma_start3A_36 : memref<1x128xi32, #tpu.memory_space<vmem>> -> memref<128xi32, #tpu.memory_space<vmem>>
    %dma_start3A_38 = arith.constant 0 : i32
    %dma_start3A_39 = arith.constant 0 : i32
    %dma_start3A_40 = tpu.memref_slice %arg4[%dma_start3A_38, %dma_start3A_39] : memref<10000x128xi16, #tpu.memory_space<hbm>> -> memref<10000x128xi16, #tpu.memory_space<hbm>>
    %dma_start3A_41 = tpu.memref_slice %arg11[%dma_start3A_30] : memref<8x!tpu.dma_semaphore, #tpu.memory_space<semaphore_mem>> -> memref<1x!tpu.dma_semaphore, #tpu.memory_space<semaphore_mem>>
    %dma_start3A_42 = tpu.memref_squeeze %dma_start3A_41 : memref<1x!tpu.dma_semaphore, #tpu.memory_space<semaphore_mem>> -> memref<!tpu.dma_semaphore, #tpu.memory_space<semaphore_mem>>
    tpu.enqueue_indirect_dma source(%dma_start3A_40 : memref<10000x128xi16, #tpu.memory_space<hbm>>) target(%dma_start3A_34 : memref<128x128xi16, #tpu.memory_space<vmem>>) offsets(%dma_start3A_37 : memref<128xi32, #tpu.memory_space<vmem>>) semaphore(%dma_start3A_42 : memref<!tpu.dma_semaphore, #tpu.memory_space<semaphore_mem>>)
    %mul3A_43 = arith.constant 10240 : i32
    %mul3A_44 = arith.muli %add3A, %mul3A_43 : i32
    %add3A_45 = arith.constant 256 : i32
    %add3A_46 = arith.addi %mul3A_44, %add3A_45 : i32
    %run_scoped3A_47 = arith.constant 2 : i32
    "tpu.region"() ({
      %run_scoped3A_298 = tpu.sem_alloc : memref<!tpu.dma_semaphore, #tpu.memory_space<semaphore_mem>>
      %dma_start3A_299 = arith.constant 0 : i32
      %dma_start3A_300 = tpu.memref_slice %arg7[%run_scoped3A_47, %dma_start3A_299] : memref<8x128xi32, #tpu.memory_space<vmem>> -> memref<1x128xi32, #tpu.memory_space<vmem>>
      %dma_start3A_301 = tpu.memref_squeeze %dma_start3A_300 : memref<1x128xi32, #tpu.memory_space<vmem>> -> memref<128xi32, #tpu.memory_space<vmem>>
      %dma_start3A_302 = tpu.memref_slice %arg2[%add3A_46] : memref<328704xi32, #tpu.memory_space<hbm>> -> memref<128xi32, #tpu.memory_space<hbm>>
      %dma_start3A_303 = arith.constant 0 : i32
      %dma_start3A_304 = tpu.memref_slice %arg7[%run_scoped3A_47, %dma_start3A_303] : memref<8x128xi32, #tpu.memory_space<vmem>> -> memref<1x128xi32, #tpu.memory_space<vmem>>
      %dma_start3A_305 = tpu.memref_squeeze %dma_start3A_304 : memref<1x128xi32, #tpu.memory_space<vmem>> -> memref<128xi32, #tpu.memory_space<vmem>>
      %dma_start3A_306 = tpu.memref_slice %arg2[%add3A_46] : memref<328704xi32, #tpu.memory_space<hbm>> -> memref<128xi32, #tpu.memory_space<hbm>>
      tpu.enqueue_dma source(%dma_start3A_306 : memref<128xi32, #tpu.memory_space<hbm>>) target(%dma_start3A_305 : memref<128xi32, #tpu.memory_space<vmem>>) target_semaphore(%run_scoped3A_298 : memref<!tpu.dma_semaphore, #tpu.memory_space<semaphore_mem>>)
      %dma_wait3A_307 = arith.constant 0 : i32
      %dma_wait3A_308 = tpu.memref_slice %arg7[%run_scoped3A_47, %dma_wait3A_307] : memref<8x128xi32, #tpu.memory_space<vmem>> -> memref<1x128xi32, #tpu.memory_space<vmem>>
      %dma_wait3A_309 = tpu.memref_squeeze %dma_wait3A_308 : memref<1x128xi32, #tpu.memory_space<vmem>> -> memref<128xi32, #tpu.memory_space<vmem>>
      %dma_wait3A_310 = tpu.memref_slice %arg2[%add3A_46] : memref<328704xi32, #tpu.memory_space<hbm>> -> memref<128xi32, #tpu.memory_space<hbm>>
      %dma_wait3A_311 = arith.constant 0 : i32
      %dma_wait3A_312 = tpu.memref_slice %arg7[%run_scoped3A_47, %dma_wait3A_311] : memref<8x128xi32, #tpu.memory_space<vmem>> -> memref<1x128xi32, #tpu.memory_space<vmem>>
      %dma_wait3A_313 = tpu.memref_squeeze %dma_wait3A_312 : memref<1x128xi32, #tpu.memory_space<vmem>> -> memref<128xi32, #tpu.memory_space<vmem>>
      %dma_wait3A_314 = tpu.memref_slice %arg2[%add3A_46] : memref<328704xi32, #tpu.memory_space<hbm>> -> memref<128xi32, #tpu.memory_space<hbm>>
      tpu.wait_dma2 semaphore(%run_scoped3A_298 : memref<!tpu.dma_semaphore, #tpu.memory_space<semaphore_mem>>) src(%dma_wait3A_314 : memref<128xi32, #tpu.memory_space<hbm>>) dst(%dma_wait3A_313 : memref<128xi32, #tpu.memory_space<vmem>>)
      tpu.yield
    }) : () -> ()
    %run_scoped3A_48 = arith.constant 2 : i32
    "tpu.region"() ({
      %run_scoped3A_298 = tpu.sem_alloc : memref<!tpu.dma_semaphore, #tpu.memory_space<semaphore_mem>>
      %dma_start3A_299 = arith.constant 0 : i32
      %dma_start3A_300 = tpu.memref_slice %arg8[%run_scoped3A_48, %dma_start3A_299] : memref<8x128xi32, #tpu.memory_space<vmem>> -> memref<1x128xi32, #tpu.memory_space<vmem>>
      %dma_start3A_301 = tpu.memref_squeeze %dma_start3A_300 : memref<1x128xi32, #tpu.memory_space<vmem>> -> memref<128xi32, #tpu.memory_space<vmem>>
      %dma_start3A_302 = tpu.memref_slice %arg3[%add3A_46] : memref<328704xi32, #tpu.memory_space<hbm>> -> memref<128xi32, #tpu.memory_space<hbm>>
      %dma_start3A_303 = arith.constant 0 : i32
      %dma_start3A_304 = tpu.memref_slice %arg8[%run_scoped3A_48, %dma_start3A_303] : memref<8x128xi32, #tpu.memory_space<vmem>> -> memref<1x128xi32, #tpu.memory_space<vmem>>
      %dma_start3A_305 = tpu.memref_squeeze %dma_start3A_304 : memref<1x128xi32, #tpu.memory_space<vmem>> -> memref<128xi32, #tpu.memory_space<vmem>>
      %dma_start3A_306 = tpu.memref_slice %arg3[%add3A_46] : memref<328704xi32, #tpu.memory_space<hbm>> -> memref<128xi32, #tpu.memory_space<hbm>>
      tpu.enqueue_dma source(%dma_start3A_306 : memref<128xi32, #tpu.memory_space<hbm>>) target(%dma_start3A_305 : memref<128xi32, #tpu.memory_space<vmem>>) target_semaphore(%run_scoped3A_298 : memref<!tpu.dma_semaphore, #tpu.memory_space<semaphore_mem>>)
      %dma_wait3A_307 = arith.constant 0 : i32
      %dma_wait3A_308 = tpu.memref_slice %arg8[%run_scoped3A_48, %dma_wait3A_307] : memref<8x128xi32, #tpu.memory_space<vmem>> -> memref<1x128xi32, #tpu.memory_space<vmem>>
      %dma_wait3A_309 = tpu.memref_squeeze %dma_wait3A_308 : memref<1x128xi32, #tpu.memory_space<vmem>> -> memref<128xi32, #tpu.memory_space<vmem>>
      %dma_wait3A_310 = tpu.memref_slice %arg3[%add3A_46] : memref<328704xi32, #tpu.memory_space<hbm>> -> memref<128xi32, #tpu.memory_space<hbm>>
      %dma_wait3A_311 = arith.constant 0 : i32
      %dma_wait3A_312 = tpu.memref_slice %arg8[%run_scoped3A_48, %dma_wait3A_311] : memref<8x128xi32, #tpu.memory_space<vmem>> -> memref<1x128xi32, #tpu.memory_space<vmem>>
      %dma_wait3A_313 = tpu.memref_squeeze %dma_wait3A_312 : memref<1x128xi32, #tpu.memory_space<vmem>> -> memref<128xi32, #tpu.memory_space<vmem>>
      %dma_wait3A_314 = tpu.memref_slice %arg3[%add3A_46] : memref<328704xi32, #tpu.memory_space<hbm>> -> memref<128xi32, #tpu.memory_space<hbm>>
      tpu.wait_dma2 semaphore(%run_scoped3A_298 : memref<!tpu.dma_semaphore, #tpu.memory_space<semaphore_mem>>) src(%dma_wait3A_314 : memref<128xi32, #tpu.memory_space<hbm>>) dst(%dma_wait3A_313 : memref<128xi32, #tpu.memory_space<vmem>>)
      tpu.yield
    }) : () -> ()
    %dma_start3A_49 = arith.constant 2 : i32
    %dma_start3A_50 = arith.constant 2 : i32
    %dma_start3A_51 = arith.constant 2 : i32
    %dma_start3A_52 = arith.constant 0 : i32
    %dma_start3A_53 = arith.constant 0 : i32
    %dma_start3A_54 = tpu.memref_slice %arg9[%dma_start3A_50, %dma_start3A_52, %dma_start3A_53] : memref<8x128x128xi16, #tpu.memory_space<vmem>> -> memref<1x128x128xi16, #tpu.memory_space<vmem>>
    %dma_start3A_55 = tpu.memref_squeeze %dma_start3A_54 : memref<1x128x128xi16, #tpu.memory_space<vmem>> -> memref<128x128xi16, #tpu.memory_space<vmem>>
    %dma_start3A_56 = arith.constant 0 : i32
    %dma_start3A_57 = tpu.memref_slice %arg7[%dma_start3A_49, %dma_start3A_56] : memref<8x128xi32, #tpu.memory_space<vmem>> -> memref<1x128xi32, #tpu.memory_space<vmem>>
    %dma_start3A_58 = tpu.memref_squeeze %dma_start3A_57 : memref<1x128xi32, #tpu.memory_space<vmem>> -> memref<128xi32, #tpu.memory_space<vmem>>
    %dma_start3A_59 = arith.constant 0 : i32
    %dma_start3A_60 = arith.constant 0 : i32
    %dma_start3A_61 = tpu.memref_slice %arg4[%dma_start3A_59, %dma_start3A_60] : memref<10000x128xi16, #tpu.memory_space<hbm>> -> memref<10000x128xi16, #tpu.memory_space<hbm>>
    %dma_start3A_62 = tpu.memref_slice %arg11[%dma_start3A_51] : memref<8x!tpu.dma_semaphore, #tpu.memory_space<semaphore_mem>> -> memref<1x!tpu.dma_semaphore, #tpu.memory_space<semaphore_mem>>
    %dma_start3A_63 = tpu.memref_squeeze %dma_start3A_62 : memref<1x!tpu.dma_semaphore, #tpu.memory_space<semaphore_mem>> -> memref<!tpu.dma_semaphore, #tpu.memory_space<semaphore_mem>>
    tpu.enqueue_indirect_dma source(%dma_start3A_61 : memref<10000x128xi16, #tpu.memory_space<hbm>>) target(%dma_start3A_55 : memref<128x128xi16, #tpu.memory_space<vmem>>) offsets(%dma_start3A_58 : memref<128xi32, #tpu.memory_space<vmem>>) semaphore(%dma_start3A_63 : memref<!tpu.dma_semaphore, #tpu.memory_space<semaphore_mem>>)
    %mul3A_64 = arith.constant 10240 : i32
    %mul3A_65 = arith.muli %add3A, %mul3A_64 : i32
    %add3A_66 = arith.constant 384 : i32
    %add3A_67 = arith.addi %mul3A_65, %add3A_66 : i32
    %run_scoped3A_68 = arith.constant 3 : i32
    "tpu.region"() ({
      %run_scoped3A_298 = tpu.sem_alloc : memref<!tpu.dma_semaphore, #tpu.memory_space<semaphore_mem>>
      %dma_start3A_299 = arith.constant 0 : i32
      %dma_start3A_300 = tpu.memref_slice %arg7[%run_scoped3A_68, %dma_start3A_299] : memref<8x128xi32, #tpu.memory_space<vmem>> -> memref<1x128xi32, #tpu.memory_space<vmem>>
      %dma_start3A_301 = tpu.memref_squeeze %dma_start3A_300 : memref<1x128xi32, #tpu.memory_space<vmem>> -> memref<128xi32, #tpu.memory_space<vmem>>
      %dma_start3A_302 = tpu.memref_slice %arg2[%add3A_67] : memref<328704xi32, #tpu.memory_space<hbm>> -> memref<128xi32, #tpu.memory_space<hbm>>
      %dma_start3A_303 = arith.constant 0 : i32
      %dma_start3A_304 = tpu.memref_slice %arg7[%run_scoped3A_68, %dma_start3A_303] : memref<8x128xi32, #tpu.memory_space<vmem>> -> memref<1x128xi32, #tpu.memory_space<vmem>>
      %dma_start3A_305 = tpu.memref_squeeze %dma_start3A_304 : memref<1x128xi32, #tpu.memory_space<vmem>> -> memref<128xi32, #tpu.memory_space<vmem>>
      %dma_start3A_306 = tpu.memref_slice %arg2[%add3A_67] : memref<328704xi32, #tpu.memory_space<hbm>> -> memref<128xi32, #tpu.memory_space<hbm>>
      tpu.enqueue_dma source(%dma_start3A_306 : memref<128xi32, #tpu.memory_space<hbm>>) target(%dma_start3A_305 : memref<128xi32, #tpu.memory_space<vmem>>) target_semaphore(%run_scoped3A_298 : memref<!tpu.dma_semaphore, #tpu.memory_space<semaphore_mem>>)
      %dma_wait3A_307 = arith.constant 0 : i32
      %dma_wait3A_308 = tpu.memref_slice %arg7[%run_scoped3A_68, %dma_wait3A_307] : memref<8x128xi32, #tpu.memory_space<vmem>> -> memref<1x128xi32, #tpu.memory_space<vmem>>
      %dma_wait3A_309 = tpu.memref_squeeze %dma_wait3A_308 : memref<1x128xi32, #tpu.memory_space<vmem>> -> memref<128xi32, #tpu.memory_space<vmem>>
      %dma_wait3A_310 = tpu.memref_slice %arg2[%add3A_67] : memref<328704xi32, #tpu.memory_space<hbm>> -> memref<128xi32, #tpu.memory_space<hbm>>
      %dma_wait3A_311 = arith.constant 0 : i32
      %dma_wait3A_312 = tpu.memref_slice %arg7[%run_scoped3A_68, %dma_wait3A_311] : memref<8x128xi32, #tpu.memory_space<vmem>> -> memref<1x128xi32, #tpu.memory_space<vmem>>
      %dma_wait3A_313 = tpu.memref_squeeze %dma_wait3A_312 : memref<1x128xi32, #tpu.memory_space<vmem>> -> memref<128xi32, #tpu.memory_space<vmem>>
      %dma_wait3A_314 = tpu.memref_slice %arg2[%add3A_67] : memref<328704xi32, #tpu.memory_space<hbm>> -> memref<128xi32, #tpu.memory_space<hbm>>
      tpu.wait_dma2 semaphore(%run_scoped3A_298 : memref<!tpu.dma_semaphore, #tpu.memory_space<semaphore_mem>>) src(%dma_wait3A_314 : memref<128xi32, #tpu.memory_space<hbm>>) dst(%dma_wait3A_313 : memref<128xi32, #tpu.memory_space<vmem>>)
      tpu.yield
    }) : () -> ()
    %run_scoped3A_69 = arith.constant 3 : i32
    "tpu.region"() ({
      %run_scoped3A_298 = tpu.sem_alloc : memref<!tpu.dma_semaphore, #tpu.memory_space<semaphore_mem>>
      %dma_start3A_299 = arith.constant 0 : i32
      %dma_start3A_300 = tpu.memref_slice %arg8[%run_scoped3A_69, %dma_start3A_299] : memref<8x128xi32, #tpu.memory_space<vmem>> -> memref<1x128xi32, #tpu.memory_space<vmem>>
      %dma_start3A_301 = tpu.memref_squeeze %dma_start3A_300 : memref<1x128xi32, #tpu.memory_space<vmem>> -> memref<128xi32, #tpu.memory_space<vmem>>
      %dma_start3A_302 = tpu.memref_slice %arg3[%add3A_67] : memref<328704xi32, #tpu.memory_space<hbm>> -> memref<128xi32, #tpu.memory_space<hbm>>
      %dma_start3A_303 = arith.constant 0 : i32
      %dma_start3A_304 = tpu.memref_slice %arg8[%run_scoped3A_69, %dma_start3A_303] : memref<8x128xi32, #tpu.memory_space<vmem>> -> memref<1x128xi32, #tpu.memory_space<vmem>>
      %dma_start3A_305 = tpu.memref_squeeze %dma_start3A_304 : memref<1x128xi32, #tpu.memory_space<vmem>> -> memref<128xi32, #tpu.memory_space<vmem>>
      %dma_start3A_306 = tpu.memref_slice %arg3[%add3A_67] : memref<328704xi32, #tpu.memory_space<hbm>> -> memref<128xi32, #tpu.memory_space<hbm>>
      tpu.enqueue_dma source(%dma_start3A_306 : memref<128xi32, #tpu.memory_space<hbm>>) target(%dma_start3A_305 : memref<128xi32, #tpu.memory_space<vmem>>) target_semaphore(%run_scoped3A_298 : memref<!tpu.dma_semaphore, #tpu.memory_space<semaphore_mem>>)
      %dma_wait3A_307 = arith.constant 0 : i32
      %dma_wait3A_308 = tpu.memref_slice %arg8[%run_scoped3A_69, %dma_wait3A_307] : memref<8x128xi32, #tpu.memory_space<vmem>> -> memref<1x128xi32, #tpu.memory_space<vmem>>
      %dma_wait3A_309 = tpu.memref_squeeze %dma_wait3A_308 : memref<1x128xi32, #tpu.memory_space<vmem>> -> memref<128xi32, #tpu.memory_space<vmem>>
      %dma_wait3A_310 = tpu.memref_slice %arg3[%add3A_67] : memref<328704xi32, #tpu.memory_space<hbm>> -> memref<128xi32, #tpu.memory_space<hbm>>
      %dma_wait3A_311 = arith.constant 0 : i32
      %dma_wait3A_312 = tpu.memref_slice %arg8[%run_scoped3A_69, %dma_wait3A_311] : memref<8x128xi32, #tpu.memory_space<vmem>> -> memref<1x128xi32, #tpu.memory_space<vmem>>
      %dma_wait3A_313 = tpu.memref_squeeze %dma_wait3A_312 : memref<1x128xi32, #tpu.memory_space<vmem>> -> memref<128xi32, #tpu.memory_space<vmem>>
      %dma_wait3A_314 = tpu.memref_slice %arg3[%add3A_67] : memref<328704xi32, #tpu.memory_space<hbm>> -> memref<128xi32, #tpu.memory_space<hbm>>
      tpu.wait_dma2 semaphore(%run_scoped3A_298 : memref<!tpu.dma_semaphore, #tpu.memory_space<semaphore_mem>>) src(%dma_wait3A_314 : memref<128xi32, #tpu.memory_space<hbm>>) dst(%dma_wait3A_313 : memref<128xi32, #tpu.memory_space<vmem>>)
      tpu.yield
    }) : () -> ()
    %dma_start3A_70 = arith.constant 3 : i32
    %dma_start3A_71 = arith.constant 3 : i32
    %dma_start3A_72 = arith.constant 3 : i32
    %dma_start3A_73 = arith.constant 0 : i32
    %dma_start3A_74 = arith.constant 0 : i32
    %dma_start3A_75 = tpu.memref_slice %arg9[%dma_start3A_71, %dma_start3A_73, %dma_start3A_74] : memref<8x128x128xi16, #tpu.memory_space<vmem>> -> memref<1x128x128xi16, #tpu.memory_space<vmem>>
    %dma_start3A_76 = tpu.memref_squeeze %dma_start3A_75 : memref<1x128x128xi16, #tpu.memory_space<vmem>> -> memref<128x128xi16, #tpu.memory_space<vmem>>
    %dma_start3A_77 = arith.constant 0 : i32
    %dma_start3A_78 = tpu.memref_slice %arg7[%dma_start3A_70, %dma_start3A_77] : memref<8x128xi32, #tpu.memory_space<vmem>> -> memref<1x128xi32, #tpu.memory_space<vmem>>
    %dma_start3A_79 = tpu.memref_squeeze %dma_start3A_78 : memref<1x128xi32, #tpu.memory_space<vmem>> -> memref<128xi32, #tpu.memory_space<vmem>>
    %dma_start3A_80 = arith.constant 0 : i32
    %dma_start3A_81 = arith.constant 0 : i32
    %dma_start3A_82 = tpu.memref_slice %arg4[%dma_start3A_80, %dma_start3A_81] : memref<10000x128xi16, #tpu.memory_space<hbm>> -> memref<10000x128xi16, #tpu.memory_space<hbm>>
    %dma_start3A_83 = tpu.memref_slice %arg11[%dma_start3A_72] : memref<8x!tpu.dma_semaphore, #tpu.memory_space<semaphore_mem>> -> memref<1x!tpu.dma_semaphore, #tpu.memory_space<semaphore_mem>>
    %dma_start3A_84 = tpu.memref_squeeze %dma_start3A_83 : memref<1x!tpu.dma_semaphore, #tpu.memory_space<semaphore_mem>> -> memref<!tpu.dma_semaphore, #tpu.memory_space<semaphore_mem>>
    tpu.enqueue_indirect_dma source(%dma_start3A_82 : memref<10000x128xi16, #tpu.memory_space<hbm>>) target(%dma_start3A_76 : memref<128x128xi16, #tpu.memory_space<vmem>>) offsets(%dma_start3A_79 : memref<128xi32, #tpu.memory_space<vmem>>) semaphore(%dma_start3A_84 : memref<!tpu.dma_semaphore, #tpu.memory_space<semaphore_mem>>)
    %mul3A_85 = arith.constant 10240 : i32
    %mul3A_86 = arith.muli %add3A, %mul3A_85 : i32
    %add3A_87 = arith.constant 512 : i32
    %add3A_88 = arith.addi %mul3A_86, %add3A_87 : i32
    %run_scoped3A_89 = arith.constant 4 : i32
    "tpu.region"() ({
      %run_scoped3A_298 = tpu.sem_alloc : memref<!tpu.dma_semaphore, #tpu.memory_space<semaphore_mem>>
      %dma_start3A_299 = arith.constant 0 : i32
      %dma_start3A_300 = tpu.memref_slice %arg7[%run_scoped3A_89, %dma_start3A_299] : memref<8x128xi32, #tpu.memory_space<vmem>> -> memref<1x128xi32, #tpu.memory_space<vmem>>
      %dma_start3A_301 = tpu.memref_squeeze %dma_start3A_300 : memref<1x128xi32, #tpu.memory_space<vmem>> -> memref<128xi32, #tpu.memory_space<vmem>>
      %dma_start3A_302 = tpu.memref_slice %arg2[%add3A_88] : memref<328704xi32, #tpu.memory_space<hbm>> -> memref<128xi32, #tpu.memory_space<hbm>>
      %dma_start3A_303 = arith.constant 0 : i32
      %dma_start3A_304 = tpu.memref_slice %arg7[%run_scoped3A_89, %dma_start3A_303] : memref<8x128xi32, #tpu.memory_space<vmem>> -> memref<1x128xi32, #tpu.memory_space<vmem>>
      %dma_start3A_305 = tpu.memref_squeeze %dma_start3A_304 : memref<1x128xi32, #tpu.memory_space<vmem>> -> memref<128xi32, #tpu.memory_space<vmem>>
      %dma_start3A_306 = tpu.memref_slice %arg2[%add3A_88] : memref<328704xi32, #tpu.memory_space<hbm>> -> memref<128xi32, #tpu.memory_space<hbm>>
      tpu.enqueue_dma source(%dma_start3A_306 : memref<128xi32, #tpu.memory_space<hbm>>) target(%dma_start3A_305 : memref<128xi32, #tpu.memory_space<vmem>>) target_semaphore(%run_scoped3A_298 : memref<!tpu.dma_semaphore, #tpu.memory_space<semaphore_mem>>)
      %dma_wait3A_307 = arith.constant 0 : i32
      %dma_wait3A_308 = tpu.memref_slice %arg7[%run_scoped3A_89, %dma_wait3A_307] : memref<8x128xi32, #tpu.memory_space<vmem>> -> memref<1x128xi32, #tpu.memory_space<vmem>>
      %dma_wait3A_309 = tpu.memref_squeeze %dma_wait3A_308 : memref<1x128xi32, #tpu.memory_space<vmem>> -> memref<128xi32, #tpu.memory_space<vmem>>
      %dma_wait3A_310 = tpu.memref_slice %arg2[%add3A_88] : memref<328704xi32, #tpu.memory_space<hbm>> -> memref<128xi32, #tpu.memory_space<hbm>>
      %dma_wait3A_311 = arith.constant 0 : i32
      %dma_wait3A_312 = tpu.memref_slice %arg7[%run_scoped3A_89, %dma_wait3A_311] : memref<8x128xi32, #tpu.memory_space<vmem>> -> memref<1x128xi32, #tpu.memory_space<vmem>>
      %dma_wait3A_313 = tpu.memref_squeeze %dma_wait3A_312 : memref<1x128xi32, #tpu.memory_space<vmem>> -> memref<128xi32, #tpu.memory_space<vmem>>
      %dma_wait3A_314 = tpu.memref_slice %arg2[%add3A_88] : memref<328704xi32, #tpu.memory_space<hbm>> -> memref<128xi32, #tpu.memory_space<hbm>>
      tpu.wait_dma2 semaphore(%run_scoped3A_298 : memref<!tpu.dma_semaphore, #tpu.memory_space<semaphore_mem>>) src(%dma_wait3A_314 : memref<128xi32, #tpu.memory_space<hbm>>) dst(%dma_wait3A_313 : memref<128xi32, #tpu.memory_space<vmem>>)
      tpu.yield
    }) : () -> ()
    %run_scoped3A_90 = arith.constant 4 : i32
    "tpu.region"() ({
      %run_scoped3A_298 = tpu.sem_alloc : memref<!tpu.dma_semaphore, #tpu.memory_space<semaphore_mem>>
      %dma_start3A_299 = arith.constant 0 : i32
      %dma_start3A_300 = tpu.memref_slice %arg8[%run_scoped3A_90, %dma_start3A_299] : memref<8x128xi32, #tpu.memory_space<vmem>> -> memref<1x128xi32, #tpu.memory_space<vmem>>
      %dma_start3A_301 = tpu.memref_squeeze %dma_start3A_300 : memref<1x128xi32, #tpu.memory_space<vmem>> -> memref<128xi32, #tpu.memory_space<vmem>>
      %dma_start3A_302 = tpu.memref_slice %arg3[%add3A_88] : memref<328704xi32, #tpu.memory_space<hbm>> -> memref<128xi32, #tpu.memory_space<hbm>>
      %dma_start3A_303 = arith.constant 0 : i32
      %dma_start3A_304 = tpu.memref_slice %arg8[%run_scoped3A_90, %dma_start3A_303] : memref<8x128xi32, #tpu.memory_space<vmem>> -> memref<1x128xi32, #tpu.memory_space<vmem>>
      %dma_start3A_305 = tpu.memref_squeeze %dma_start3A_304 : memref<1x128xi32, #tpu.memory_space<vmem>> -> memref<128xi32, #tpu.memory_space<vmem>>
      %dma_start3A_306 = tpu.memref_slice %arg3[%add3A_88] : memref<328704xi32, #tpu.memory_space<hbm>> -> memref<128xi32, #tpu.memory_space<hbm>>
      tpu.enqueue_dma source(%dma_start3A_306 : memref<128xi32, #tpu.memory_space<hbm>>) target(%dma_start3A_305 : memref<128xi32, #tpu.memory_space<vmem>>) target_semaphore(%run_scoped3A_298 : memref<!tpu.dma_semaphore, #tpu.memory_space<semaphore_mem>>)
      %dma_wait3A_307 = arith.constant 0 : i32
      %dma_wait3A_308 = tpu.memref_slice %arg8[%run_scoped3A_90, %dma_wait3A_307] : memref<8x128xi32, #tpu.memory_space<vmem>> -> memref<1x128xi32, #tpu.memory_space<vmem>>
      %dma_wait3A_309 = tpu.memref_squeeze %dma_wait3A_308 : memref<1x128xi32, #tpu.memory_space<vmem>> -> memref<128xi32, #tpu.memory_space<vmem>>
      %dma_wait3A_310 = tpu.memref_slice %arg3[%add3A_88] : memref<328704xi32, #tpu.memory_space<hbm>> -> memref<128xi32, #tpu.memory_space<hbm>>
      %dma_wait3A_311 = arith.constant 0 : i32
      %dma_wait3A_312 = tpu.memref_slice %arg8[%run_scoped3A_90, %dma_wait3A_311] : memref<8x128xi32, #tpu.memory_space<vmem>> -> memref<1x128xi32, #tpu.memory_space<vmem>>
      %dma_wait3A_313 = tpu.memref_squeeze %dma_wait3A_312 : memref<1x128xi32, #tpu.memory_space<vmem>> -> memref<128xi32, #tpu.memory_space<vmem>>
      %dma_wait3A_314 = tpu.memref_slice %arg3[%add3A_88] : memref<328704xi32, #tpu.memory_space<hbm>> -> memref<128xi32, #tpu.memory_space<hbm>>
      tpu.wait_dma2 semaphore(%run_scoped3A_298 : memref<!tpu.dma_semaphore, #tpu.memory_space<semaphore_mem>>) src(%dma_wait3A_314 : memref<128xi32, #tpu.memory_space<hbm>>) dst(%dma_wait3A_313 : memref<128xi32, #tpu.memory_space<vmem>>)
      tpu.yield
    }) : () -> ()
    %dma_start3A_91 = arith.constant 4 : i32
    %dma_start3A_92 = arith.constant 4 : i32
    %dma_start3A_93 = arith.constant 4 : i32
    %dma_start3A_94 = arith.constant 0 : i32
    %dma_start3A_95 = arith.constant 0 : i32
    %dma_start3A_96 = tpu.memref_slice %arg9[%dma_start3A_92, %dma_start3A_94, %dma_start3A_95] : memref<8x128x128xi16, #tpu.memory_space<vmem>> -> memref<1x128x128xi16, #tpu.memory_space<vmem>>
    %dma_start3A_97 = tpu.memref_squeeze %dma_start3A_96 : memref<1x128x128xi16, #tpu.memory_space<vmem>> -> memref<128x128xi16, #tpu.memory_space<vmem>>
    %dma_start3A_98 = arith.constant 0 : i32
    %dma_start3A_99 = tpu.memref_slice %arg7[%dma_start3A_91, %dma_start3A_98] : memref<8x128xi32, #tpu.memory_space<vmem>> -> memref<1x128xi32, #tpu.memory_space<vmem>>
    %dma_start3A_100 = tpu.memref_squeeze %dma_start3A_99 : memref<1x128xi32, #tpu.memory_space<vmem>> -> memref<128xi32, #tpu.memory_space<vmem>>
    %dma_start3A_101 = arith.constant 0 : i32
    %dma_start3A_102 = arith.constant 0 : i32
    %dma_start3A_103 = tpu.memref_slice %arg4[%dma_start3A_101, %dma_start3A_102] : memref<10000x128xi16, #tpu.memory_space<hbm>> -> memref<10000x128xi16, #tpu.memory_space<hbm>>
    %dma_start3A_104 = tpu.memref_slice %arg11[%dma_start3A_93] : memref<8x!tpu.dma_semaphore, #tpu.memory_space<semaphore_mem>> -> memref<1x!tpu.dma_semaphore, #tpu.memory_space<semaphore_mem>>
    %dma_start3A_105 = tpu.memref_squeeze %dma_start3A_104 : memref<1x!tpu.dma_semaphore, #tpu.memory_space<semaphore_mem>> -> memref<!tpu.dma_semaphore, #tpu.memory_space<semaphore_mem>>
    tpu.enqueue_indirect_dma source(%dma_start3A_103 : memref<10000x128xi16, #tpu.memory_space<hbm>>) target(%dma_start3A_97 : memref<128x128xi16, #tpu.memory_space<vmem>>) offsets(%dma_start3A_100 : memref<128xi32, #tpu.memory_space<vmem>>) semaphore(%dma_start3A_105 : memref<!tpu.dma_semaphore, #tpu.memory_space<semaphore_mem>>)
    %mul3A_106 = arith.constant 10240 : i32
    %mul3A_107 = arith.muli %add3A, %mul3A_106 : i32
    %add3A_108 = arith.constant 640 : i32
    %add3A_109 = arith.addi %mul3A_107, %add3A_108 : i32
    %run_scoped3A_110 = arith.constant 5 : i32
    "tpu.region"() ({
      %run_scoped3A_298 = tpu.sem_alloc : memref<!tpu.dma_semaphore, #tpu.memory_space<semaphore_mem>>
      %dma_start3A_299 = arith.constant 0 : i32
      %dma_start3A_300 = tpu.memref_slice %arg7[%run_scoped3A_110, %dma_start3A_299] : memref<8x128xi32, #tpu.memory_space<vmem>> -> memref<1x128xi32, #tpu.memory_space<vmem>>
      %dma_start3A_301 = tpu.memref_squeeze %dma_start3A_300 : memref<1x128xi32, #tpu.memory_space<vmem>> -> memref<128xi32, #tpu.memory_space<vmem>>
      %dma_start3A_302 = tpu.memref_slice %arg2[%add3A_109] : memref<328704xi32, #tpu.memory_space<hbm>> -> memref<128xi32, #tpu.memory_space<hbm>>
      %dma_start3A_303 = arith.constant 0 : i32
      %dma_start3A_304 = tpu.memref_slice %arg7[%run_scoped3A_110, %dma_start3A_303] : memref<8x128xi32, #tpu.memory_space<vmem>> -> memref<1x128xi32, #tpu.memory_space<vmem>>
      %dma_start3A_305 = tpu.memref_squeeze %dma_start3A_304 : memref<1x128xi32, #tpu.memory_space<vmem>> -> memref<128xi32, #tpu.memory_space<vmem>>
      %dma_start3A_306 = tpu.memref_slice %arg2[%add3A_109] : memref<328704xi32, #tpu.memory_space<hbm>> -> memref<128xi32, #tpu.memory_space<hbm>>
      tpu.enqueue_dma source(%dma_start3A_306 : memref<128xi32, #tpu.memory_space<hbm>>) target(%dma_start3A_305 : memref<128xi32, #tpu.memory_space<vmem>>) target_semaphore(%run_scoped3A_298 : memref<!tpu.dma_semaphore, #tpu.memory_space<semaphore_mem>>)
      %dma_wait3A_307 = arith.constant 0 : i32
      %dma_wait3A_308 = tpu.memref_slice %arg7[%run_scoped3A_110, %dma_wait3A_307] : memref<8x128xi32, #tpu.memory_space<vmem>> -> memref<1x128xi32, #tpu.memory_space<vmem>>
      %dma_wait3A_309 = tpu.memref_squeeze %dma_wait3A_308 : memref<1x128xi32, #tpu.memory_space<vmem>> -> memref<128xi32, #tpu.memory_space<vmem>>
      %dma_wait3A_310 = tpu.memref_slice %arg2[%add3A_109] : memref<328704xi32, #tpu.memory_space<hbm>> -> memref<128xi32, #tpu.memory_space<hbm>>
      %dma_wait3A_311 = arith.constant 0 : i32
      %dma_wait3A_312 = tpu.memref_slice %arg7[%run_scoped3A_110, %dma_wait3A_311] : memref<8x128xi32, #tpu.memory_space<vmem>> -> memref<1x128xi32, #tpu.memory_space<vmem>>
      %dma_wait3A_313 = tpu.memref_squeeze %dma_wait3A_312 : memref<1x128xi32, #tpu.memory_space<vmem>> -> memref<128xi32, #tpu.memory_space<vmem>>
      %dma_wait3A_314 = tpu.memref_slice %arg2[%add3A_109] : memref<328704xi32, #tpu.memory_space<hbm>> -> memref<128xi32, #tpu.memory_space<hbm>>
      tpu.wait_dma2 semaphore(%run_scoped3A_298 : memref<!tpu.dma_semaphore, #tpu.memory_space<semaphore_mem>>) src(%dma_wait3A_314 : memref<128xi32, #tpu.memory_space<hbm>>) dst(%dma_wait3A_313 : memref<128xi32, #tpu.memory_space<vmem>>)
      tpu.yield
    }) : () -> ()
    %run_scoped3A_111 = arith.constant 5 : i32
    "tpu.region"() ({
      %run_scoped3A_298 = tpu.sem_alloc : memref<!tpu.dma_semaphore, #tpu.memory_space<semaphore_mem>>
      %dma_start3A_299 = arith.constant 0 : i32
      %dma_start3A_300 = tpu.memref_slice %arg8[%run_scoped3A_111, %dma_start3A_299] : memref<8x128xi32, #tpu.memory_space<vmem>> -> memref<1x128xi32, #tpu.memory_space<vmem>>
      %dma_start3A_301 = tpu.memref_squeeze %dma_start3A_300 : memref<1x128xi32, #tpu.memory_space<vmem>> -> memref<128xi32, #tpu.memory_space<vmem>>
      %dma_start3A_302 = tpu.memref_slice %arg3[%add3A_109] : memref<328704xi32, #tpu.memory_space<hbm>> -> memref<128xi32, #tpu.memory_space<hbm>>
      %dma_start3A_303 = arith.constant 0 : i32
      %dma_start3A_304 = tpu.memref_slice %arg8[%run_scoped3A_111, %dma_start3A_303] : memref<8x128xi32, #tpu.memory_space<vmem>> -> memref<1x128xi32, #tpu.memory_space<vmem>>
      %dma_start3A_305 = tpu.memref_squeeze %dma_start3A_304 : memref<1x128xi32, #tpu.memory_space<vmem>> -> memref<128xi32, #tpu.memory_space<vmem>>
      %dma_start3A_306 = tpu.memref_slice %arg3[%add3A_109] : memref<328704xi32, #tpu.memory_space<hbm>> -> memref<128xi32, #tpu.memory_space<hbm>>
      tpu.enqueue_dma source(%dma_start3A_306 : memref<128xi32, #tpu.memory_space<hbm>>) target(%dma_start3A_305 : memref<128xi32, #tpu.memory_space<vmem>>) target_semaphore(%run_scoped3A_298 : memref<!tpu.dma_semaphore, #tpu.memory_space<semaphore_mem>>)
      %dma_wait3A_307 = arith.constant 0 : i32
      %dma_wait3A_308 = tpu.memref_slice %arg8[%run_scoped3A_111, %dma_wait3A_307] : memref<8x128xi32, #tpu.memory_space<vmem>> -> memref<1x128xi32, #tpu.memory_space<vmem>>
      %dma_wait3A_309 = tpu.memref_squeeze %dma_wait3A_308 : memref<1x128xi32, #tpu.memory_space<vmem>> -> memref<128xi32, #tpu.memory_space<vmem>>
      %dma_wait3A_310 = tpu.memref_slice %arg3[%add3A_109] : memref<328704xi32, #tpu.memory_space<hbm>> -> memref<128xi32, #tpu.memory_space<hbm>>
      %dma_wait3A_311 = arith.constant 0 : i32
      %dma_wait3A_312 = tpu.memref_slice %arg8[%run_scoped3A_111, %dma_wait3A_311] : memref<8x128xi32, #tpu.memory_space<vmem>> -> memref<1x128xi32, #tpu.memory_space<vmem>>
      %dma_wait3A_313 = tpu.memref_squeeze %dma_wait3A_312 : memref<1x128xi32, #tpu.memory_space<vmem>> -> memref<128xi32, #tpu.memory_space<vmem>>
      %dma_wait3A_314 = tpu.memref_slice %arg3[%add3A_109] : memref<328704xi32, #tpu.memory_space<hbm>> -> memref<128xi32, #tpu.memory_space<hbm>>
      tpu.wait_dma2 semaphore(%run_scoped3A_298 : memref<!tpu.dma_semaphore, #tpu.memory_space<semaphore_mem>>) src(%dma_wait3A_314 : memref<128xi32, #tpu.memory_space<hbm>>) dst(%dma_wait3A_313 : memref<128xi32, #tpu.memory_space<vmem>>)
      tpu.yield
    }) : () -> ()
    %dma_start3A_112 = arith.constant 5 : i32
    %dma_start3A_113 = arith.constant 5 : i32
    %dma_start3A_114 = arith.constant 5 : i32
    %dma_start3A_115 = arith.constant 0 : i32
    %dma_start3A_116 = arith.constant 0 : i32
    %dma_start3A_117 = tpu.memref_slice %arg9[%dma_start3A_113, %dma_start3A_115, %dma_start3A_116] : memref<8x128x128xi16, #tpu.memory_space<vmem>> -> memref<1x128x128xi16, #tpu.memory_space<vmem>>
    %dma_start3A_118 = tpu.memref_squeeze %dma_start3A_117 : memref<1x128x128xi16, #tpu.memory_space<vmem>> -> memref<128x128xi16, #tpu.memory_space<vmem>>
    %dma_start3A_119 = arith.constant 0 : i32
    %dma_start3A_120 = tpu.memref_slice %arg7[%dma_start3A_112, %dma_start3A_119] : memref<8x128xi32, #tpu.memory_space<vmem>> -> memref<1x128xi32, #tpu.memory_space<vmem>>
    %dma_start3A_121 = tpu.memref_squeeze %dma_start3A_120 : memref<1x128xi32, #tpu.memory_space<vmem>> -> memref<128xi32, #tpu.memory_space<vmem>>
    %dma_start3A_122 = arith.constant 0 : i32
    %dma_start3A_123 = arith.constant 0 : i32
    %dma_start3A_124 = tpu.memref_slice %arg4[%dma_start3A_122, %dma_start3A_123] : memref<10000x128xi16, #tpu.memory_space<hbm>> -> memref<10000x128xi16, #tpu.memory_space<hbm>>
    %dma_start3A_125 = tpu.memref_slice %arg11[%dma_start3A_114] : memref<8x!tpu.dma_semaphore, #tpu.memory_space<semaphore_mem>> -> memref<1x!tpu.dma_semaphore, #tpu.memory_space<semaphore_mem>>
    %dma_start3A_126 = tpu.memref_squeeze %dma_start3A_125 : memref<1x!tpu.dma_semaphore, #tpu.memory_space<semaphore_mem>> -> memref<!tpu.dma_semaphore, #tpu.memory_space<semaphore_mem>>
    tpu.enqueue_indirect_dma source(%dma_start3A_124 : memref<10000x128xi16, #tpu.memory_space<hbm>>) target(%dma_start3A_118 : memref<128x128xi16, #tpu.memory_space<vmem>>) offsets(%dma_start3A_121 : memref<128xi32, #tpu.memory_space<vmem>>) semaphore(%dma_start3A_126 : memref<!tpu.dma_semaphore, #tpu.memory_space<semaphore_mem>>)
    %mul3A_127 = arith.constant 10240 : i32
    %mul3A_128 = arith.muli %add3A, %mul3A_127 : i32
    %add3A_129 = arith.constant 768 : i32
    %add3A_130 = arith.addi %mul3A_128, %add3A_129 : i32
    %run_scoped3A_131 = arith.constant 6 : i32
    "tpu.region"() ({
      %run_scoped3A_298 = tpu.sem_alloc : memref<!tpu.dma_semaphore, #tpu.memory_space<semaphore_mem>>
      %dma_start3A_299 = arith.constant 0 : i32
      %dma_start3A_300 = tpu.memref_slice %arg7[%run_scoped3A_131, %dma_start3A_299] : memref<8x128xi32, #tpu.memory_space<vmem>> -> memref<1x128xi32, #tpu.memory_space<vmem>>
      %dma_start3A_301 = tpu.memref_squeeze %dma_start3A_300 : memref<1x128xi32, #tpu.memory_space<vmem>> -> memref<128xi32, #tpu.memory_space<vmem>>
      %dma_start3A_302 = tpu.memref_slice %arg2[%add3A_130] : memref<328704xi32, #tpu.memory_space<hbm>> -> memref<128xi32, #tpu.memory_space<hbm>>
      %dma_start3A_303 = arith.constant 0 : i32
      %dma_start3A_304 = tpu.memref_slice %arg7[%run_scoped3A_131, %dma_start3A_303] : memref<8x128xi32, #tpu.memory_space<vmem>> -> memref<1x128xi32, #tpu.memory_space<vmem>>
      %dma_start3A_305 = tpu.memref_squeeze %dma_start3A_304 : memref<1x128xi32, #tpu.memory_space<vmem>> -> memref<128xi32, #tpu.memory_space<vmem>>
      %dma_start3A_306 = tpu.memref_slice %arg2[%add3A_130] : memref<328704xi32, #tpu.memory_space<hbm>> -> memref<128xi32, #tpu.memory_space<hbm>>
      tpu.enqueue_dma source(%dma_start3A_306 : memref<128xi32, #tpu.memory_space<hbm>>) target(%dma_start3A_305 : memref<128xi32, #tpu.memory_space<vmem>>) target_semaphore(%run_scoped3A_298 : memref<!tpu.dma_semaphore, #tpu.memory_space<semaphore_mem>>)
      %dma_wait3A_307 = arith.constant 0 : i32
      %dma_wait3A_308 = tpu.memref_slice %arg7[%run_scoped3A_131, %dma_wait3A_307] : memref<8x128xi32, #tpu.memory_space<vmem>> -> memref<1x128xi32, #tpu.memory_space<vmem>>
      %dma_wait3A_309 = tpu.memref_squeeze %dma_wait3A_308 : memref<1x128xi32, #tpu.memory_space<vmem>> -> memref<128xi32, #tpu.memory_space<vmem>>
      %dma_wait3A_310 = tpu.memref_slice %arg2[%add3A_130] : memref<328704xi32, #tpu.memory_space<hbm>> -> memref<128xi32, #tpu.memory_space<hbm>>
      %dma_wait3A_311 = arith.constant 0 : i32
      %dma_wait3A_312 = tpu.memref_slice %arg7[%run_scoped3A_131, %dma_wait3A_311] : memref<8x128xi32, #tpu.memory_space<vmem>> -> memref<1x128xi32, #tpu.memory_space<vmem>>
      %dma_wait3A_313 = tpu.memref_squeeze %dma_wait3A_312 : memref<1x128xi32, #tpu.memory_space<vmem>> -> memref<128xi32, #tpu.memory_space<vmem>>
      %dma_wait3A_314 = tpu.memref_slice %arg2[%add3A_130] : memref<328704xi32, #tpu.memory_space<hbm>> -> memref<128xi32, #tpu.memory_space<hbm>>
      tpu.wait_dma2 semaphore(%run_scoped3A_298 : memref<!tpu.dma_semaphore, #tpu.memory_space<semaphore_mem>>) src(%dma_wait3A_314 : memref<128xi32, #tpu.memory_space<hbm>>) dst(%dma_wait3A_313 : memref<128xi32, #tpu.memory_space<vmem>>)
      tpu.yield
    }) : () -> ()
    %run_scoped3A_132 = arith.constant 6 : i32
    "tpu.region"() ({
      %run_scoped3A_298 = tpu.sem_alloc : memref<!tpu.dma_semaphore, #tpu.memory_space<semaphore_mem>>
      %dma_start3A_299 = arith.constant 0 : i32
      %dma_start3A_300 = tpu.memref_slice %arg8[%run_scoped3A_132, %dma_start3A_299] : memref<8x128xi32, #tpu.memory_space<vmem>> -> memref<1x128xi32, #tpu.memory_space<vmem>>
      %dma_start3A_301 = tpu.memref_squeeze %dma_start3A_300 : memref<1x128xi32, #tpu.memory_space<vmem>> -> memref<128xi32, #tpu.memory_space<vmem>>
      %dma_start3A_302 = tpu.memref_slice %arg3[%add3A_130] : memref<328704xi32, #tpu.memory_space<hbm>> -> memref<128xi32, #tpu.memory_space<hbm>>
      %dma_start3A_303 = arith.constant 0 : i32
      %dma_start3A_304 = tpu.memref_slice %arg8[%run_scoped3A_132, %dma_start3A_303] : memref<8x128xi32, #tpu.memory_space<vmem>> -> memref<1x128xi32, #tpu.memory_space<vmem>>
      %dma_start3A_305 = tpu.memref_squeeze %dma_start3A_304 : memref<1x128xi32, #tpu.memory_space<vmem>> -> memref<128xi32, #tpu.memory_space<vmem>>
      %dma_start3A_306 = tpu.memref_slice %arg3[%add3A_130] : memref<328704xi32, #tpu.memory_space<hbm>> -> memref<128xi32, #tpu.memory_space<hbm>>
      tpu.enqueue_dma source(%dma_start3A_306 : memref<128xi32, #tpu.memory_space<hbm>>) target(%dma_start3A_305 : memref<128xi32, #tpu.memory_space<vmem>>) target_semaphore(%run_scoped3A_298 : memref<!tpu.dma_semaphore, #tpu.memory_space<semaphore_mem>>)
      %dma_wait3A_307 = arith.constant 0 : i32
      %dma_wait3A_308 = tpu.memref_slice %arg8[%run_scoped3A_132, %dma_wait3A_307] : memref<8x128xi32, #tpu.memory_space<vmem>> -> memref<1x128xi32, #tpu.memory_space<vmem>>
      %dma_wait3A_309 = tpu.memref_squeeze %dma_wait3A_308 : memref<1x128xi32, #tpu.memory_space<vmem>> -> memref<128xi32, #tpu.memory_space<vmem>>
      %dma_wait3A_310 = tpu.memref_slice %arg3[%add3A_130] : memref<328704xi32, #tpu.memory_space<hbm>> -> memref<128xi32, #tpu.memory_space<hbm>>
      %dma_wait3A_311 = arith.constant 0 : i32
      %dma_wait3A_312 = tpu.memref_slice %arg8[%run_scoped3A_132, %dma_wait3A_311] : memref<8x128xi32, #tpu.memory_space<vmem>> -> memref<1x128xi32, #tpu.memory_space<vmem>>
      %dma_wait3A_313 = tpu.memref_squeeze %dma_wait3A_312 : memref<1x128xi32, #tpu.memory_space<vmem>> -> memref<128xi32, #tpu.memory_space<vmem>>
      %dma_wait3A_314 = tpu.memref_slice %arg3[%add3A_130] : memref<328704xi32, #tpu.memory_space<hbm>> -> memref<128xi32, #tpu.memory_space<hbm>>
      tpu.wait_dma2 semaphore(%run_scoped3A_298 : memref<!tpu.dma_semaphore, #tpu.memory_space<semaphore_mem>>) src(%dma_wait3A_314 : memref<128xi32, #tpu.memory_space<hbm>>) dst(%dma_wait3A_313 : memref<128xi32, #tpu.memory_space<vmem>>)
      tpu.yield
    }) : () -> ()
    %dma_start3A_133 = arith.constant 6 : i32
    %dma_start3A_134 = arith.constant 6 : i32
    %dma_start3A_135 = arith.constant 6 : i32
    %dma_start3A_136 = arith.constant 0 : i32
    %dma_start3A_137 = arith.constant 0 : i32
    %dma_start3A_138 = tpu.memref_slice %arg9[%dma_start3A_134, %dma_start3A_136, %dma_start3A_137] : memref<8x128x128xi16, #tpu.memory_space<vmem>> -> memref<1x128x128xi16, #tpu.memory_space<vmem>>
    %dma_start3A_139 = tpu.memref_squeeze %dma_start3A_138 : memref<1x128x128xi16, #tpu.memory_space<vmem>> -> memref<128x128xi16, #tpu.memory_space<vmem>>
    %dma_start3A_140 = arith.constant 0 : i32
    %dma_start3A_141 = tpu.memref_slice %arg7[%dma_start3A_133, %dma_start3A_140] : memref<8x128xi32, #tpu.memory_space<vmem>> -> memref<1x128xi32, #tpu.memory_space<vmem>>
    %dma_start3A_142 = tpu.memref_squeeze %dma_start3A_141 : memref<1x128xi32, #tpu.memory_space<vmem>> -> memref<128xi32, #tpu.memory_space<vmem>>
    %dma_start3A_143 = arith.constant 0 : i32
    %dma_start3A_144 = arith.constant 0 : i32
    %dma_start3A_145 = tpu.memref_slice %arg4[%dma_start3A_143, %dma_start3A_144] : memref<10000x128xi16, #tpu.memory_space<hbm>> -> memref<10000x128xi16, #tpu.memory_space<hbm>>
    %dma_start3A_146 = tpu.memref_slice %arg11[%dma_start3A_135] : memref<8x!tpu.dma_semaphore, #tpu.memory_space<semaphore_mem>> -> memref<1x!tpu.dma_semaphore, #tpu.memory_space<semaphore_mem>>
    %dma_start3A_147 = tpu.memref_squeeze %dma_start3A_146 : memref<1x!tpu.dma_semaphore, #tpu.memory_space<semaphore_mem>> -> memref<!tpu.dma_semaphore, #tpu.memory_space<semaphore_mem>>
    tpu.enqueue_indirect_dma source(%dma_start3A_145 : memref<10000x128xi16, #tpu.memory_space<hbm>>) target(%dma_start3A_139 : memref<128x128xi16, #tpu.memory_space<vmem>>) offsets(%dma_start3A_142 : memref<128xi32, #tpu.memory_space<vmem>>) semaphore(%dma_start3A_147 : memref<!tpu.dma_semaphore, #tpu.memory_space<semaphore_mem>>)
    %mul3A_148 = arith.constant 10240 : i32
    %mul3A_149 = arith.muli %add3A, %mul3A_148 : i32
    %add3A_150 = arith.constant 896 : i32
    %add3A_151 = arith.addi %mul3A_149, %add3A_150 : i32
    %run_scoped3A_152 = arith.constant 7 : i32
    "tpu.region"() ({
      %run_scoped3A_298 = tpu.sem_alloc : memref<!tpu.dma_semaphore, #tpu.memory_space<semaphore_mem>>
      %dma_start3A_299 = arith.constant 0 : i32
      %dma_start3A_300 = tpu.memref_slice %arg7[%run_scoped3A_152, %dma_start3A_299] : memref<8x128xi32, #tpu.memory_space<vmem>> -> memref<1x128xi32, #tpu.memory_space<vmem>>
      %dma_start3A_301 = tpu.memref_squeeze %dma_start3A_300 : memref<1x128xi32, #tpu.memory_space<vmem>> -> memref<128xi32, #tpu.memory_space<vmem>>
      %dma_start3A_302 = tpu.memref_slice %arg2[%add3A_151] : memref<328704xi32, #tpu.memory_space<hbm>> -> memref<128xi32, #tpu.memory_space<hbm>>
      %dma_start3A_303 = arith.constant 0 : i32
      %dma_start3A_304 = tpu.memref_slice %arg7[%run_scoped3A_152, %dma_start3A_303] : memref<8x128xi32, #tpu.memory_space<vmem>> -> memref<1x128xi32, #tpu.memory_space<vmem>>
      %dma_start3A_305 = tpu.memref_squeeze %dma_start3A_304 : memref<1x128xi32, #tpu.memory_space<vmem>> -> memref<128xi32, #tpu.memory_space<vmem>>
      %dma_start3A_306 = tpu.memref_slice %arg2[%add3A_151] : memref<328704xi32, #tpu.memory_space<hbm>> -> memref<128xi32, #tpu.memory_space<hbm>>
      tpu.enqueue_dma source(%dma_start3A_306 : memref<128xi32, #tpu.memory_space<hbm>>) target(%dma_start3A_305 : memref<128xi32, #tpu.memory_space<vmem>>) target_semaphore(%run_scoped3A_298 : memref<!tpu.dma_semaphore, #tpu.memory_space<semaphore_mem>>)
      %dma_wait3A_307 = arith.constant 0 : i32
      %dma_wait3A_308 = tpu.memref_slice %arg7[%run_scoped3A_152, %dma_wait3A_307] : memref<8x128xi32, #tpu.memory_space<vmem>> -> memref<1x128xi32, #tpu.memory_space<vmem>>
      %dma_wait3A_309 = tpu.memref_squeeze %dma_wait3A_308 : memref<1x128xi32, #tpu.memory_space<vmem>> -> memref<128xi32, #tpu.memory_space<vmem>>
      %dma_wait3A_310 = tpu.memref_slice %arg2[%add3A_151] : memref<328704xi32, #tpu.memory_space<hbm>> -> memref<128xi32, #tpu.memory_space<hbm>>
      %dma_wait3A_311 = arith.constant 0 : i32
      %dma_wait3A_312 = tpu.memref_slice %arg7[%run_scoped3A_152, %dma_wait3A_311] : memref<8x128xi32, #tpu.memory_space<vmem>> -> memref<1x128xi32, #tpu.memory_space<vmem>>
      %dma_wait3A_313 = tpu.memref_squeeze %dma_wait3A_312 : memref<1x128xi32, #tpu.memory_space<vmem>> -> memref<128xi32, #tpu.memory_space<vmem>>
      %dma_wait3A_314 = tpu.memref_slice %arg2[%add3A_151] : memref<328704xi32, #tpu.memory_space<hbm>> -> memref<128xi32, #tpu.memory_space<hbm>>
      tpu.wait_dma2 semaphore(%run_scoped3A_298 : memref<!tpu.dma_semaphore, #tpu.memory_space<semaphore_mem>>) src(%dma_wait3A_314 : memref<128xi32, #tpu.memory_space<hbm>>) dst(%dma_wait3A_313 : memref<128xi32, #tpu.memory_space<vmem>>)
      tpu.yield
    }) : () -> ()
    %run_scoped3A_153 = arith.constant 7 : i32
    "tpu.region"() ({
      %run_scoped3A_298 = tpu.sem_alloc : memref<!tpu.dma_semaphore, #tpu.memory_space<semaphore_mem>>
      %dma_start3A_299 = arith.constant 0 : i32
      %dma_start3A_300 = tpu.memref_slice %arg8[%run_scoped3A_153, %dma_start3A_299] : memref<8x128xi32, #tpu.memory_space<vmem>> -> memref<1x128xi32, #tpu.memory_space<vmem>>
      %dma_start3A_301 = tpu.memref_squeeze %dma_start3A_300 : memref<1x128xi32, #tpu.memory_space<vmem>> -> memref<128xi32, #tpu.memory_space<vmem>>
      %dma_start3A_302 = tpu.memref_slice %arg3[%add3A_151] : memref<328704xi32, #tpu.memory_space<hbm>> -> memref<128xi32, #tpu.memory_space<hbm>>
      %dma_start3A_303 = arith.constant 0 : i32
      %dma_start3A_304 = tpu.memref_slice %arg8[%run_scoped3A_153, %dma_start3A_303] : memref<8x128xi32, #tpu.memory_space<vmem>> -> memref<1x128xi32, #tpu.memory_space<vmem>>
      %dma_start3A_305 = tpu.memref_squeeze %dma_start3A_304 : memref<1x128xi32, #tpu.memory_space<vmem>> -> memref<128xi32, #tpu.memory_space<vmem>>
      %dma_start3A_306 = tpu.memref_slice %arg3[%add3A_151] : memref<328704xi32, #tpu.memory_space<hbm>> -> memref<128xi32, #tpu.memory_space<hbm>>
      tpu.enqueue_dma source(%dma_start3A_306 : memref<128xi32, #tpu.memory_space<hbm>>) target(%dma_start3A_305 : memref<128xi32, #tpu.memory_space<vmem>>) target_semaphore(%run_scoped3A_298 : memref<!tpu.dma_semaphore, #tpu.memory_space<semaphore_mem>>)
      %dma_wait3A_307 = arith.constant 0 : i32
      %dma_wait3A_308 = tpu.memref_slice %arg8[%run_scoped3A_153, %dma_wait3A_307] : memref<8x128xi32, #tpu.memory_space<vmem>> -> memref<1x128xi32, #tpu.memory_space<vmem>>
      %dma_wait3A_309 = tpu.memref_squeeze %dma_wait3A_308 : memref<1x128xi32, #tpu.memory_space<vmem>> -> memref<128xi32, #tpu.memory_space<vmem>>
      %dma_wait3A_310 = tpu.memref_slice %arg3[%add3A_151] : memref<328704xi32, #tpu.memory_space<hbm>> -> memref<128xi32, #tpu.memory_space<hbm>>
      %dma_wait3A_311 = arith.constant 0 : i32
      %dma_wait3A_312 = tpu.memref_slice %arg8[%run_scoped3A_153, %dma_wait3A_311] : memref<8x128xi32, #tpu.memory_space<vmem>> -> memref<1x128xi32, #tpu.memory_space<vmem>>
      %dma_wait3A_313 = tpu.memref_squeeze %dma_wait3A_312 : memref<1x128xi32, #tpu.memory_space<vmem>> -> memref<128xi32, #tpu.memory_space<vmem>>
      %dma_wait3A_314 = tpu.memref_slice %arg3[%add3A_151] : memref<328704xi32, #tpu.memory_space<hbm>> -> memref<128xi32, #tpu.memory_space<hbm>>
      tpu.wait_dma2 semaphore(%run_scoped3A_298 : memref<!tpu.dma_semaphore, #tpu.memory_space<semaphore_mem>>) src(%dma_wait3A_314 : memref<128xi32, #tpu.memory_space<hbm>>) dst(%dma_wait3A_313 : memref<128xi32, #tpu.memory_space<vmem>>)
      tpu.yield
    }) : () -> ()
    %dma_start3A_154 = arith.constant 7 : i32
    %dma_start3A_155 = arith.constant 7 : i32
    %dma_start3A_156 = arith.constant 7 : i32
    %dma_start3A_157 = arith.constant 0 : i32
    %dma_start3A_158 = arith.constant 0 : i32
    %dma_start3A_159 = tpu.memref_slice %arg9[%dma_start3A_155, %dma_start3A_157, %dma_start3A_158] : memref<8x128x128xi16, #tpu.memory_space<vmem>> -> memref<1x128x128xi16, #tpu.memory_space<vmem>>
    %dma_start3A_160 = tpu.memref_squeeze %dma_start3A_159 : memref<1x128x128xi16, #tpu.memory_space<vmem>> -> memref<128x128xi16, #tpu.memory_space<vmem>>
    %dma_start3A_161 = arith.constant 0 : i32
    %dma_start3A_162 = tpu.memref_slice %arg7[%dma_start3A_154, %dma_start3A_161] : memref<8x128xi32, #tpu.memory_space<vmem>> -> memref<1x128xi32, #tpu.memory_space<vmem>>
    %dma_start3A_163 = tpu.memref_squeeze %dma_start3A_162 : memref<1x128xi32, #tpu.memory_space<vmem>> -> memref<128xi32, #tpu.memory_space<vmem>>
    %dma_start3A_164 = arith.constant 0 : i32
    %dma_start3A_165 = arith.constant 0 : i32
    %dma_start3A_166 = tpu.memref_slice %arg4[%dma_start3A_164, %dma_start3A_165] : memref<10000x128xi16, #tpu.memory_space<hbm>> -> memref<10000x128xi16, #tpu.memory_space<hbm>>
    %dma_start3A_167 = tpu.memref_slice %arg11[%dma_start3A_156] : memref<8x!tpu.dma_semaphore, #tpu.memory_space<semaphore_mem>> -> memref<1x!tpu.dma_semaphore, #tpu.memory_space<semaphore_mem>>
    %dma_start3A_168 = tpu.memref_squeeze %dma_start3A_167 : memref<1x!tpu.dma_semaphore, #tpu.memory_space<semaphore_mem>> -> memref<!tpu.dma_semaphore, #tpu.memory_space<semaphore_mem>>
    tpu.enqueue_indirect_dma source(%dma_start3A_166 : memref<10000x128xi16, #tpu.memory_space<hbm>>) target(%dma_start3A_160 : memref<128x128xi16, #tpu.memory_space<vmem>>) offsets(%dma_start3A_163 : memref<128xi32, #tpu.memory_space<vmem>>) semaphore(%dma_start3A_168 : memref<!tpu.dma_semaphore, #tpu.memory_space<semaphore_mem>>)
    %scan3A = arith.constant 0 : i32
    %scan3A_169 = arith.constant 0 : i32
    %scan3A_170 = arith.constant 10 : i32
    %scan3A_171 = arith.addi %scan3A_169, %scan3A_170 : i32
    %scan3A_172 = arith.constant 1 : i32
    scf.for %scan3A_298 = %scan3A_169 to %scan3A_171 step %scan3A_172  : i32 {
      %dma_wait3A_299 = arith.constant 0 : i32
      %dma_wait3A_300 = arith.constant 0 : i32
      %dma_wait3A_301 = arith.constant 0 : i32
      %dma_wait3A_302 = arith.constant 0 : i32
      %dma_wait3A_303 = arith.constant 0 : i32
      %dma_wait3A_304 = tpu.memref_slice %arg9[%dma_wait3A_300, %dma_wait3A_302, %dma_wait3A_303] : memref<8x128x128xi16, #tpu.memory_space<vmem>> -> memref<1x128x128xi16, #tpu.memory_space<vmem>>
      %dma_wait3A_305 = tpu.memref_squeeze %dma_wait3A_304 : memref<1x128x128xi16, #tpu.memory_space<vmem>> -> memref<128x128xi16, #tpu.memory_space<vmem>>
      %dma_wait3A_306 = arith.constant 0 : i32
      %dma_wait3A_307 = tpu.memref_slice %arg7[%dma_wait3A_299, %dma_wait3A_306] : memref<8x128xi32, #tpu.memory_space<vmem>> -> memref<1x128xi32, #tpu.memory_space<vmem>>
      %dma_wait3A_308 = tpu.memref_squeeze %dma_wait3A_307 : memref<1x128xi32, #tpu.memory_space<vmem>> -> memref<128xi32, #tpu.memory_space<vmem>>
      %dma_wait3A_309 = arith.constant 0 : i32
      %dma_wait3A_310 = arith.constant 0 : i32
      %dma_wait3A_311 = tpu.memref_slice %arg4[%dma_wait3A_309, %dma_wait3A_310] : memref<10000x128xi16, #tpu.memory_space<hbm>> -> memref<10000x128xi16, #tpu.memory_space<hbm>>
      %dma_wait3A_312 = tpu.memref_slice %arg11[%dma_wait3A_301] : memref<8x!tpu.dma_semaphore, #tpu.memory_space<semaphore_mem>> -> memref<1x!tpu.dma_semaphore, #tpu.memory_space<semaphore_mem>>
      %dma_wait3A_313 = tpu.memref_squeeze %dma_wait3A_312 : memref<1x!tpu.dma_semaphore, #tpu.memory_space<semaphore_mem>> -> memref<!tpu.dma_semaphore, #tpu.memory_space<semaphore_mem>>
      tpu.wait_indirect_dma semaphore(%dma_wait3A_313 : memref<!tpu.dma_semaphore, #tpu.memory_space<semaphore_mem>>) src(%dma_wait3A_311 : memref<10000x128xi16, #tpu.memory_space<hbm>>) dst(%dma_wait3A_305 : memref<128x128xi16, #tpu.memory_space<vmem>>)
      %dma_start3A_314 = arith.constant 0 : i32
      %dma_start3A_315 = arith.constant 0 : i32
      %dma_start3A_316 = arith.constant 0 : i32
      %dma_start3A_317 = arith.constant 0 : i32
      %dma_start3A_318 = arith.constant 0 : i32
      %dma_start3A_319 = tpu.memref_slice %arg9[%dma_start3A_314, %dma_start3A_317, %dma_start3A_318] : memref<8x128x128xi16, #tpu.memory_space<vmem>> -> memref<1x128x128xi16, #tpu.memory_space<vmem>>
      %dma_start3A_320 = tpu.memref_squeeze %dma_start3A_319 : memref<1x128x128xi16, #tpu.memory_space<vmem>> -> memref<128x128xi16, #tpu.memory_space<vmem>>
      %dma_start3A_321 = arith.constant 0 : i32
      %dma_start3A_322 = tpu.memref_slice %arg8[%dma_start3A_315, %dma_start3A_321] : memref<8x128xi32, #tpu.memory_space<vmem>> -> memref<1x128xi32, #tpu.memory_space<vmem>>
      %dma_start3A_323 = tpu.memref_squeeze %dma_start3A_322 : memref<1x128xi32, #tpu.memory_space<vmem>> -> memref<128xi32, #tpu.memory_space<vmem>>
      %dma_start3A_324 = arith.constant 0 : i32
      %dma_start3A_325 = arith.constant 0 : i32
      %dma_start3A_326 = tpu.memref_slice %arg10[%dma_start3A_324, %dma_start3A_325] : memref<10240x128xi16, #tpu.memory_space<vmem_shared>> -> memref<10240x128xi16, #tpu.memory_space<vmem_shared>>
      %dma_start3A_327 = tpu.memref_slice %arg12[%dma_start3A_316] : memref<8x!tpu.dma_semaphore, #tpu.memory_space<semaphore_mem>> -> memref<1x!tpu.dma_semaphore, #tpu.memory_space<semaphore_mem>>
      %dma_start3A_328 = tpu.memref_squeeze %dma_start3A_327 : memref<1x!tpu.dma_semaphore, #tpu.memory_space<semaphore_mem>> -> memref<!tpu.dma_semaphore, #tpu.memory_space<semaphore_mem>>
      tpu.enqueue_indirect_dma source(%dma_start3A_320 : memref<128x128xi16, #tpu.memory_space<vmem>>) target(%dma_start3A_326 : memref<10240x128xi16, #tpu.memory_space<vmem_shared>>) offsets(%dma_start3A_323 : memref<128xi32, #tpu.memory_space<vmem>>) semaphore(%dma_start3A_328 : memref<!tpu.dma_semaphore, #tpu.memory_space<semaphore_mem>>) {add = true}
      %dma_wait3A_329 = arith.constant 1 : i32
      %dma_wait3A_330 = arith.constant 1 : i32
      %dma_wait3A_331 = arith.constant 1 : i32
      %dma_wait3A_332 = arith.constant 0 : i32
      %dma_wait3A_333 = arith.constant 0 : i32
      %dma_wait3A_334 = tpu.memref_slice %arg9[%dma_wait3A_330, %dma_wait3A_332, %dma_wait3A_333] : memref<8x128x128xi16, #tpu.memory_space<vmem>> -> memref<1x128x128xi16, #tpu.memory_space<vmem>>
      %dma_wait3A_335 = tpu.memref_squeeze %dma_wait3A_334 : memref<1x128x128xi16, #tpu.memory_space<vmem>> -> memref<128x128xi16, #tpu.memory_space<vmem>>
      %dma_wait3A_336 = arith.constant 0 : i32
      %dma_wait3A_337 = tpu.memref_slice %arg7[%dma_wait3A_329, %dma_wait3A_336] : memref<8x128xi32, #tpu.memory_space<vmem>> -> memref<1x128xi32, #tpu.memory_space<vmem>>
      %dma_wait3A_338 = tpu.memref_squeeze %dma_wait3A_337 : memref<1x128xi32, #tpu.memory_space<vmem>> -> memref<128xi32, #tpu.memory_space<vmem>>
      %dma_wait3A_339 = arith.constant 0 : i32
      %dma_wait3A_340 = arith.constant 0 : i32
      %dma_wait3A_341 = tpu.memref_slice %arg4[%dma_wait3A_339, %dma_wait3A_340] : memref<10000x128xi16, #tpu.memory_space<hbm>> -> memref<10000x128xi16, #tpu.memory_space<hbm>>
      %dma_wait3A_342 = tpu.memref_slice %arg11[%dma_wait3A_331] : memref<8x!tpu.dma_semaphore, #tpu.memory_space<semaphore_mem>> -> memref<1x!tpu.dma_semaphore, #tpu.memory_space<semaphore_mem>>
      %dma_wait3A_343 = tpu.memref_squeeze %dma_wait3A_342 : memref<1x!tpu.dma_semaphore, #tpu.memory_space<semaphore_mem>> -> memref<!tpu.dma_semaphore, #tpu.memory_space<semaphore_mem>>
      tpu.wait_indirect_dma semaphore(%dma_wait3A_343 : memref<!tpu.dma_semaphore, #tpu.memory_space<semaphore_mem>>) src(%dma_wait3A_341 : memref<10000x128xi16, #tpu.memory_space<hbm>>) dst(%dma_wait3A_335 : memref<128x128xi16, #tpu.memory_space<vmem>>)
      %dma_start3A_344 = arith.constant 1 : i32
      %dma_start3A_345 = arith.constant 1 : i32
      %dma_start3A_346 = arith.constant 1 : i32
      %dma_start3A_347 = arith.constant 0 : i32
      %dma_start3A_348 = arith.constant 0 : i32
      %dma_start3A_349 = tpu.memref_slice %arg9[%dma_start3A_344, %dma_start3A_347, %dma_start3A_348] : memref<8x128x128xi16, #tpu.memory_space<vmem>> -> memref<1x128x128xi16, #tpu.memory_space<vmem>>
      %dma_start3A_350 = tpu.memref_squeeze %dma_start3A_349 : memref<1x128x128xi16, #tpu.memory_space<vmem>> -> memref<128x128xi16, #tpu.memory_space<vmem>>
      %dma_start3A_351 = arith.constant 0 : i32
      %dma_start3A_352 = tpu.memref_slice %arg8[%dma_start3A_345, %dma_start3A_351] : memref<8x128xi32, #tpu.memory_space<vmem>> -> memref<1x128xi32, #tpu.memory_space<vmem>>
      %dma_start3A_353 = tpu.memref_squeeze %dma_start3A_352 : memref<1x128xi32, #tpu.memory_space<vmem>> -> memref<128xi32, #tpu.memory_space<vmem>>
      %dma_start3A_354 = arith.constant 0 : i32
      %dma_start3A_355 = arith.constant 0 : i32
      %dma_start3A_356 = tpu.memref_slice %arg10[%dma_start3A_354, %dma_start3A_355] : memref<10240x128xi16, #tpu.memory_space<vmem_shared>> -> memref<10240x128xi16, #tpu.memory_space<vmem_shared>>
      %dma_start3A_357 = tpu.memref_slice %arg12[%dma_start3A_346] : memref<8x!tpu.dma_semaphore, #tpu.memory_space<semaphore_mem>> -> memref<1x!tpu.dma_semaphore, #tpu.memory_space<semaphore_mem>>
      %dma_start3A_358 = tpu.memref_squeeze %dma_start3A_357 : memref<1x!tpu.dma_semaphore, #tpu.memory_space<semaphore_mem>> -> memref<!tpu.dma_semaphore, #tpu.memory_space<semaphore_mem>>
      tpu.enqueue_indirect_dma source(%dma_start3A_350 : memref<128x128xi16, #tpu.memory_space<vmem>>) target(%dma_start3A_356 : memref<10240x128xi16, #tpu.memory_space<vmem_shared>>) offsets(%dma_start3A_353 : memref<128xi32, #tpu.memory_space<vmem>>) semaphore(%dma_start3A_358 : memref<!tpu.dma_semaphore, #tpu.memory_space<semaphore_mem>>) {add = true}
      %dma_wait3A_359 = arith.constant 2 : i32
      %dma_wait3A_360 = arith.constant 2 : i32
      %dma_wait3A_361 = arith.constant 2 : i32
      %dma_wait3A_362 = arith.constant 0 : i32
      %dma_wait3A_363 = arith.constant 0 : i32
      %dma_wait3A_364 = tpu.memref_slice %arg9[%dma_wait3A_360, %dma_wait3A_362, %dma_wait3A_363] : memref<8x128x128xi16, #tpu.memory_space<vmem>> -> memref<1x128x128xi16, #tpu.memory_space<vmem>>
      %dma_wait3A_365 = tpu.memref_squeeze %dma_wait3A_364 : memref<1x128x128xi16, #tpu.memory_space<vmem>> -> memref<128x128xi16, #tpu.memory_space<vmem>>
      %dma_wait3A_366 = arith.constant 0 : i32
      %dma_wait3A_367 = tpu.memref_slice %arg7[%dma_wait3A_359, %dma_wait3A_366] : memref<8x128xi32, #tpu.memory_space<vmem>> -> memref<1x128xi32, #tpu.memory_space<vmem>>
      %dma_wait3A_368 = tpu.memref_squeeze %dma_wait3A_367 : memref<1x128xi32, #tpu.memory_space<vmem>> -> memref<128xi32, #tpu.memory_space<vmem>>
      %dma_wait3A_369 = arith.constant 0 : i32
      %dma_wait3A_370 = arith.constant 0 : i32
      %dma_wait3A_371 = tpu.memref_slice %arg4[%dma_wait3A_369, %dma_wait3A_370] : memref<10000x128xi16, #tpu.memory_space<hbm>> -> memref<10000x128xi16, #tpu.memory_space<hbm>>
      %dma_wait3A_372 = tpu.memref_slice %arg11[%dma_wait3A_361] : memref<8x!tpu.dma_semaphore, #tpu.memory_space<semaphore_mem>> -> memref<1x!tpu.dma_semaphore, #tpu.memory_space<semaphore_mem>>
      %dma_wait3A_373 = tpu.memref_squeeze %dma_wait3A_372 : memref<1x!tpu.dma_semaphore, #tpu.memory_space<semaphore_mem>> -> memref<!tpu.dma_semaphore, #tpu.memory_space<semaphore_mem>>
      tpu.wait_indirect_dma semaphore(%dma_wait3A_373 : memref<!tpu.dma_semaphore, #tpu.memory_space<semaphore_mem>>) src(%dma_wait3A_371 : memref<10000x128xi16, #tpu.memory_space<hbm>>) dst(%dma_wait3A_365 : memref<128x128xi16, #tpu.memory_space<vmem>>)
      %dma_start3A_374 = arith.constant 2 : i32
      %dma_start3A_375 = arith.constant 2 : i32
      %dma_start3A_376 = arith.constant 2 : i32
      %dma_start3A_377 = arith.constant 0 : i32
      %dma_start3A_378 = arith.constant 0 : i32
      %dma_start3A_379 = tpu.memref_slice %arg9[%dma_start3A_374, %dma_start3A_377, %dma_start3A_378] : memref<8x128x128xi16, #tpu.memory_space<vmem>> -> memref<1x128x128xi16, #tpu.memory_space<vmem>>
      %dma_start3A_380 = tpu.memref_squeeze %dma_start3A_379 : memref<1x128x128xi16, #tpu.memory_space<vmem>> -> memref<128x128xi16, #tpu.memory_space<vmem>>
      %dma_start3A_381 = arith.constant 0 : i32
      %dma_start3A_382 = tpu.memref_slice %arg8[%dma_start3A_375, %dma_start3A_381] : memref<8x128xi32, #tpu.memory_space<vmem>> -> memref<1x128xi32, #tpu.memory_space<vmem>>
      %dma_start3A_383 = tpu.memref_squeeze %dma_start3A_382 : memref<1x128xi32, #tpu.memory_space<vmem>> -> memref<128xi32, #tpu.memory_space<vmem>>
      %dma_start3A_384 = arith.constant 0 : i32
      %dma_start3A_385 = arith.constant 0 : i32
      %dma_start3A_386 = tpu.memref_slice %arg10[%dma_start3A_384, %dma_start3A_385] : memref<10240x128xi16, #tpu.memory_space<vmem_shared>> -> memref<10240x128xi16, #tpu.memory_space<vmem_shared>>
      %dma_start3A_387 = tpu.memref_slice %arg12[%dma_start3A_376] : memref<8x!tpu.dma_semaphore, #tpu.memory_space<semaphore_mem>> -> memref<1x!tpu.dma_semaphore, #tpu.memory_space<semaphore_mem>>
      %dma_start3A_388 = tpu.memref_squeeze %dma_start3A_387 : memref<1x!tpu.dma_semaphore, #tpu.memory_space<semaphore_mem>> -> memref<!tpu.dma_semaphore, #tpu.memory_space<semaphore_mem>>
      tpu.enqueue_indirect_dma source(%dma_start3A_380 : memref<128x128xi16, #tpu.memory_space<vmem>>) target(%dma_start3A_386 : memref<10240x128xi16, #tpu.memory_space<vmem_shared>>) offsets(%dma_start3A_383 : memref<128xi32, #tpu.memory_space<vmem>>) semaphore(%dma_start3A_388 : memref<!tpu.dma_semaphore, #tpu.memory_space<semaphore_mem>>) {add = true}
      %dma_wait3A_389 = arith.constant 3 : i32
      %dma_wait3A_390 = arith.constant 3 : i32
      %dma_wait3A_391 = arith.constant 3 : i32
      %dma_wait3A_392 = arith.constant 0 : i32
      %dma_wait3A_393 = arith.constant 0 : i32
      %dma_wait3A_394 = tpu.memref_slice %arg9[%dma_wait3A_390, %dma_wait3A_392, %dma_wait3A_393] : memref<8x128x128xi16, #tpu.memory_space<vmem>> -> memref<1x128x128xi16, #tpu.memory_space<vmem>>
      %dma_wait3A_395 = tpu.memref_squeeze %dma_wait3A_394 : memref<1x128x128xi16, #tpu.memory_space<vmem>> -> memref<128x128xi16, #tpu.memory_space<vmem>>
      %dma_wait3A_396 = arith.constant 0 : i32
      %dma_wait3A_397 = tpu.memref_slice %arg7[%dma_wait3A_389, %dma_wait3A_396] : memref<8x128xi32, #tpu.memory_space<vmem>> -> memref<1x128xi32, #tpu.memory_space<vmem>>
      %dma_wait3A_398 = tpu.memref_squeeze %dma_wait3A_397 : memref<1x128xi32, #tpu.memory_space<vmem>> -> memref<128xi32, #tpu.memory_space<vmem>>
      %dma_wait3A_399 = arith.constant 0 : i32
      %dma_wait3A_400 = arith.constant 0 : i32
      %dma_wait3A_401 = tpu.memref_slice %arg4[%dma_wait3A_399, %dma_wait3A_400] : memref<10000x128xi16, #tpu.memory_space<hbm>> -> memref<10000x128xi16, #tpu.memory_space<hbm>>
      %dma_wait3A_402 = tpu.memref_slice %arg11[%dma_wait3A_391] : memref<8x!tpu.dma_semaphore, #tpu.memory_space<semaphore_mem>> -> memref<1x!tpu.dma_semaphore, #tpu.memory_space<semaphore_mem>>
      %dma_wait3A_403 = tpu.memref_squeeze %dma_wait3A_402 : memref<1x!tpu.dma_semaphore, #tpu.memory_space<semaphore_mem>> -> memref<!tpu.dma_semaphore, #tpu.memory_space<semaphore_mem>>
      tpu.wait_indirect_dma semaphore(%dma_wait3A_403 : memref<!tpu.dma_semaphore, #tpu.memory_space<semaphore_mem>>) src(%dma_wait3A_401 : memref<10000x128xi16, #tpu.memory_space<hbm>>) dst(%dma_wait3A_395 : memref<128x128xi16, #tpu.memory_space<vmem>>)
      %dma_start3A_404 = arith.constant 3 : i32
      %dma_start3A_405 = arith.constant 3 : i32
      %dma_start3A_406 = arith.constant 3 : i32
      %dma_start3A_407 = arith.constant 0 : i32
      %dma_start3A_408 = arith.constant 0 : i32
      %dma_start3A_409 = tpu.memref_slice %arg9[%dma_start3A_404, %dma_start3A_407, %dma_start3A_408] : memref<8x128x128xi16, #tpu.memory_space<vmem>> -> memref<1x128x128xi16, #tpu.memory_space<vmem>>
      %dma_start3A_410 = tpu.memref_squeeze %dma_start3A_409 : memref<1x128x128xi16, #tpu.memory_space<vmem>> -> memref<128x128xi16, #tpu.memory_space<vmem>>
      %dma_start3A_411 = arith.constant 0 : i32
      %dma_start3A_412 = tpu.memref_slice %arg8[%dma_start3A_405, %dma_start3A_411] : memref<8x128xi32, #tpu.memory_space<vmem>> -> memref<1x128xi32, #tpu.memory_space<vmem>>
      %dma_start3A_413 = tpu.memref_squeeze %dma_start3A_412 : memref<1x128xi32, #tpu.memory_space<vmem>> -> memref<128xi32, #tpu.memory_space<vmem>>
      %dma_start3A_414 = arith.constant 0 : i32
      %dma_start3A_415 = arith.constant 0 : i32
      %dma_start3A_416 = tpu.memref_slice %arg10[%dma_start3A_414, %dma_start3A_415] : memref<10240x128xi16, #tpu.memory_space<vmem_shared>> -> memref<10240x128xi16, #tpu.memory_space<vmem_shared>>
      %dma_start3A_417 = tpu.memref_slice %arg12[%dma_start3A_406] : memref<8x!tpu.dma_semaphore, #tpu.memory_space<semaphore_mem>> -> memref<1x!tpu.dma_semaphore, #tpu.memory_space<semaphore_mem>>
      %dma_start3A_418 = tpu.memref_squeeze %dma_start3A_417 : memref<1x!tpu.dma_semaphore, #tpu.memory_space<semaphore_mem>> -> memref<!tpu.dma_semaphore, #tpu.memory_space<semaphore_mem>>
      tpu.enqueue_indirect_dma source(%dma_start3A_410 : memref<128x128xi16, #tpu.memory_space<vmem>>) target(%dma_start3A_416 : memref<10240x128xi16, #tpu.memory_space<vmem_shared>>) offsets(%dma_start3A_413 : memref<128xi32, #tpu.memory_space<vmem>>) semaphore(%dma_start3A_418 : memref<!tpu.dma_semaphore, #tpu.memory_space<semaphore_mem>>) {add = true}
      %dma_wait3A_419 = arith.constant 4 : i32
      %dma_wait3A_420 = arith.constant 4 : i32
      %dma_wait3A_421 = arith.constant 4 : i32
      %dma_wait3A_422 = arith.constant 0 : i32
      %dma_wait3A_423 = arith.constant 0 : i32
      %dma_wait3A_424 = tpu.memref_slice %arg9[%dma_wait3A_420, %dma_wait3A_422, %dma_wait3A_423] : memref<8x128x128xi16, #tpu.memory_space<vmem>> -> memref<1x128x128xi16, #tpu.memory_space<vmem>>
      %dma_wait3A_425 = tpu.memref_squeeze %dma_wait3A_424 : memref<1x128x128xi16, #tpu.memory_space<vmem>> -> memref<128x128xi16, #tpu.memory_space<vmem>>
      %dma_wait3A_426 = arith.constant 0 : i32
      %dma_wait3A_427 = tpu.memref_slice %arg7[%dma_wait3A_419, %dma_wait3A_426] : memref<8x128xi32, #tpu.memory_space<vmem>> -> memref<1x128xi32, #tpu.memory_space<vmem>>
      %dma_wait3A_428 = tpu.memref_squeeze %dma_wait3A_427 : memref<1x128xi32, #tpu.memory_space<vmem>> -> memref<128xi32, #tpu.memory_space<vmem>>
      %dma_wait3A_429 = arith.constant 0 : i32
      %dma_wait3A_430 = arith.constant 0 : i32
      %dma_wait3A_431 = tpu.memref_slice %arg4[%dma_wait3A_429, %dma_wait3A_430] : memref<10000x128xi16, #tpu.memory_space<hbm>> -> memref<10000x128xi16, #tpu.memory_space<hbm>>
      %dma_wait3A_432 = tpu.memref_slice %arg11[%dma_wait3A_421] : memref<8x!tpu.dma_semaphore, #tpu.memory_space<semaphore_mem>> -> memref<1x!tpu.dma_semaphore, #tpu.memory_space<semaphore_mem>>
      %dma_wait3A_433 = tpu.memref_squeeze %dma_wait3A_432 : memref<1x!tpu.dma_semaphore, #tpu.memory_space<semaphore_mem>> -> memref<!tpu.dma_semaphore, #tpu.memory_space<semaphore_mem>>
      tpu.wait_indirect_dma semaphore(%dma_wait3A_433 : memref<!tpu.dma_semaphore, #tpu.memory_space<semaphore_mem>>) src(%dma_wait3A_431 : memref<10000x128xi16, #tpu.memory_space<hbm>>) dst(%dma_wait3A_425 : memref<128x128xi16, #tpu.memory_space<vmem>>)
      %dma_start3A_434 = arith.constant 4 : i32
      %dma_start3A_435 = arith.constant 4 : i32
      %dma_start3A_436 = arith.constant 4 : i32
      %dma_start3A_437 = arith.constant 0 : i32
      %dma_start3A_438 = arith.constant 0 : i32
      %dma_start3A_439 = tpu.memref_slice %arg9[%dma_start3A_434, %dma_start3A_437, %dma_start3A_438] : memref<8x128x128xi16, #tpu.memory_space<vmem>> -> memref<1x128x128xi16, #tpu.memory_space<vmem>>
      %dma_start3A_440 = tpu.memref_squeeze %dma_start3A_439 : memref<1x128x128xi16, #tpu.memory_space<vmem>> -> memref<128x128xi16, #tpu.memory_space<vmem>>
      %dma_start3A_441 = arith.constant 0 : i32
      %dma_start3A_442 = tpu.memref_slice %arg8[%dma_start3A_435, %dma_start3A_441] : memref<8x128xi32, #tpu.memory_space<vmem>> -> memref<1x128xi32, #tpu.memory_space<vmem>>
      %dma_start3A_443 = tpu.memref_squeeze %dma_start3A_442 : memref<1x128xi32, #tpu.memory_space<vmem>> -> memref<128xi32, #tpu.memory_space<vmem>>
      %dma_start3A_444 = arith.constant 0 : i32
      %dma_start3A_445 = arith.constant 0 : i32
      %dma_start3A_446 = tpu.memref_slice %arg10[%dma_start3A_444, %dma_start3A_445] : memref<10240x128xi16, #tpu.memory_space<vmem_shared>> -> memref<10240x128xi16, #tpu.memory_space<vmem_shared>>
      %dma_start3A_447 = tpu.memref_slice %arg12[%dma_start3A_436] : memref<8x!tpu.dma_semaphore, #tpu.memory_space<semaphore_mem>> -> memref<1x!tpu.dma_semaphore, #tpu.memory_space<semaphore_mem>>
      %dma_start3A_448 = tpu.memref_squeeze %dma_start3A_447 : memref<1x!tpu.dma_semaphore, #tpu.memory_space<semaphore_mem>> -> memref<!tpu.dma_semaphore, #tpu.memory_space<semaphore_mem>>
      tpu.enqueue_indirect_dma source(%dma_start3A_440 : memref<128x128xi16, #tpu.memory_space<vmem>>) target(%dma_start3A_446 : memref<10240x128xi16, #tpu.memory_space<vmem_shared>>) offsets(%dma_start3A_443 : memref<128xi32, #tpu.memory_space<vmem>>) semaphore(%dma_start3A_448 : memref<!tpu.dma_semaphore, #tpu.memory_space<semaphore_mem>>) {add = true}
      %dma_wait3A_449 = arith.constant 5 : i32
      %dma_wait3A_450 = arith.constant 5 : i32
      %dma_wait3A_451 = arith.constant 5 : i32
      %dma_wait3A_452 = arith.constant 0 : i32
      %dma_wait3A_453 = arith.constant 0 : i32
      %dma_wait3A_454 = tpu.memref_slice %arg9[%dma_wait3A_450, %dma_wait3A_452, %dma_wait3A_453] : memref<8x128x128xi16, #tpu.memory_space<vmem>> -> memref<1x128x128xi16, #tpu.memory_space<vmem>>
      %dma_wait3A_455 = tpu.memref_squeeze %dma_wait3A_454 : memref<1x128x128xi16, #tpu.memory_space<vmem>> -> memref<128x128xi16, #tpu.memory_space<vmem>>
      %dma_wait3A_456 = arith.constant 0 : i32
      %dma_wait3A_457 = tpu.memref_slice %arg7[%dma_wait3A_449, %dma_wait3A_456] : memref<8x128xi32, #tpu.memory_space<vmem>> -> memref<1x128xi32, #tpu.memory_space<vmem>>
      %dma_wait3A_458 = tpu.memref_squeeze %dma_wait3A_457 : memref<1x128xi32, #tpu.memory_space<vmem>> -> memref<128xi32, #tpu.memory_space<vmem>>
      %dma_wait3A_459 = arith.constant 0 : i32
      %dma_wait3A_460 = arith.constant 0 : i32
      %dma_wait3A_461 = tpu.memref_slice %arg4[%dma_wait3A_459, %dma_wait3A_460] : memref<10000x128xi16, #tpu.memory_space<hbm>> -> memref<10000x128xi16, #tpu.memory_space<hbm>>
      %dma_wait3A_462 = tpu.memref_slice %arg11[%dma_wait3A_451] : memref<8x!tpu.dma_semaphore, #tpu.memory_space<semaphore_mem>> -> memref<1x!tpu.dma_semaphore, #tpu.memory_space<semaphore_mem>>
      %dma_wait3A_463 = tpu.memref_squeeze %dma_wait3A_462 : memref<1x!tpu.dma_semaphore, #tpu.memory_space<semaphore_mem>> -> memref<!tpu.dma_semaphore, #tpu.memory_space<semaphore_mem>>
      tpu.wait_indirect_dma semaphore(%dma_wait3A_463 : memref<!tpu.dma_semaphore, #tpu.memory_space<semaphore_mem>>) src(%dma_wait3A_461 : memref<10000x128xi16, #tpu.memory_space<hbm>>) dst(%dma_wait3A_455 : memref<128x128xi16, #tpu.memory_space<vmem>>)
      %dma_start3A_464 = arith.constant 5 : i32
      %dma_start3A_465 = arith.constant 5 : i32
      %dma_start3A_466 = arith.constant 5 : i32
      %dma_start3A_467 = arith.constant 0 : i32
      %dma_start3A_468 = arith.constant 0 : i32
      %dma_start3A_469 = tpu.memref_slice %arg9[%dma_start3A_464, %dma_start3A_467, %dma_start3A_468] : memref<8x128x128xi16, #tpu.memory_space<vmem>> -> memref<1x128x128xi16, #tpu.memory_space<vmem>>
      %dma_start3A_470 = tpu.memref_squeeze %dma_start3A_469 : memref<1x128x128xi16, #tpu.memory_space<vmem>> -> memref<128x128xi16, #tpu.memory_space<vmem>>
      %dma_start3A_471 = arith.constant 0 : i32
      %dma_start3A_472 = tpu.memref_slice %arg8[%dma_start3A_465, %dma_start3A_471] : memref<8x128xi32, #tpu.memory_space<vmem>> -> memref<1x128xi32, #tpu.memory_space<vmem>>
      %dma_start3A_473 = tpu.memref_squeeze %dma_start3A_472 : memref<1x128xi32, #tpu.memory_space<vmem>> -> memref<128xi32, #tpu.memory_space<vmem>>
      %dma_start3A_474 = arith.constant 0 : i32
      %dma_start3A_475 = arith.constant 0 : i32
      %dma_start3A_476 = tpu.memref_slice %arg10[%dma_start3A_474, %dma_start3A_475] : memref<10240x128xi16, #tpu.memory_space<vmem_shared>> -> memref<10240x128xi16, #tpu.memory_space<vmem_shared>>
      %dma_start3A_477 = tpu.memref_slice %arg12[%dma_start3A_466] : memref<8x!tpu.dma_semaphore, #tpu.memory_space<semaphore_mem>> -> memref<1x!tpu.dma_semaphore, #tpu.memory_space<semaphore_mem>>
      %dma_start3A_478 = tpu.memref_squeeze %dma_start3A_477 : memref<1x!tpu.dma_semaphore, #tpu.memory_space<semaphore_mem>> -> memref<!tpu.dma_semaphore, #tpu.memory_space<semaphore_mem>>
      tpu.enqueue_indirect_dma source(%dma_start3A_470 : memref<128x128xi16, #tpu.memory_space<vmem>>) target(%dma_start3A_476 : memref<10240x128xi16, #tpu.memory_space<vmem_shared>>) offsets(%dma_start3A_473 : memref<128xi32, #tpu.memory_space<vmem>>) semaphore(%dma_start3A_478 : memref<!tpu.dma_semaphore, #tpu.memory_space<semaphore_mem>>) {add = true}
      %dma_wait3A_479 = arith.constant 6 : i32
      %dma_wait3A_480 = arith.constant 6 : i32
      %dma_wait3A_481 = arith.constant 6 : i32
      %dma_wait3A_482 = arith.constant 0 : i32
      %dma_wait3A_483 = arith.constant 0 : i32
      %dma_wait3A_484 = tpu.memref_slice %arg9[%dma_wait3A_480, %dma_wait3A_482, %dma_wait3A_483] : memref<8x128x128xi16, #tpu.memory_space<vmem>> -> memref<1x128x128xi16, #tpu.memory_space<vmem>>
      %dma_wait3A_485 = tpu.memref_squeeze %dma_wait3A_484 : memref<1x128x128xi16, #tpu.memory_space<vmem>> -> memref<128x128xi16, #tpu.memory_space<vmem>>
      %dma_wait3A_486 = arith.constant 0 : i32
      %dma_wait3A_487 = tpu.memref_slice %arg7[%dma_wait3A_479, %dma_wait3A_486] : memref<8x128xi32, #tpu.memory_space<vmem>> -> memref<1x128xi32, #tpu.memory_space<vmem>>
      %dma_wait3A_488 = tpu.memref_squeeze %dma_wait3A_487 : memref<1x128xi32, #tpu.memory_space<vmem>> -> memref<128xi32, #tpu.memory_space<vmem>>
      %dma_wait3A_489 = arith.constant 0 : i32
      %dma_wait3A_490 = arith.constant 0 : i32
      %dma_wait3A_491 = tpu.memref_slice %arg4[%dma_wait3A_489, %dma_wait3A_490] : memref<10000x128xi16, #tpu.memory_space<hbm>> -> memref<10000x128xi16, #tpu.memory_space<hbm>>
      %dma_wait3A_492 = tpu.memref_slice %arg11[%dma_wait3A_481] : memref<8x!tpu.dma_semaphore, #tpu.memory_space<semaphore_mem>> -> memref<1x!tpu.dma_semaphore, #tpu.memory_space<semaphore_mem>>
      %dma_wait3A_493 = tpu.memref_squeeze %dma_wait3A_492 : memref<1x!tpu.dma_semaphore, #tpu.memory_space<semaphore_mem>> -> memref<!tpu.dma_semaphore, #tpu.memory_space<semaphore_mem>>
      tpu.wait_indirect_dma semaphore(%dma_wait3A_493 : memref<!tpu.dma_semaphore, #tpu.memory_space<semaphore_mem>>) src(%dma_wait3A_491 : memref<10000x128xi16, #tpu.memory_space<hbm>>) dst(%dma_wait3A_485 : memref<128x128xi16, #tpu.memory_space<vmem>>)
      %dma_start3A_494 = arith.constant 6 : i32
      %dma_start3A_495 = arith.constant 6 : i32
      %dma_start3A_496 = arith.constant 6 : i32
      %dma_start3A_497 = arith.constant 0 : i32
      %dma_start3A_498 = arith.constant 0 : i32
      %dma_start3A_499 = tpu.memref_slice %arg9[%dma_start3A_494, %dma_start3A_497, %dma_start3A_498] : memref<8x128x128xi16, #tpu.memory_space<vmem>> -> memref<1x128x128xi16, #tpu.memory_space<vmem>>
      %dma_start3A_500 = tpu.memref_squeeze %dma_start3A_499 : memref<1x128x128xi16, #tpu.memory_space<vmem>> -> memref<128x128xi16, #tpu.memory_space<vmem>>
      %dma_start3A_501 = arith.constant 0 : i32
      %dma_start3A_502 = tpu.memref_slice %arg8[%dma_start3A_495, %dma_start3A_501] : memref<8x128xi32, #tpu.memory_space<vmem>> -> memref<1x128xi32, #tpu.memory_space<vmem>>
      %dma_start3A_503 = tpu.memref_squeeze %dma_start3A_502 : memref<1x128xi32, #tpu.memory_space<vmem>> -> memref<128xi32, #tpu.memory_space<vmem>>
      %dma_start3A_504 = arith.constant 0 : i32
      %dma_start3A_505 = arith.constant 0 : i32
      %dma_start3A_506 = tpu.memref_slice %arg10[%dma_start3A_504, %dma_start3A_505] : memref<10240x128xi16, #tpu.memory_space<vmem_shared>> -> memref<10240x128xi16, #tpu.memory_space<vmem_shared>>
      %dma_start3A_507 = tpu.memref_slice %arg12[%dma_start3A_496] : memref<8x!tpu.dma_semaphore, #tpu.memory_space<semaphore_mem>> -> memref<1x!tpu.dma_semaphore, #tpu.memory_space<semaphore_mem>>
      %dma_start3A_508 = tpu.memref_squeeze %dma_start3A_507 : memref<1x!tpu.dma_semaphore, #tpu.memory_space<semaphore_mem>> -> memref<!tpu.dma_semaphore, #tpu.memory_space<semaphore_mem>>
      tpu.enqueue_indirect_dma source(%dma_start3A_500 : memref<128x128xi16, #tpu.memory_space<vmem>>) target(%dma_start3A_506 : memref<10240x128xi16, #tpu.memory_space<vmem_shared>>) offsets(%dma_start3A_503 : memref<128xi32, #tpu.memory_space<vmem>>) semaphore(%dma_start3A_508 : memref<!tpu.dma_semaphore, #tpu.memory_space<semaphore_mem>>) {add = true}
      %dma_wait3A_509 = arith.constant 7 : i32
      %dma_wait3A_510 = arith.constant 7 : i32
      %dma_wait3A_511 = arith.constant 7 : i32
      %dma_wait3A_512 = arith.constant 0 : i32
      %dma_wait3A_513 = arith.constant 0 : i32
      %dma_wait3A_514 = tpu.memref_slice %arg9[%dma_wait3A_510, %dma_wait3A_512, %dma_wait3A_513] : memref<8x128x128xi16, #tpu.memory_space<vmem>> -> memref<1x128x128xi16, #tpu.memory_space<vmem>>
      %dma_wait3A_515 = tpu.memref_squeeze %dma_wait3A_514 : memref<1x128x128xi16, #tpu.memory_space<vmem>> -> memref<128x128xi16, #tpu.memory_space<vmem>>
      %dma_wait3A_516 = arith.constant 0 : i32
      %dma_wait3A_517 = tpu.memref_slice %arg7[%dma_wait3A_509, %dma_wait3A_516] : memref<8x128xi32, #tpu.memory_space<vmem>> -> memref<1x128xi32, #tpu.memory_space<vmem>>
      %dma_wait3A_518 = tpu.memref_squeeze %dma_wait3A_517 : memref<1x128xi32, #tpu.memory_space<vmem>> -> memref<128xi32, #tpu.memory_space<vmem>>
      %dma_wait3A_519 = arith.constant 0 : i32
      %dma_wait3A_520 = arith.constant 0 : i32
      %dma_wait3A_521 = tpu.memref_slice %arg4[%dma_wait3A_519, %dma_wait3A_520] : memref<10000x128xi16, #tpu.memory_space<hbm>> -> memref<10000x128xi16, #tpu.memory_space<hbm>>
      %dma_wait3A_522 = tpu.memref_slice %arg11[%dma_wait3A_511] : memref<8x!tpu.dma_semaphore, #tpu.memory_space<semaphore_mem>> -> memref<1x!tpu.dma_semaphore, #tpu.memory_space<semaphore_mem>>
      %dma_wait3A_523 = tpu.memref_squeeze %dma_wait3A_522 : memref<1x!tpu.dma_semaphore, #tpu.memory_space<semaphore_mem>> -> memref<!tpu.dma_semaphore, #tpu.memory_space<semaphore_mem>>
      tpu.wait_indirect_dma semaphore(%dma_wait3A_523 : memref<!tpu.dma_semaphore, #tpu.memory_space<semaphore_mem>>) src(%dma_wait3A_521 : memref<10000x128xi16, #tpu.memory_space<hbm>>) dst(%dma_wait3A_515 : memref<128x128xi16, #tpu.memory_space<vmem>>)
      %dma_start3A_524 = arith.constant 7 : i32
      %dma_start3A_525 = arith.constant 7 : i32
      %dma_start3A_526 = arith.constant 7 : i32
      %dma_start3A_527 = arith.constant 0 : i32
      %dma_start3A_528 = arith.constant 0 : i32
      %dma_start3A_529 = tpu.memref_slice %arg9[%dma_start3A_524, %dma_start3A_527, %dma_start3A_528] : memref<8x128x128xi16, #tpu.memory_space<vmem>> -> memref<1x128x128xi16, #tpu.memory_space<vmem>>
      %dma_start3A_530 = tpu.memref_squeeze %dma_start3A_529 : memref<1x128x128xi16, #tpu.memory_space<vmem>> -> memref<128x128xi16, #tpu.memory_space<vmem>>
      %dma_start3A_531 = arith.constant 0 : i32
      %dma_start3A_532 = tpu.memref_slice %arg8[%dma_start3A_525, %dma_start3A_531] : memref<8x128xi32, #tpu.memory_space<vmem>> -> memref<1x128xi32, #tpu.memory_space<vmem>>
      %dma_start3A_533 = tpu.memref_squeeze %dma_start3A_532 : memref<1x128xi32, #tpu.memory_space<vmem>> -> memref<128xi32, #tpu.memory_space<vmem>>
      %dma_start3A_534 = arith.constant 0 : i32
      %dma_start3A_535 = arith.constant 0 : i32
      %dma_start3A_536 = tpu.memref_slice %arg10[%dma_start3A_534, %dma_start3A_535] : memref<10240x128xi16, #tpu.memory_space<vmem_shared>> -> memref<10240x128xi16, #tpu.memory_space<vmem_shared>>
      %dma_start3A_537 = tpu.memref_slice %arg12[%dma_start3A_526] : memref<8x!tpu.dma_semaphore, #tpu.memory_space<semaphore_mem>> -> memref<1x!tpu.dma_semaphore, #tpu.memory_space<semaphore_mem>>
      %dma_start3A_538 = tpu.memref_squeeze %dma_start3A_537 : memref<1x!tpu.dma_semaphore, #tpu.memory_space<semaphore_mem>> -> memref<!tpu.dma_semaphore, #tpu.memory_space<semaphore_mem>>
      tpu.enqueue_indirect_dma source(%dma_start3A_530 : memref<128x128xi16, #tpu.memory_space<vmem>>) target(%dma_start3A_536 : memref<10240x128xi16, #tpu.memory_space<vmem_shared>>) offsets(%dma_start3A_533 : memref<128xi32, #tpu.memory_space<vmem>>) semaphore(%dma_start3A_538 : memref<!tpu.dma_semaphore, #tpu.memory_space<semaphore_mem>>) {add = true}
      %add3A_539 = arith.constant 1 : i32
      %add3A_540 = arith.addi %scan3A_298, %add3A_539 : i32
      %mul3A_541 = arith.constant 8 : i32
      %mul3A_542 = arith.muli %mul3A_541, %add3A_540 : i32
      %add3A_543 = arith.constant 0 : i32
      %add3A_544 = arith.addi %mul3A_542, %add3A_543 : i32
      %dma_wait3A_545 = arith.constant 0 : i32
      %dma_wait3A_546 = arith.constant 0 : i32
      %dma_wait3A_547 = arith.constant 0 : i32
      %dma_wait3A_548 = arith.constant 0 : i32
      %dma_wait3A_549 = arith.constant 0 : i32
      %dma_wait3A_550 = tpu.memref_slice %arg9[%dma_wait3A_545, %dma_wait3A_548, %dma_wait3A_549] : memref<8x128x128xi16, #tpu.memory_space<vmem>> -> memref<1x128x128xi16, #tpu.memory_space<vmem>>
      %dma_wait3A_551 = tpu.memref_squeeze %dma_wait3A_550 : memref<1x128x128xi16, #tpu.memory_space<vmem>> -> memref<128x128xi16, #tpu.memory_space<vmem>>
      %dma_wait3A_552 = arith.constant 0 : i32
      %dma_wait3A_553 = tpu.memref_slice %arg8[%dma_wait3A_546, %dma_wait3A_552] : memref<8x128xi32, #tpu.memory_space<vmem>> -> memref<1x128xi32, #tpu.memory_space<vmem>>
      %dma_wait3A_554 = tpu.memref_squeeze %dma_wait3A_553 : memref<1x128xi32, #tpu.memory_space<vmem>> -> memref<128xi32, #tpu.memory_space<vmem>>
      %dma_wait3A_555 = arith.constant 0 : i32
      %dma_wait3A_556 = arith.constant 0 : i32
      %dma_wait3A_557 = tpu.memref_slice %arg10[%dma_wait3A_555, %dma_wait3A_556] : memref<10240x128xi16, #tpu.memory_space<vmem_shared>> -> memref<10240x128xi16, #tpu.memory_space<vmem_shared>>
      %dma_wait3A_558 = tpu.memref_slice %arg12[%dma_wait3A_547] : memref<8x!tpu.dma_semaphore, #tpu.memory_space<semaphore_mem>> -> memref<1x!tpu.dma_semaphore, #tpu.memory_space<semaphore_mem>>
      %dma_wait3A_559 = tpu.memref_squeeze %dma_wait3A_558 : memref<1x!tpu.dma_semaphore, #tpu.memory_space<semaphore_mem>> -> memref<!tpu.dma_semaphore, #tpu.memory_space<semaphore_mem>>
      tpu.wait_indirect_dma semaphore(%dma_wait3A_559 : memref<!tpu.dma_semaphore, #tpu.memory_space<semaphore_mem>>) src(%dma_wait3A_551 : memref<128x128xi16, #tpu.memory_space<vmem>>) dst(%dma_wait3A_557 : memref<10240x128xi16, #tpu.memory_space<vmem_shared>>)
      %mul3A_560 = arith.constant 10240 : i32
      %mul3A_561 = arith.muli %add3A, %mul3A_560 : i32
      %mul3A_562 = arith.constant 128 : i32
      %mul3A_563 = arith.muli %add3A_544, %mul3A_562 : i32
      %add3A_564 = arith.addi %mul3A_561, %mul3A_563 : i32
      %run_scoped3A_565 = arith.constant 0 : i32
      "tpu.region"() ({
        %run_scoped3A_883 = tpu.sem_alloc : memref<!tpu.dma_semaphore, #tpu.memory_space<semaphore_mem>>
        %dma_start3A_884 = arith.constant 0 : i32
        %dma_start3A_885 = tpu.memref_slice %arg7[%run_scoped3A_565, %dma_start3A_884] : memref<8x128xi32, #tpu.memory_space<vmem>> -> memref<1x128xi32, #tpu.memory_space<vmem>>
        %dma_start3A_886 = tpu.memref_squeeze %dma_start3A_885 : memref<1x128xi32, #tpu.memory_space<vmem>> -> memref<128xi32, #tpu.memory_space<vmem>>
        %dma_start3A_887 = tpu.memref_slice %arg2[%add3A_564] : memref<328704xi32, #tpu.memory_space<hbm>> -> memref<128xi32, #tpu.memory_space<hbm>>
        %dma_start3A_888 = arith.constant 0 : i32
        %dma_start3A_889 = tpu.memref_slice %arg7[%run_scoped3A_565, %dma_start3A_888] : memref<8x128xi32, #tpu.memory_space<vmem>> -> memref<1x128xi32, #tpu.memory_space<vmem>>
        %dma_start3A_890 = tpu.memref_squeeze %dma_start3A_889 : memref<1x128xi32, #tpu.memory_space<vmem>> -> memref<128xi32, #tpu.memory_space<vmem>>
        %dma_start3A_891 = tpu.memref_slice %arg2[%add3A_564] : memref<328704xi32, #tpu.memory_space<hbm>> -> memref<128xi32, #tpu.memory_space<hbm>>
        tpu.enqueue_dma source(%dma_start3A_891 : memref<128xi32, #tpu.memory_space<hbm>>) target(%dma_start3A_890 : memref<128xi32, #tpu.memory_space<vmem>>) target_semaphore(%run_scoped3A_883 : memref<!tpu.dma_semaphore, #tpu.memory_space<semaphore_mem>>)
        %dma_wait3A_892 = arith.constant 0 : i32
        %dma_wait3A_893 = tpu.memref_slice %arg7[%run_scoped3A_565, %dma_wait3A_892] : memref<8x128xi32, #tpu.memory_space<vmem>> -> memref<1x128xi32, #tpu.memory_space<vmem>>
        %dma_wait3A_894 = tpu.memref_squeeze %dma_wait3A_893 : memref<1x128xi32, #tpu.memory_space<vmem>> -> memref<128xi32, #tpu.memory_space<vmem>>
        %dma_wait3A_895 = tpu.memref_slice %arg2[%add3A_564] : memref<328704xi32, #tpu.memory_space<hbm>> -> memref<128xi32, #tpu.memory_space<hbm>>
        %dma_wait3A_896 = arith.constant 0 : i32
        %dma_wait3A_897 = tpu.memref_slice %arg7[%run_scoped3A_565, %dma_wait3A_896] : memref<8x128xi32, #tpu.memory_space<vmem>> -> memref<1x128xi32, #tpu.memory_space<vmem>>
        %dma_wait3A_898 = tpu.memref_squeeze %dma_wait3A_897 : memref<1x128xi32, #tpu.memory_space<vmem>> -> memref<128xi32, #tpu.memory_space<vmem>>
        %dma_wait3A_899 = tpu.memref_slice %arg2[%add3A_564] : memref<328704xi32, #tpu.memory_space<hbm>> -> memref<128xi32, #tpu.memory_space<hbm>>
        tpu.wait_dma2 semaphore(%run_scoped3A_883 : memref<!tpu.dma_semaphore, #tpu.memory_space<semaphore_mem>>) src(%dma_wait3A_899 : memref<128xi32, #tpu.memory_space<hbm>>) dst(%dma_wait3A_898 : memref<128xi32, #tpu.memory_space<vmem>>)
        tpu.yield
      }) : () -> ()
      %run_scoped3A_566 = arith.constant 0 : i32
      "tpu.region"() ({
        %run_scoped3A_883 = tpu.sem_alloc : memref<!tpu.dma_semaphore, #tpu.memory_space<semaphore_mem>>
        %dma_start3A_884 = arith.constant 0 : i32
        %dma_start3A_885 = tpu.memref_slice %arg8[%run_scoped3A_566, %dma_start3A_884] : memref<8x128xi32, #tpu.memory_space<vmem>> -> memref<1x128xi32, #tpu.memory_space<vmem>>
        %dma_start3A_886 = tpu.memref_squeeze %dma_start3A_885 : memref<1x128xi32, #tpu.memory_space<vmem>> -> memref<128xi32, #tpu.memory_space<vmem>>
        %dma_start3A_887 = tpu.memref_slice %arg3[%add3A_564] : memref<328704xi32, #tpu.memory_space<hbm>> -> memref<128xi32, #tpu.memory_space<hbm>>
        %dma_start3A_888 = arith.constant 0 : i32
        %dma_start3A_889 = tpu.memref_slice %arg8[%run_scoped3A_566, %dma_start3A_888] : memref<8x128xi32, #tpu.memory_space<vmem>> -> memref<1x128xi32, #tpu.memory_space<vmem>>
        %dma_start3A_890 = tpu.memref_squeeze %dma_start3A_889 : memref<1x128xi32, #tpu.memory_space<vmem>> -> memref<128xi32, #tpu.memory_space<vmem>>
        %dma_start3A_891 = tpu.memref_slice %arg3[%add3A_564] : memref<328704xi32, #tpu.memory_space<hbm>> -> memref<128xi32, #tpu.memory_space<hbm>>
        tpu.enqueue_dma source(%dma_start3A_891 : memref<128xi32, #tpu.memory_space<hbm>>) target(%dma_start3A_890 : memref<128xi32, #tpu.memory_space<vmem>>) target_semaphore(%run_scoped3A_883 : memref<!tpu.dma_semaphore, #tpu.memory_space<semaphore_mem>>)
        %dma_wait3A_892 = arith.constant 0 : i32
        %dma_wait3A_893 = tpu.memref_slice %arg8[%run_scoped3A_566, %dma_wait3A_892] : memref<8x128xi32, #tpu.memory_space<vmem>> -> memref<1x128xi32, #tpu.memory_space<vmem>>
        %dma_wait3A_894 = tpu.memref_squeeze %dma_wait3A_893 : memref<1x128xi32, #tpu.memory_space<vmem>> -> memref<128xi32, #tpu.memory_space<vmem>>
        %dma_wait3A_895 = tpu.memref_slice %arg3[%add3A_564] : memref<328704xi32, #tpu.memory_space<hbm>> -> memref<128xi32, #tpu.memory_space<hbm>>
        %dma_wait3A_896 = arith.constant 0 : i32
        %dma_wait3A_897 = tpu.memref_slice %arg8[%run_scoped3A_566, %dma_wait3A_896] : memref<8x128xi32, #tpu.memory_space<vmem>> -> memref<1x128xi32, #tpu.memory_space<vmem>>
        %dma_wait3A_898 = tpu.memref_squeeze %dma_wait3A_897 : memref<1x128xi32, #tpu.memory_space<vmem>> -> memref<128xi32, #tpu.memory_space<vmem>>
        %dma_wait3A_899 = tpu.memref_slice %arg3[%add3A_564] : memref<328704xi32, #tpu.memory_space<hbm>> -> memref<128xi32, #tpu.memory_space<hbm>>
        tpu.wait_dma2 semaphore(%run_scoped3A_883 : memref<!tpu.dma_semaphore, #tpu.memory_space<semaphore_mem>>) src(%dma_wait3A_899 : memref<128xi32, #tpu.memory_space<hbm>>) dst(%dma_wait3A_898 : memref<128xi32, #tpu.memory_space<vmem>>)
        tpu.yield
      }) : () -> ()
      %dma_start3A_567 = arith.constant 0 : i32
      %dma_start3A_568 = arith.constant 0 : i32
      %dma_start3A_569 = arith.constant 0 : i32
      %dma_start3A_570 = arith.constant 0 : i32
      %dma_start3A_571 = arith.constant 0 : i32
      %dma_start3A_572 = tpu.memref_slice %arg9[%dma_start3A_568, %dma_start3A_570, %dma_start3A_571] : memref<8x128x128xi16, #tpu.memory_space<vmem>> -> memref<1x128x128xi16, #tpu.memory_space<vmem>>
      %dma_start3A_573 = tpu.memref_squeeze %dma_start3A_572 : memref<1x128x128xi16, #tpu.memory_space<vmem>> -> memref<128x128xi16, #tpu.memory_space<vmem>>
      %dma_start3A_574 = arith.constant 0 : i32
      %dma_start3A_575 = tpu.memref_slice %arg7[%dma_start3A_567, %dma_start3A_574] : memref<8x128xi32, #tpu.memory_space<vmem>> -> memref<1x128xi32, #tpu.memory_space<vmem>>
      %dma_start3A_576 = tpu.memref_squeeze %dma_start3A_575 : memref<1x128xi32, #tpu.memory_space<vmem>> -> memref<128xi32, #tpu.memory_space<vmem>>
      %dma_start3A_577 = arith.constant 0 : i32
      %dma_start3A_578 = arith.constant 0 : i32
      %dma_start3A_579 = tpu.memref_slice %arg4[%dma_start3A_577, %dma_start3A_578] : memref<10000x128xi16, #tpu.memory_space<hbm>> -> memref<10000x128xi16, #tpu.memory_space<hbm>>
      %dma_start3A_580 = tpu.memref_slice %arg11[%dma_start3A_569] : memref<8x!tpu.dma_semaphore, #tpu.memory_space<semaphore_mem>> -> memref<1x!tpu.dma_semaphore, #tpu.memory_space<semaphore_mem>>
      %dma_start3A_581 = tpu.memref_squeeze %dma_start3A_580 : memref<1x!tpu.dma_semaphore, #tpu.memory_space<semaphore_mem>> -> memref<!tpu.dma_semaphore, #tpu.memory_space<semaphore_mem>>
      tpu.enqueue_indirect_dma source(%dma_start3A_579 : memref<10000x128xi16, #tpu.memory_space<hbm>>) target(%dma_start3A_573 : memref<128x128xi16, #tpu.memory_space<vmem>>) offsets(%dma_start3A_576 : memref<128xi32, #tpu.memory_space<vmem>>) semaphore(%dma_start3A_581 : memref<!tpu.dma_semaphore, #tpu.memory_space<semaphore_mem>>)
      %add3A_582 = arith.constant 1 : i32
      %add3A_583 = arith.addi %scan3A_298, %add3A_582 : i32
      %mul3A_584 = arith.constant 8 : i32
      %mul3A_585 = arith.muli %mul3A_584, %add3A_583 : i32
      %add3A_586 = arith.constant 1 : i32
      %add3A_587 = arith.addi %mul3A_585, %add3A_586 : i32
      %dma_wait3A_588 = arith.constant 1 : i32
      %dma_wait3A_589 = arith.constant 1 : i32
      %dma_wait3A_590 = arith.constant 1 : i32
      %dma_wait3A_591 = arith.constant 0 : i32
      %dma_wait3A_592 = arith.constant 0 : i32
      %dma_wait3A_593 = tpu.memref_slice %arg9[%dma_wait3A_588, %dma_wait3A_591, %dma_wait3A_592] : memref<8x128x128xi16, #tpu.memory_space<vmem>> -> memref<1x128x128xi16, #tpu.memory_space<vmem>>
      %dma_wait3A_594 = tpu.memref_squeeze %dma_wait3A_593 : memref<1x128x128xi16, #tpu.memory_space<vmem>> -> memref<128x128xi16, #tpu.memory_space<vmem>>
      %dma_wait3A_595 = arith.constant 0 : i32
      %dma_wait3A_596 = tpu.memref_slice %arg8[%dma_wait3A_589, %dma_wait3A_595] : memref<8x128xi32, #tpu.memory_space<vmem>> -> memref<1x128xi32, #tpu.memory_space<vmem>>
      %dma_wait3A_597 = tpu.memref_squeeze %dma_wait3A_596 : memref<1x128xi32, #tpu.memory_space<vmem>> -> memref<128xi32, #tpu.memory_space<vmem>>
      %dma_wait3A_598 = arith.constant 0 : i32
      %dma_wait3A_599 = arith.constant 0 : i32
      %dma_wait3A_600 = tpu.memref_slice %arg10[%dma_wait3A_598, %dma_wait3A_599] : memref<10240x128xi16, #tpu.memory_space<vmem_shared>> -> memref<10240x128xi16, #tpu.memory_space<vmem_shared>>
      %dma_wait3A_601 = tpu.memref_slice %arg12[%dma_wait3A_590] : memref<8x!tpu.dma_semaphore, #tpu.memory_space<semaphore_mem>> -> memref<1x!tpu.dma_semaphore, #tpu.memory_space<semaphore_mem>>
      %dma_wait3A_602 = tpu.memref_squeeze %dma_wait3A_601 : memref<1x!tpu.dma_semaphore, #tpu.memory_space<semaphore_mem>> -> memref<!tpu.dma_semaphore, #tpu.memory_space<semaphore_mem>>
      tpu.wait_indirect_dma semaphore(%dma_wait3A_602 : memref<!tpu.dma_semaphore, #tpu.memory_space<semaphore_mem>>) src(%dma_wait3A_594 : memref<128x128xi16, #tpu.memory_space<vmem>>) dst(%dma_wait3A_600 : memref<10240x128xi16, #tpu.memory_space<vmem_shared>>)
      %mul3A_603 = arith.constant 10240 : i32
      %mul3A_604 = arith.muli %add3A, %mul3A_603 : i32
      %mul3A_605 = arith.constant 128 : i32
      %mul3A_606 = arith.muli %add3A_587, %mul3A_605 : i32
      %add3A_607 = arith.addi %mul3A_604, %mul3A_606 : i32
      %run_scoped3A_608 = arith.constant 1 : i32
      "tpu.region"() ({
        %run_scoped3A_883 = tpu.sem_alloc : memref<!tpu.dma_semaphore, #tpu.memory_space<semaphore_mem>>
        %dma_start3A_884 = arith.constant 0 : i32
        %dma_start3A_885 = tpu.memref_slice %arg7[%run_scoped3A_608, %dma_start3A_884] : memref<8x128xi32, #tpu.memory_space<vmem>> -> memref<1x128xi32, #tpu.memory_space<vmem>>
        %dma_start3A_886 = tpu.memref_squeeze %dma_start3A_885 : memref<1x128xi32, #tpu.memory_space<vmem>> -> memref<128xi32, #tpu.memory_space<vmem>>
        %dma_start3A_887 = tpu.memref_slice %arg2[%add3A_607] : memref<328704xi32, #tpu.memory_space<hbm>> -> memref<128xi32, #tpu.memory_space<hbm>>
        %dma_start3A_888 = arith.constant 0 : i32
        %dma_start3A_889 = tpu.memref_slice %arg7[%run_scoped3A_608, %dma_start3A_888] : memref<8x128xi32, #tpu.memory_space<vmem>> -> memref<1x128xi32, #tpu.memory_space<vmem>>
        %dma_start3A_890 = tpu.memref_squeeze %dma_start3A_889 : memref<1x128xi32, #tpu.memory_space<vmem>> -> memref<128xi32, #tpu.memory_space<vmem>>
        %dma_start3A_891 = tpu.memref_slice %arg2[%add3A_607] : memref<328704xi32, #tpu.memory_space<hbm>> -> memref<128xi32, #tpu.memory_space<hbm>>
        tpu.enqueue_dma source(%dma_start3A_891 : memref<128xi32, #tpu.memory_space<hbm>>) target(%dma_start3A_890 : memref<128xi32, #tpu.memory_space<vmem>>) target_semaphore(%run_scoped3A_883 : memref<!tpu.dma_semaphore, #tpu.memory_space<semaphore_mem>>)
        %dma_wait3A_892 = arith.constant 0 : i32
        %dma_wait3A_893 = tpu.memref_slice %arg7[%run_scoped3A_608, %dma_wait3A_892] : memref<8x128xi32, #tpu.memory_space<vmem>> -> memref<1x128xi32, #tpu.memory_space<vmem>>
        %dma_wait3A_894 = tpu.memref_squeeze %dma_wait3A_893 : memref<1x128xi32, #tpu.memory_space<vmem>> -> memref<128xi32, #tpu.memory_space<vmem>>
        %dma_wait3A_895 = tpu.memref_slice %arg2[%add3A_607] : memref<328704xi32, #tpu.memory_space<hbm>> -> memref<128xi32, #tpu.memory_space<hbm>>
        %dma_wait3A_896 = arith.constant 0 : i32
        %dma_wait3A_897 = tpu.memref_slice %arg7[%run_scoped3A_608, %dma_wait3A_896] : memref<8x128xi32, #tpu.memory_space<vmem>> -> memref<1x128xi32, #tpu.memory_space<vmem>>
        %dma_wait3A_898 = tpu.memref_squeeze %dma_wait3A_897 : memref<1x128xi32, #tpu.memory_space<vmem>> -> memref<128xi32, #tpu.memory_space<vmem>>
        %dma_wait3A_899 = tpu.memref_slice %arg2[%add3A_607] : memref<328704xi32, #tpu.memory_space<hbm>> -> memref<128xi32, #tpu.memory_space<hbm>>
        tpu.wait_dma2 semaphore(%run_scoped3A_883 : memref<!tpu.dma_semaphore, #tpu.memory_space<semaphore_mem>>) src(%dma_wait3A_899 : memref<128xi32, #tpu.memory_space<hbm>>) dst(%dma_wait3A_898 : memref<128xi32, #tpu.memory_space<vmem>>)
        tpu.yield
      }) : () -> ()
      %run_scoped3A_609 = arith.constant 1 : i32
      "tpu.region"() ({
        %run_scoped3A_883 = tpu.sem_alloc : memref<!tpu.dma_semaphore, #tpu.memory_space<semaphore_mem>>
        %dma_start3A_884 = arith.constant 0 : i32
        %dma_start3A_885 = tpu.memref_slice %arg8[%run_scoped3A_609, %dma_start3A_884] : memref<8x128xi32, #tpu.memory_space<vmem>> -> memref<1x128xi32, #tpu.memory_space<vmem>>
        %dma_start3A_886 = tpu.memref_squeeze %dma_start3A_885 : memref<1x128xi32, #tpu.memory_space<vmem>> -> memref<128xi32, #tpu.memory_space<vmem>>
        %dma_start3A_887 = tpu.memref_slice %arg3[%add3A_607] : memref<328704xi32, #tpu.memory_space<hbm>> -> memref<128xi32, #tpu.memory_space<hbm>>
        %dma_start3A_888 = arith.constant 0 : i32
        %dma_start3A_889 = tpu.memref_slice %arg8[%run_scoped3A_609, %dma_start3A_888] : memref<8x128xi32, #tpu.memory_space<vmem>> -> memref<1x128xi32, #tpu.memory_space<vmem>>
        %dma_start3A_890 = tpu.memref_squeeze %dma_start3A_889 : memref<1x128xi32, #tpu.memory_space<vmem>> -> memref<128xi32, #tpu.memory_space<vmem>>
        %dma_start3A_891 = tpu.memref_slice %arg3[%add3A_607] : memref<328704xi32, #tpu.memory_space<hbm>> -> memref<128xi32, #tpu.memory_space<hbm>>
        tpu.enqueue_dma source(%dma_start3A_891 : memref<128xi32, #tpu.memory_space<hbm>>) target(%dma_start3A_890 : memref<128xi32, #tpu.memory_space<vmem>>) target_semaphore(%run_scoped3A_883 : memref<!tpu.dma_semaphore, #tpu.memory_space<semaphore_mem>>)
        %dma_wait3A_892 = arith.constant 0 : i32
        %dma_wait3A_893 = tpu.memref_slice %arg8[%run_scoped3A_609, %dma_wait3A_892] : memref<8x128xi32, #tpu.memory_space<vmem>> -> memref<1x128xi32, #tpu.memory_space<vmem>>
        %dma_wait3A_894 = tpu.memref_squeeze %dma_wait3A_893 : memref<1x128xi32, #tpu.memory_space<vmem>> -> memref<128xi32, #tpu.memory_space<vmem>>
        %dma_wait3A_895 = tpu.memref_slice %arg3[%add3A_607] : memref<328704xi32, #tpu.memory_space<hbm>> -> memref<128xi32, #tpu.memory_space<hbm>>
        %dma_wait3A_896 = arith.constant 0 : i32
        %dma_wait3A_897 = tpu.memref_slice %arg8[%run_scoped3A_609, %dma_wait3A_896] : memref<8x128xi32, #tpu.memory_space<vmem>> -> memref<1x128xi32, #tpu.memory_space<vmem>>
        %dma_wait3A_898 = tpu.memref_squeeze %dma_wait3A_897 : memref<1x128xi32, #tpu.memory_space<vmem>> -> memref<128xi32, #tpu.memory_space<vmem>>
        %dma_wait3A_899 = tpu.memref_slice %arg3[%add3A_607] : memref<328704xi32, #tpu.memory_space<hbm>> -> memref<128xi32, #tpu.memory_space<hbm>>
        tpu.wait_dma2 semaphore(%run_scoped3A_883 : memref<!tpu.dma_semaphore, #tpu.memory_space<semaphore_mem>>) src(%dma_wait3A_899 : memref<128xi32, #tpu.memory_space<hbm>>) dst(%dma_wait3A_898 : memref<128xi32, #tpu.memory_space<vmem>>)
        tpu.yield
      }) : () -> ()
      %dma_start3A_610 = arith.constant 1 : i32
      %dma_start3A_611 = arith.constant 1 : i32
      %dma_start3A_612 = arith.constant 1 : i32
      %dma_start3A_613 = arith.constant 0 : i32
      %dma_start3A_614 = arith.constant 0 : i32
      %dma_start3A_615 = tpu.memref_slice %arg9[%dma_start3A_611, %dma_start3A_613, %dma_start3A_614] : memref<8x128x128xi16, #tpu.memory_space<vmem>> -> memref<1x128x128xi16, #tpu.memory_space<vmem>>
      %dma_start3A_616 = tpu.memref_squeeze %dma_start3A_615 : memref<1x128x128xi16, #tpu.memory_space<vmem>> -> memref<128x128xi16, #tpu.memory_space<vmem>>
      %dma_start3A_617 = arith.constant 0 : i32
      %dma_start3A_618 = tpu.memref_slice %arg7[%dma_start3A_610, %dma_start3A_617] : memref<8x128xi32, #tpu.memory_space<vmem>> -> memref<1x128xi32, #tpu.memory_space<vmem>>
      %dma_start3A_619 = tpu.memref_squeeze %dma_start3A_618 : memref<1x128xi32, #tpu.memory_space<vmem>> -> memref<128xi32, #tpu.memory_space<vmem>>
      %dma_start3A_620 = arith.constant 0 : i32
      %dma_start3A_621 = arith.constant 0 : i32
      %dma_start3A_622 = tpu.memref_slice %arg4[%dma_start3A_620, %dma_start3A_621] : memref<10000x128xi16, #tpu.memory_space<hbm>> -> memref<10000x128xi16, #tpu.memory_space<hbm>>
      %dma_start3A_623 = tpu.memref_slice %arg11[%dma_start3A_612] : memref<8x!tpu.dma_semaphore, #tpu.memory_space<semaphore_mem>> -> memref<1x!tpu.dma_semaphore, #tpu.memory_space<semaphore_mem>>
      %dma_start3A_624 = tpu.memref_squeeze %dma_start3A_623 : memref<1x!tpu.dma_semaphore, #tpu.memory_space<semaphore_mem>> -> memref<!tpu.dma_semaphore, #tpu.memory_space<semaphore_mem>>
      tpu.enqueue_indirect_dma source(%dma_start3A_622 : memref<10000x128xi16, #tpu.memory_space<hbm>>) target(%dma_start3A_616 : memref<128x128xi16, #tpu.memory_space<vmem>>) offsets(%dma_start3A_619 : memref<128xi32, #tpu.memory_space<vmem>>) semaphore(%dma_start3A_624 : memref<!tpu.dma_semaphore, #tpu.memory_space<semaphore_mem>>)
      %add3A_625 = arith.constant 1 : i32
      %add3A_626 = arith.addi %scan3A_298, %add3A_625 : i32
      %mul3A_627 = arith.constant 8 : i32
      %mul3A_628 = arith.muli %mul3A_627, %add3A_626 : i32
      %add3A_629 = arith.constant 2 : i32
      %add3A_630 = arith.addi %mul3A_628, %add3A_629 : i32
      %dma_wait3A_631 = arith.constant 2 : i32
      %dma_wait3A_632 = arith.constant 2 : i32
      %dma_wait3A_633 = arith.constant 2 : i32
      %dma_wait3A_634 = arith.constant 0 : i32
      %dma_wait3A_635 = arith.constant 0 : i32
      %dma_wait3A_636 = tpu.memref_slice %arg9[%dma_wait3A_631, %dma_wait3A_634, %dma_wait3A_635] : memref<8x128x128xi16, #tpu.memory_space<vmem>> -> memref<1x128x128xi16, #tpu.memory_space<vmem>>
      %dma_wait3A_637 = tpu.memref_squeeze %dma_wait3A_636 : memref<1x128x128xi16, #tpu.memory_space<vmem>> -> memref<128x128xi16, #tpu.memory_space<vmem>>
      %dma_wait3A_638 = arith.constant 0 : i32
      %dma_wait3A_639 = tpu.memref_slice %arg8[%dma_wait3A_632, %dma_wait3A_638] : memref<8x128xi32, #tpu.memory_space<vmem>> -> memref<1x128xi32, #tpu.memory_space<vmem>>
      %dma_wait3A_640 = tpu.memref_squeeze %dma_wait3A_639 : memref<1x128xi32, #tpu.memory_space<vmem>> -> memref<128xi32, #tpu.memory_space<vmem>>
      %dma_wait3A_641 = arith.constant 0 : i32
      %dma_wait3A_642 = arith.constant 0 : i32
      %dma_wait3A_643 = tpu.memref_slice %arg10[%dma_wait3A_641, %dma_wait3A_642] : memref<10240x128xi16, #tpu.memory_space<vmem_shared>> -> memref<10240x128xi16, #tpu.memory_space<vmem_shared>>
      %dma_wait3A_644 = tpu.memref_slice %arg12[%dma_wait3A_633] : memref<8x!tpu.dma_semaphore, #tpu.memory_space<semaphore_mem>> -> memref<1x!tpu.dma_semaphore, #tpu.memory_space<semaphore_mem>>
      %dma_wait3A_645 = tpu.memref_squeeze %dma_wait3A_644 : memref<1x!tpu.dma_semaphore, #tpu.memory_space<semaphore_mem>> -> memref<!tpu.dma_semaphore, #tpu.memory_space<semaphore_mem>>
      tpu.wait_indirect_dma semaphore(%dma_wait3A_645 : memref<!tpu.dma_semaphore, #tpu.memory_space<semaphore_mem>>) src(%dma_wait3A_637 : memref<128x128xi16, #tpu.memory_space<vmem>>) dst(%dma_wait3A_643 : memref<10240x128xi16, #tpu.memory_space<vmem_shared>>)
      %mul3A_646 = arith.constant 10240 : i32
      %mul3A_647 = arith.muli %add3A, %mul3A_646 : i32
      %mul3A_648 = arith.constant 128 : i32
      %mul3A_649 = arith.muli %add3A_630, %mul3A_648 : i32
      %add3A_650 = arith.addi %mul3A_647, %mul3A_649 : i32
      %run_scoped3A_651 = arith.constant 2 : i32
      "tpu.region"() ({
        %run_scoped3A_883 = tpu.sem_alloc : memref<!tpu.dma_semaphore, #tpu.memory_space<semaphore_mem>>
        %dma_start3A_884 = arith.constant 0 : i32
        %dma_start3A_885 = tpu.memref_slice %arg7[%run_scoped3A_651, %dma_start3A_884] : memref<8x128xi32, #tpu.memory_space<vmem>> -> memref<1x128xi32, #tpu.memory_space<vmem>>
        %dma_start3A_886 = tpu.memref_squeeze %dma_start3A_885 : memref<1x128xi32, #tpu.memory_space<vmem>> -> memref<128xi32, #tpu.memory_space<vmem>>
        %dma_start3A_887 = tpu.memref_slice %arg2[%add3A_650] : memref<328704xi32, #tpu.memory_space<hbm>> -> memref<128xi32, #tpu.memory_space<hbm>>
        %dma_start3A_888 = arith.constant 0 : i32
        %dma_start3A_889 = tpu.memref_slice %arg7[%run_scoped3A_651, %dma_start3A_888] : memref<8x128xi32, #tpu.memory_space<vmem>> -> memref<1x128xi32, #tpu.memory_space<vmem>>
        %dma_start3A_890 = tpu.memref_squeeze %dma_start3A_889 : memref<1x128xi32, #tpu.memory_space<vmem>> -> memref<128xi32, #tpu.memory_space<vmem>>
        %dma_start3A_891 = tpu.memref_slice %arg2[%add3A_650] : memref<328704xi32, #tpu.memory_space<hbm>> -> memref<128xi32, #tpu.memory_space<hbm>>
        tpu.enqueue_dma source(%dma_start3A_891 : memref<128xi32, #tpu.memory_space<hbm>>) target(%dma_start3A_890 : memref<128xi32, #tpu.memory_space<vmem>>) target_semaphore(%run_scoped3A_883 : memref<!tpu.dma_semaphore, #tpu.memory_space<semaphore_mem>>)
        %dma_wait3A_892 = arith.constant 0 : i32
        %dma_wait3A_893 = tpu.memref_slice %arg7[%run_scoped3A_651, %dma_wait3A_892] : memref<8x128xi32, #tpu.memory_space<vmem>> -> memref<1x128xi32, #tpu.memory_space<vmem>>
        %dma_wait3A_894 = tpu.memref_squeeze %dma_wait3A_893 : memref<1x128xi32, #tpu.memory_space<vmem>> -> memref<128xi32, #tpu.memory_space<vmem>>
        %dma_wait3A_895 = tpu.memref_slice %arg2[%add3A_650] : memref<328704xi32, #tpu.memory_space<hbm>> -> memref<128xi32, #tpu.memory_space<hbm>>
        %dma_wait3A_896 = arith.constant 0 : i32
        %dma_wait3A_897 = tpu.memref_slice %arg7[%run_scoped3A_651, %dma_wait3A_896] : memref<8x128xi32, #tpu.memory_space<vmem>> -> memref<1x128xi32, #tpu.memory_space<vmem>>
        %dma_wait3A_898 = tpu.memref_squeeze %dma_wait3A_897 : memref<1x128xi32, #tpu.memory_space<vmem>> -> memref<128xi32, #tpu.memory_space<vmem>>
        %dma_wait3A_899 = tpu.memref_slice %arg2[%add3A_650] : memref<328704xi32, #tpu.memory_space<hbm>> -> memref<128xi32, #tpu.memory_space<hbm>>
        tpu.wait_dma2 semaphore(%run_scoped3A_883 : memref<!tpu.dma_semaphore, #tpu.memory_space<semaphore_mem>>) src(%dma_wait3A_899 : memref<128xi32, #tpu.memory_space<hbm>>) dst(%dma_wait3A_898 : memref<128xi32, #tpu.memory_space<vmem>>)
        tpu.yield
      }) : () -> ()
      %run_scoped3A_652 = arith.constant 2 : i32
      "tpu.region"() ({
        %run_scoped3A_883 = tpu.sem_alloc : memref<!tpu.dma_semaphore, #tpu.memory_space<semaphore_mem>>
        %dma_start3A_884 = arith.constant 0 : i32
        %dma_start3A_885 = tpu.memref_slice %arg8[%run_scoped3A_652, %dma_start3A_884] : memref<8x128xi32, #tpu.memory_space<vmem>> -> memref<1x128xi32, #tpu.memory_space<vmem>>
        %dma_start3A_886 = tpu.memref_squeeze %dma_start3A_885 : memref<1x128xi32, #tpu.memory_space<vmem>> -> memref<128xi32, #tpu.memory_space<vmem>>
        %dma_start3A_887 = tpu.memref_slice %arg3[%add3A_650] : memref<328704xi32, #tpu.memory_space<hbm>> -> memref<128xi32, #tpu.memory_space<hbm>>
        %dma_start3A_888 = arith.constant 0 : i32
        %dma_start3A_889 = tpu.memref_slice %arg8[%run_scoped3A_652, %dma_start3A_888] : memref<8x128xi32, #tpu.memory_space<vmem>> -> memref<1x128xi32, #tpu.memory_space<vmem>>
        %dma_start3A_890 = tpu.memref_squeeze %dma_start3A_889 : memref<1x128xi32, #tpu.memory_space<vmem>> -> memref<128xi32, #tpu.memory_space<vmem>>
        %dma_start3A_891 = tpu.memref_slice %arg3[%add3A_650] : memref<328704xi32, #tpu.memory_space<hbm>> -> memref<128xi32, #tpu.memory_space<hbm>>
        tpu.enqueue_dma source(%dma_start3A_891 : memref<128xi32, #tpu.memory_space<hbm>>) target(%dma_start3A_890 : memref<128xi32, #tpu.memory_space<vmem>>) target_semaphore(%run_scoped3A_883 : memref<!tpu.dma_semaphore, #tpu.memory_space<semaphore_mem>>)
        %dma_wait3A_892 = arith.constant 0 : i32
        %dma_wait3A_893 = tpu.memref_slice %arg8[%run_scoped3A_652, %dma_wait3A_892] : memref<8x128xi32, #tpu.memory_space<vmem>> -> memref<1x128xi32, #tpu.memory_space<vmem>>
        %dma_wait3A_894 = tpu.memref_squeeze %dma_wait3A_893 : memref<1x128xi32, #tpu.memory_space<vmem>> -> memref<128xi32, #tpu.memory_space<vmem>>
        %dma_wait3A_895 = tpu.memref_slice %arg3[%add3A_650] : memref<328704xi32, #tpu.memory_space<hbm>> -> memref<128xi32, #tpu.memory_space<hbm>>
        %dma_wait3A_896 = arith.constant 0 : i32
        %dma_wait3A_897 = tpu.memref_slice %arg8[%run_scoped3A_652, %dma_wait3A_896] : memref<8x128xi32, #tpu.memory_space<vmem>> -> memref<1x128xi32, #tpu.memory_space<vmem>>
        %dma_wait3A_898 = tpu.memref_squeeze %dma_wait3A_897 : memref<1x128xi32, #tpu.memory_space<vmem>> -> memref<128xi32, #tpu.memory_space<vmem>>
        %dma_wait3A_899 = tpu.memref_slice %arg3[%add3A_650] : memref<328704xi32, #tpu.memory_space<hbm>> -> memref<128xi32, #tpu.memory_space<hbm>>
        tpu.wait_dma2 semaphore(%run_scoped3A_883 : memref<!tpu.dma_semaphore, #tpu.memory_space<semaphore_mem>>) src(%dma_wait3A_899 : memref<128xi32, #tpu.memory_space<hbm>>) dst(%dma_wait3A_898 : memref<128xi32, #tpu.memory_space<vmem>>)
        tpu.yield
      }) : () -> ()
      %dma_start3A_653 = arith.constant 2 : i32
      %dma_start3A_654 = arith.constant 2 : i32
      %dma_start3A_655 = arith.constant 2 : i32
      %dma_start3A_656 = arith.constant 0 : i32
      %dma_start3A_657 = arith.constant 0 : i32
      %dma_start3A_658 = tpu.memref_slice %arg9[%dma_start3A_654, %dma_start3A_656, %dma_start3A_657] : memref<8x128x128xi16, #tpu.memory_space<vmem>> -> memref<1x128x128xi16, #tpu.memory_space<vmem>>
      %dma_start3A_659 = tpu.memref_squeeze %dma_start3A_658 : memref<1x128x128xi16, #tpu.memory_space<vmem>> -> memref<128x128xi16, #tpu.memory_space<vmem>>
      %dma_start3A_660 = arith.constant 0 : i32
      %dma_start3A_661 = tpu.memref_slice %arg7[%dma_start3A_653, %dma_start3A_660] : memref<8x128xi32, #tpu.memory_space<vmem>> -> memref<1x128xi32, #tpu.memory_space<vmem>>
      %dma_start3A_662 = tpu.memref_squeeze %dma_start3A_661 : memref<1x128xi32, #tpu.memory_space<vmem>> -> memref<128xi32, #tpu.memory_space<vmem>>
      %dma_start3A_663 = arith.constant 0 : i32
      %dma_start3A_664 = arith.constant 0 : i32
      %dma_start3A_665 = tpu.memref_slice %arg4[%dma_start3A_663, %dma_start3A_664] : memref<10000x128xi16, #tpu.memory_space<hbm>> -> memref<10000x128xi16, #tpu.memory_space<hbm>>
      %dma_start3A_666 = tpu.memref_slice %arg11[%dma_start3A_655] : memref<8x!tpu.dma_semaphore, #tpu.memory_space<semaphore_mem>> -> memref<1x!tpu.dma_semaphore, #tpu.memory_space<semaphore_mem>>
      %dma_start3A_667 = tpu.memref_squeeze %dma_start3A_666 : memref<1x!tpu.dma_semaphore, #tpu.memory_space<semaphore_mem>> -> memref<!tpu.dma_semaphore, #tpu.memory_space<semaphore_mem>>
      tpu.enqueue_indirect_dma source(%dma_start3A_665 : memref<10000x128xi16, #tpu.memory_space<hbm>>) target(%dma_start3A_659 : memref<128x128xi16, #tpu.memory_space<vmem>>) offsets(%dma_start3A_662 : memref<128xi32, #tpu.memory_space<vmem>>) semaphore(%dma_start3A_667 : memref<!tpu.dma_semaphore, #tpu.memory_space<semaphore_mem>>)
      %add3A_668 = arith.constant 1 : i32
      %add3A_669 = arith.addi %scan3A_298, %add3A_668 : i32
      %mul3A_670 = arith.constant 8 : i32
      %mul3A_671 = arith.muli %mul3A_670, %add3A_669 : i32
      %add3A_672 = arith.constant 3 : i32
      %add3A_673 = arith.addi %mul3A_671, %add3A_672 : i32
      %dma_wait3A_674 = arith.constant 3 : i32
      %dma_wait3A_675 = arith.constant 3 : i32
      %dma_wait3A_676 = arith.constant 3 : i32
      %dma_wait3A_677 = arith.constant 0 : i32
      %dma_wait3A_678 = arith.constant 0 : i32
      %dma_wait3A_679 = tpu.memref_slice %arg9[%dma_wait3A_674, %dma_wait3A_677, %dma_wait3A_678] : memref<8x128x128xi16, #tpu.memory_space<vmem>> -> memref<1x128x128xi16, #tpu.memory_space<vmem>>
      %dma_wait3A_680 = tpu.memref_squeeze %dma_wait3A_679 : memref<1x128x128xi16, #tpu.memory_space<vmem>> -> memref<128x128xi16, #tpu.memory_space<vmem>>
      %dma_wait3A_681 = arith.constant 0 : i32
      %dma_wait3A_682 = tpu.memref_slice %arg8[%dma_wait3A_675, %dma_wait3A_681] : memref<8x128xi32, #tpu.memory_space<vmem>> -> memref<1x128xi32, #tpu.memory_space<vmem>>
      %dma_wait3A_683 = tpu.memref_squeeze %dma_wait3A_682 : memref<1x128xi32, #tpu.memory_space<vmem>> -> memref<128xi32, #tpu.memory_space<vmem>>
      %dma_wait3A_684 = arith.constant 0 : i32
      %dma_wait3A_685 = arith.constant 0 : i32
      %dma_wait3A_686 = tpu.memref_slice %arg10[%dma_wait3A_684, %dma_wait3A_685] : memref<10240x128xi16, #tpu.memory_space<vmem_shared>> -> memref<10240x128xi16, #tpu.memory_space<vmem_shared>>
      %dma_wait3A_687 = tpu.memref_slice %arg12[%dma_wait3A_676] : memref<8x!tpu.dma_semaphore, #tpu.memory_space<semaphore_mem>> -> memref<1x!tpu.dma_semaphore, #tpu.memory_space<semaphore_mem>>
      %dma_wait3A_688 = tpu.memref_squeeze %dma_wait3A_687 : memref<1x!tpu.dma_semaphore, #tpu.memory_space<semaphore_mem>> -> memref<!tpu.dma_semaphore, #tpu.memory_space<semaphore_mem>>
      tpu.wait_indirect_dma semaphore(%dma_wait3A_688 : memref<!tpu.dma_semaphore, #tpu.memory_space<semaphore_mem>>) src(%dma_wait3A_680 : memref<128x128xi16, #tpu.memory_space<vmem>>) dst(%dma_wait3A_686 : memref<10240x128xi16, #tpu.memory_space<vmem_shared>>)
      %mul3A_689 = arith.constant 10240 : i32
      %mul3A_690 = arith.muli %add3A, %mul3A_689 : i32
      %mul3A_691 = arith.constant 128 : i32
      %mul3A_692 = arith.muli %add3A_673, %mul3A_691 : i32
      %add3A_693 = arith.addi %mul3A_690, %mul3A_692 : i32
      %run_scoped3A_694 = arith.constant 3 : i32
      "tpu.region"() ({
        %run_scoped3A_883 = tpu.sem_alloc : memref<!tpu.dma_semaphore, #tpu.memory_space<semaphore_mem>>
        %dma_start3A_884 = arith.constant 0 : i32
        %dma_start3A_885 = tpu.memref_slice %arg7[%run_scoped3A_694, %dma_start3A_884] : memref<8x128xi32, #tpu.memory_space<vmem>> -> memref<1x128xi32, #tpu.memory_space<vmem>>
        %dma_start3A_886 = tpu.memref_squeeze %dma_start3A_885 : memref<1x128xi32, #tpu.memory_space<vmem>> -> memref<128xi32, #tpu.memory_space<vmem>>
        %dma_start3A_887 = tpu.memref_slice %arg2[%add3A_693] : memref<328704xi32, #tpu.memory_space<hbm>> -> memref<128xi32, #tpu.memory_space<hbm>>
        %dma_start3A_888 = arith.constant 0 : i32
        %dma_start3A_889 = tpu.memref_slice %arg7[%run_scoped3A_694, %dma_start3A_888] : memref<8x128xi32, #tpu.memory_space<vmem>> -> memref<1x128xi32, #tpu.memory_space<vmem>>
        %dma_start3A_890 = tpu.memref_squeeze %dma_start3A_889 : memref<1x128xi32, #tpu.memory_space<vmem>> -> memref<128xi32, #tpu.memory_space<vmem>>
        %dma_start3A_891 = tpu.memref_slice %arg2[%add3A_693] : memref<328704xi32, #tpu.memory_space<hbm>> -> memref<128xi32, #tpu.memory_space<hbm>>
        tpu.enqueue_dma source(%dma_start3A_891 : memref<128xi32, #tpu.memory_space<hbm>>) target(%dma_start3A_890 : memref<128xi32, #tpu.memory_space<vmem>>) target_semaphore(%run_scoped3A_883 : memref<!tpu.dma_semaphore, #tpu.memory_space<semaphore_mem>>)
        %dma_wait3A_892 = arith.constant 0 : i32
        %dma_wait3A_893 = tpu.memref_slice %arg7[%run_scoped3A_694, %dma_wait3A_892] : memref<8x128xi32, #tpu.memory_space<vmem>> -> memref<1x128xi32, #tpu.memory_space<vmem>>
        %dma_wait3A_894 = tpu.memref_squeeze %dma_wait3A_893 : memref<1x128xi32, #tpu.memory_space<vmem>> -> memref<128xi32, #tpu.memory_space<vmem>>
        %dma_wait3A_895 = tpu.memref_slice %arg2[%add3A_693] : memref<328704xi32, #tpu.memory_space<hbm>> -> memref<128xi32, #tpu.memory_space<hbm>>
        %dma_wait3A_896 = arith.constant 0 : i32
        %dma_wait3A_897 = tpu.memref_slice %arg7[%run_scoped3A_694, %dma_wait3A_896] : memref<8x128xi32, #tpu.memory_space<vmem>> -> memref<1x128xi32, #tpu.memory_space<vmem>>
        %dma_wait3A_898 = tpu.memref_squeeze %dma_wait3A_897 : memref<1x128xi32, #tpu.memory_space<vmem>> -> memref<128xi32, #tpu.memory_space<vmem>>
        %dma_wait3A_899 = tpu.memref_slice %arg2[%add3A_693] : memref<328704xi32, #tpu.memory_space<hbm>> -> memref<128xi32, #tpu.memory_space<hbm>>
        tpu.wait_dma2 semaphore(%run_scoped3A_883 : memref<!tpu.dma_semaphore, #tpu.memory_space<semaphore_mem>>) src(%dma_wait3A_899 : memref<128xi32, #tpu.memory_space<hbm>>) dst(%dma_wait3A_898 : memref<128xi32, #tpu.memory_space<vmem>>)
        tpu.yield
      }) : () -> ()
      %run_scoped3A_695 = arith.constant 3 : i32
      "tpu.region"() ({
        %run_scoped3A_883 = tpu.sem_alloc : memref<!tpu.dma_semaphore, #tpu.memory_space<semaphore_mem>>
        %dma_start3A_884 = arith.constant 0 : i32
        %dma_start3A_885 = tpu.memref_slice %arg8[%run_scoped3A_695, %dma_start3A_884] : memref<8x128xi32, #tpu.memory_space<vmem>> -> memref<1x128xi32, #tpu.memory_space<vmem>>
        %dma_start3A_886 = tpu.memref_squeeze %dma_start3A_885 : memref<1x128xi32, #tpu.memory_space<vmem>> -> memref<128xi32, #tpu.memory_space<vmem>>
        %dma_start3A_887 = tpu.memref_slice %arg3[%add3A_693] : memref<328704xi32, #tpu.memory_space<hbm>> -> memref<128xi32, #tpu.memory_space<hbm>>
        %dma_start3A_888 = arith.constant 0 : i32
        %dma_start3A_889 = tpu.memref_slice %arg8[%run_scoped3A_695, %dma_start3A_888] : memref<8x128xi32, #tpu.memory_space<vmem>> -> memref<1x128xi32, #tpu.memory_space<vmem>>
        %dma_start3A_890 = tpu.memref_squeeze %dma_start3A_889 : memref<1x128xi32, #tpu.memory_space<vmem>> -> memref<128xi32, #tpu.memory_space<vmem>>
        %dma_start3A_891 = tpu.memref_slice %arg3[%add3A_693] : memref<328704xi32, #tpu.memory_space<hbm>> -> memref<128xi32, #tpu.memory_space<hbm>>
        tpu.enqueue_dma source(%dma_start3A_891 : memref<128xi32, #tpu.memory_space<hbm>>) target(%dma_start3A_890 : memref<128xi32, #tpu.memory_space<vmem>>) target_semaphore(%run_scoped3A_883 : memref<!tpu.dma_semaphore, #tpu.memory_space<semaphore_mem>>)
        %dma_wait3A_892 = arith.constant 0 : i32
        %dma_wait3A_893 = tpu.memref_slice %arg8[%run_scoped3A_695, %dma_wait3A_892] : memref<8x128xi32, #tpu.memory_space<vmem>> -> memref<1x128xi32, #tpu.memory_space<vmem>>
        %dma_wait3A_894 = tpu.memref_squeeze %dma_wait3A_893 : memref<1x128xi32, #tpu.memory_space<vmem>> -> memref<128xi32, #tpu.memory_space<vmem>>
        %dma_wait3A_895 = tpu.memref_slice %arg3[%add3A_693] : memref<328704xi32, #tpu.memory_space<hbm>> -> memref<128xi32, #tpu.memory_space<hbm>>
        %dma_wait3A_896 = arith.constant 0 : i32
        %dma_wait3A_897 = tpu.memref_slice %arg8[%run_scoped3A_695, %dma_wait3A_896] : memref<8x128xi32, #tpu.memory_space<vmem>> -> memref<1x128xi32, #tpu.memory_space<vmem>>
        %dma_wait3A_898 = tpu.memref_squeeze %dma_wait3A_897 : memref<1x128xi32, #tpu.memory_space<vmem>> -> memref<128xi32, #tpu.memory_space<vmem>>
        %dma_wait3A_899 = tpu.memref_slice %arg3[%add3A_693] : memref<328704xi32, #tpu.memory_space<hbm>> -> memref<128xi32, #tpu.memory_space<hbm>>
        tpu.wait_dma2 semaphore(%run_scoped3A_883 : memref<!tpu.dma_semaphore, #tpu.memory_space<semaphore_mem>>) src(%dma_wait3A_899 : memref<128xi32, #tpu.memory_space<hbm>>) dst(%dma_wait3A_898 : memref<128xi32, #tpu.memory_space<vmem>>)
        tpu.yield
      }) : () -> ()
      %dma_start3A_696 = arith.constant 3 : i32
      %dma_start3A_697 = arith.constant 3 : i32
      %dma_start3A_698 = arith.constant 3 : i32
      %dma_start3A_699 = arith.constant 0 : i32
      %dma_start3A_700 = arith.constant 0 : i32
      %dma_start3A_701 = tpu.memref_slice %arg9[%dma_start3A_697, %dma_start3A_699, %dma_start3A_700] : memref<8x128x128xi16, #tpu.memory_space<vmem>> -> memref<1x128x128xi16, #tpu.memory_space<vmem>>
      %dma_start3A_702 = tpu.memref_squeeze %dma_start3A_701 : memref<1x128x128xi16, #tpu.memory_space<vmem>> -> memref<128x128xi16, #tpu.memory_space<vmem>>
      %dma_start3A_703 = arith.constant 0 : i32
      %dma_start3A_704 = tpu.memref_slice %arg7[%dma_start3A_696, %dma_start3A_703] : memref<8x128xi32, #tpu.memory_space<vmem>> -> memref<1x128xi32, #tpu.memory_space<vmem>>
      %dma_start3A_705 = tpu.memref_squeeze %dma_start3A_704 : memref<1x128xi32, #tpu.memory_space<vmem>> -> memref<128xi32, #tpu.memory_space<vmem>>
      %dma_start3A_706 = arith.constant 0 : i32
      %dma_start3A_707 = arith.constant 0 : i32
      %dma_start3A_708 = tpu.memref_slice %arg4[%dma_start3A_706, %dma_start3A_707] : memref<10000x128xi16, #tpu.memory_space<hbm>> -> memref<10000x128xi16, #tpu.memory_space<hbm>>
      %dma_start3A_709 = tpu.memref_slice %arg11[%dma_start3A_698] : memref<8x!tpu.dma_semaphore, #tpu.memory_space<semaphore_mem>> -> memref<1x!tpu.dma_semaphore, #tpu.memory_space<semaphore_mem>>
      %dma_start3A_710 = tpu.memref_squeeze %dma_start3A_709 : memref<1x!tpu.dma_semaphore, #tpu.memory_space<semaphore_mem>> -> memref<!tpu.dma_semaphore, #tpu.memory_space<semaphore_mem>>
      tpu.enqueue_indirect_dma source(%dma_start3A_708 : memref<10000x128xi16, #tpu.memory_space<hbm>>) target(%dma_start3A_702 : memref<128x128xi16, #tpu.memory_space<vmem>>) offsets(%dma_start3A_705 : memref<128xi32, #tpu.memory_space<vmem>>) semaphore(%dma_start3A_710 : memref<!tpu.dma_semaphore, #tpu.memory_space<semaphore_mem>>)
      %add3A_711 = arith.constant 1 : i32
      %add3A_712 = arith.addi %scan3A_298, %add3A_711 : i32
      %mul3A_713 = arith.constant 8 : i32
      %mul3A_714 = arith.muli %mul3A_713, %add3A_712 : i32
      %add3A_715 = arith.constant 4 : i32
      %add3A_716 = arith.addi %mul3A_714, %add3A_715 : i32
      %dma_wait3A_717 = arith.constant 4 : i32
      %dma_wait3A_718 = arith.constant 4 : i32
      %dma_wait3A_719 = arith.constant 4 : i32
      %dma_wait3A_720 = arith.constant 0 : i32
      %dma_wait3A_721 = arith.constant 0 : i32
      %dma_wait3A_722 = tpu.memref_slice %arg9[%dma_wait3A_717, %dma_wait3A_720, %dma_wait3A_721] : memref<8x128x128xi16, #tpu.memory_space<vmem>> -> memref<1x128x128xi16, #tpu.memory_space<vmem>>
      %dma_wait3A_723 = tpu.memref_squeeze %dma_wait3A_722 : memref<1x128x128xi16, #tpu.memory_space<vmem>> -> memref<128x128xi16, #tpu.memory_space<vmem>>
      %dma_wait3A_724 = arith.constant 0 : i32
      %dma_wait3A_725 = tpu.memref_slice %arg8[%dma_wait3A_718, %dma_wait3A_724] : memref<8x128xi32, #tpu.memory_space<vmem>> -> memref<1x128xi32, #tpu.memory_space<vmem>>
      %dma_wait3A_726 = tpu.memref_squeeze %dma_wait3A_725 : memref<1x128xi32, #tpu.memory_space<vmem>> -> memref<128xi32, #tpu.memory_space<vmem>>
      %dma_wait3A_727 = arith.constant 0 : i32
      %dma_wait3A_728 = arith.constant 0 : i32
      %dma_wait3A_729 = tpu.memref_slice %arg10[%dma_wait3A_727, %dma_wait3A_728] : memref<10240x128xi16, #tpu.memory_space<vmem_shared>> -> memref<10240x128xi16, #tpu.memory_space<vmem_shared>>
      %dma_wait3A_730 = tpu.memref_slice %arg12[%dma_wait3A_719] : memref<8x!tpu.dma_semaphore, #tpu.memory_space<semaphore_mem>> -> memref<1x!tpu.dma_semaphore, #tpu.memory_space<semaphore_mem>>
      %dma_wait3A_731 = tpu.memref_squeeze %dma_wait3A_730 : memref<1x!tpu.dma_semaphore, #tpu.memory_space<semaphore_mem>> -> memref<!tpu.dma_semaphore, #tpu.memory_space<semaphore_mem>>
      tpu.wait_indirect_dma semaphore(%dma_wait3A_731 : memref<!tpu.dma_semaphore, #tpu.memory_space<semaphore_mem>>) src(%dma_wait3A_723 : memref<128x128xi16, #tpu.memory_space<vmem>>) dst(%dma_wait3A_729 : memref<10240x128xi16, #tpu.memory_space<vmem_shared>>)
      %mul3A_732 = arith.constant 10240 : i32
      %mul3A_733 = arith.muli %add3A, %mul3A_732 : i32
      %mul3A_734 = arith.constant 128 : i32
      %mul3A_735 = arith.muli %add3A_716, %mul3A_734 : i32
      %add3A_736 = arith.addi %mul3A_733, %mul3A_735 : i32
      %run_scoped3A_737 = arith.constant 4 : i32
      "tpu.region"() ({
        %run_scoped3A_883 = tpu.sem_alloc : memref<!tpu.dma_semaphore, #tpu.memory_space<semaphore_mem>>
        %dma_start3A_884 = arith.constant 0 : i32
        %dma_start3A_885 = tpu.memref_slice %arg7[%run_scoped3A_737, %dma_start3A_884] : memref<8x128xi32, #tpu.memory_space<vmem>> -> memref<1x128xi32, #tpu.memory_space<vmem>>
        %dma_start3A_886 = tpu.memref_squeeze %dma_start3A_885 : memref<1x128xi32, #tpu.memory_space<vmem>> -> memref<128xi32, #tpu.memory_space<vmem>>
        %dma_start3A_887 = tpu.memref_slice %arg2[%add3A_736] : memref<328704xi32, #tpu.memory_space<hbm>> -> memref<128xi32, #tpu.memory_space<hbm>>
        %dma_start3A_888 = arith.constant 0 : i32
        %dma_start3A_889 = tpu.memref_slice %arg7[%run_scoped3A_737, %dma_start3A_888] : memref<8x128xi32, #tpu.memory_space<vmem>> -> memref<1x128xi32, #tpu.memory_space<vmem>>
        %dma_start3A_890 = tpu.memref_squeeze %dma_start3A_889 : memref<1x128xi32, #tpu.memory_space<vmem>> -> memref<128xi32, #tpu.memory_space<vmem>>
        %dma_start3A_891 = tpu.memref_slice %arg2[%add3A_736] : memref<328704xi32, #tpu.memory_space<hbm>> -> memref<128xi32, #tpu.memory_space<hbm>>
        tpu.enqueue_dma source(%dma_start3A_891 : memref<128xi32, #tpu.memory_space<hbm>>) target(%dma_start3A_890 : memref<128xi32, #tpu.memory_space<vmem>>) target_semaphore(%run_scoped3A_883 : memref<!tpu.dma_semaphore, #tpu.memory_space<semaphore_mem>>)
        %dma_wait3A_892 = arith.constant 0 : i32
        %dma_wait3A_893 = tpu.memref_slice %arg7[%run_scoped3A_737, %dma_wait3A_892] : memref<8x128xi32, #tpu.memory_space<vmem>> -> memref<1x128xi32, #tpu.memory_space<vmem>>
        %dma_wait3A_894 = tpu.memref_squeeze %dma_wait3A_893 : memref<1x128xi32, #tpu.memory_space<vmem>> -> memref<128xi32, #tpu.memory_space<vmem>>
        %dma_wait3A_895 = tpu.memref_slice %arg2[%add3A_736] : memref<328704xi32, #tpu.memory_space<hbm>> -> memref<128xi32, #tpu.memory_space<hbm>>
        %dma_wait3A_896 = arith.constant 0 : i32
        %dma_wait3A_897 = tpu.memref_slice %arg7[%run_scoped3A_737, %dma_wait3A_896] : memref<8x128xi32, #tpu.memory_space<vmem>> -> memref<1x128xi32, #tpu.memory_space<vmem>>
        %dma_wait3A_898 = tpu.memref_squeeze %dma_wait3A_897 : memref<1x128xi32, #tpu.memory_space<vmem>> -> memref<128xi32, #tpu.memory_space<vmem>>
        %dma_wait3A_899 = tpu.memref_slice %arg2[%add3A_736] : memref<328704xi32, #tpu.memory_space<hbm>> -> memref<128xi32, #tpu.memory_space<hbm>>
        tpu.wait_dma2 semaphore(%run_scoped3A_883 : memref<!tpu.dma_semaphore, #tpu.memory_space<semaphore_mem>>) src(%dma_wait3A_899 : memref<128xi32, #tpu.memory_space<hbm>>) dst(%dma_wait3A_898 : memref<128xi32, #tpu.memory_space<vmem>>)
        tpu.yield
      }) : () -> ()
      %run_scoped3A_738 = arith.constant 4 : i32
      "tpu.region"() ({
        %run_scoped3A_883 = tpu.sem_alloc : memref<!tpu.dma_semaphore, #tpu.memory_space<semaphore_mem>>
        %dma_start3A_884 = arith.constant 0 : i32
        %dma_start3A_885 = tpu.memref_slice %arg8[%run_scoped3A_738, %dma_start3A_884] : memref<8x128xi32, #tpu.memory_space<vmem>> -> memref<1x128xi32, #tpu.memory_space<vmem>>
        %dma_start3A_886 = tpu.memref_squeeze %dma_start3A_885 : memref<1x128xi32, #tpu.memory_space<vmem>> -> memref<128xi32, #tpu.memory_space<vmem>>
        %dma_start3A_887 = tpu.memref_slice %arg3[%add3A_736] : memref<328704xi32, #tpu.memory_space<hbm>> -> memref<128xi32, #tpu.memory_space<hbm>>
        %dma_start3A_888 = arith.constant 0 : i32
        %dma_start3A_889 = tpu.memref_slice %arg8[%run_scoped3A_738, %dma_start3A_888] : memref<8x128xi32, #tpu.memory_space<vmem>> -> memref<1x128xi32, #tpu.memory_space<vmem>>
        %dma_start3A_890 = tpu.memref_squeeze %dma_start3A_889 : memref<1x128xi32, #tpu.memory_space<vmem>> -> memref<128xi32, #tpu.memory_space<vmem>>
        %dma_start3A_891 = tpu.memref_slice %arg3[%add3A_736] : memref<328704xi32, #tpu.memory_space<hbm>> -> memref<128xi32, #tpu.memory_space<hbm>>
        tpu.enqueue_dma source(%dma_start3A_891 : memref<128xi32, #tpu.memory_space<hbm>>) target(%dma_start3A_890 : memref<128xi32, #tpu.memory_space<vmem>>) target_semaphore(%run_scoped3A_883 : memref<!tpu.dma_semaphore, #tpu.memory_space<semaphore_mem>>)
        %dma_wait3A_892 = arith.constant 0 : i32
        %dma_wait3A_893 = tpu.memref_slice %arg8[%run_scoped3A_738, %dma_wait3A_892] : memref<8x128xi32, #tpu.memory_space<vmem>> -> memref<1x128xi32, #tpu.memory_space<vmem>>
        %dma_wait3A_894 = tpu.memref_squeeze %dma_wait3A_893 : memref<1x128xi32, #tpu.memory_space<vmem>> -> memref<128xi32, #tpu.memory_space<vmem>>
        %dma_wait3A_895 = tpu.memref_slice %arg3[%add3A_736] : memref<328704xi32, #tpu.memory_space<hbm>> -> memref<128xi32, #tpu.memory_space<hbm>>
        %dma_wait3A_896 = arith.constant 0 : i32
        %dma_wait3A_897 = tpu.memref_slice %arg8[%run_scoped3A_738, %dma_wait3A_896] : memref<8x128xi32, #tpu.memory_space<vmem>> -> memref<1x128xi32, #tpu.memory_space<vmem>>
        %dma_wait3A_898 = tpu.memref_squeeze %dma_wait3A_897 : memref<1x128xi32, #tpu.memory_space<vmem>> -> memref<128xi32, #tpu.memory_space<vmem>>
        %dma_wait3A_899 = tpu.memref_slice %arg3[%add3A_736] : memref<328704xi32, #tpu.memory_space<hbm>> -> memref<128xi32, #tpu.memory_space<hbm>>
        tpu.wait_dma2 semaphore(%run_scoped3A_883 : memref<!tpu.dma_semaphore, #tpu.memory_space<semaphore_mem>>) src(%dma_wait3A_899 : memref<128xi32, #tpu.memory_space<hbm>>) dst(%dma_wait3A_898 : memref<128xi32, #tpu.memory_space<vmem>>)
        tpu.yield
      }) : () -> ()
      %dma_start3A_739 = arith.constant 4 : i32
      %dma_start3A_740 = arith.constant 4 : i32
      %dma_start3A_741 = arith.constant 4 : i32
      %dma_start3A_742 = arith.constant 0 : i32
      %dma_start3A_743 = arith.constant 0 : i32
      %dma_start3A_744 = tpu.memref_slice %arg9[%dma_start3A_740, %dma_start3A_742, %dma_start3A_743] : memref<8x128x128xi16, #tpu.memory_space<vmem>> -> memref<1x128x128xi16, #tpu.memory_space<vmem>>
      %dma_start3A_745 = tpu.memref_squeeze %dma_start3A_744 : memref<1x128x128xi16, #tpu.memory_space<vmem>> -> memref<128x128xi16, #tpu.memory_space<vmem>>
      %dma_start3A_746 = arith.constant 0 : i32
      %dma_start3A_747 = tpu.memref_slice %arg7[%dma_start3A_739, %dma_start3A_746] : memref<8x128xi32, #tpu.memory_space<vmem>> -> memref<1x128xi32, #tpu.memory_space<vmem>>
      %dma_start3A_748 = tpu.memref_squeeze %dma_start3A_747 : memref<1x128xi32, #tpu.memory_space<vmem>> -> memref<128xi32, #tpu.memory_space<vmem>>
      %dma_start3A_749 = arith.constant 0 : i32
      %dma_start3A_750 = arith.constant 0 : i32
      %dma_start3A_751 = tpu.memref_slice %arg4[%dma_start3A_749, %dma_start3A_750] : memref<10000x128xi16, #tpu.memory_space<hbm>> -> memref<10000x128xi16, #tpu.memory_space<hbm>>
      %dma_start3A_752 = tpu.memref_slice %arg11[%dma_start3A_741] : memref<8x!tpu.dma_semaphore, #tpu.memory_space<semaphore_mem>> -> memref<1x!tpu.dma_semaphore, #tpu.memory_space<semaphore_mem>>
      %dma_start3A_753 = tpu.memref_squeeze %dma_start3A_752 : memref<1x!tpu.dma_semaphore, #tpu.memory_space<semaphore_mem>> -> memref<!tpu.dma_semaphore, #tpu.memory_space<semaphore_mem>>
      tpu.enqueue_indirect_dma source(%dma_start3A_751 : memref<10000x128xi16, #tpu.memory_space<hbm>>) target(%dma_start3A_745 : memref<128x128xi16, #tpu.memory_space<vmem>>) offsets(%dma_start3A_748 : memref<128xi32, #tpu.memory_space<vmem>>) semaphore(%dma_start3A_753 : memref<!tpu.dma_semaphore, #tpu.memory_space<semaphore_mem>>)
      %add3A_754 = arith.constant 1 : i32
      %add3A_755 = arith.addi %scan3A_298, %add3A_754 : i32
      %mul3A_756 = arith.constant 8 : i32
      %mul3A_757 = arith.muli %mul3A_756, %add3A_755 : i32
      %add3A_758 = arith.constant 5 : i32
      %add3A_759 = arith.addi %mul3A_757, %add3A_758 : i32
      %dma_wait3A_760 = arith.constant 5 : i32
      %dma_wait3A_761 = arith.constant 5 : i32
      %dma_wait3A_762 = arith.constant 5 : i32
      %dma_wait3A_763 = arith.constant 0 : i32
      %dma_wait3A_764 = arith.constant 0 : i32
      %dma_wait3A_765 = tpu.memref_slice %arg9[%dma_wait3A_760, %dma_wait3A_763, %dma_wait3A_764] : memref<8x128x128xi16, #tpu.memory_space<vmem>> -> memref<1x128x128xi16, #tpu.memory_space<vmem>>
      %dma_wait3A_766 = tpu.memref_squeeze %dma_wait3A_765 : memref<1x128x128xi16, #tpu.memory_space<vmem>> -> memref<128x128xi16, #tpu.memory_space<vmem>>
      %dma_wait3A_767 = arith.constant 0 : i32
      %dma_wait3A_768 = tpu.memref_slice %arg8[%dma_wait3A_761, %dma_wait3A_767] : memref<8x128xi32, #tpu.memory_space<vmem>> -> memref<1x128xi32, #tpu.memory_space<vmem>>
      %dma_wait3A_769 = tpu.memref_squeeze %dma_wait3A_768 : memref<1x128xi32, #tpu.memory_space<vmem>> -> memref<128xi32, #tpu.memory_space<vmem>>
      %dma_wait3A_770 = arith.constant 0 : i32
      %dma_wait3A_771 = arith.constant 0 : i32
      %dma_wait3A_772 = tpu.memref_slice %arg10[%dma_wait3A_770, %dma_wait3A_771] : memref<10240x128xi16, #tpu.memory_space<vmem_shared>> -> memref<10240x128xi16, #tpu.memory_space<vmem_shared>>
      %dma_wait3A_773 = tpu.memref_slice %arg12[%dma_wait3A_762] : memref<8x!tpu.dma_semaphore, #tpu.memory_space<semaphore_mem>> -> memref<1x!tpu.dma_semaphore, #tpu.memory_space<semaphore_mem>>
      %dma_wait3A_774 = tpu.memref_squeeze %dma_wait3A_773 : memref<1x!tpu.dma_semaphore, #tpu.memory_space<semaphore_mem>> -> memref<!tpu.dma_semaphore, #tpu.memory_space<semaphore_mem>>
      tpu.wait_indirect_dma semaphore(%dma_wait3A_774 : memref<!tpu.dma_semaphore, #tpu.memory_space<semaphore_mem>>) src(%dma_wait3A_766 : memref<128x128xi16, #tpu.memory_space<vmem>>) dst(%dma_wait3A_772 : memref<10240x128xi16, #tpu.memory_space<vmem_shared>>)
      %mul3A_775 = arith.constant 10240 : i32
      %mul3A_776 = arith.muli %add3A, %mul3A_775 : i32
      %mul3A_777 = arith.constant 128 : i32
      %mul3A_778 = arith.muli %add3A_759, %mul3A_777 : i32
      %add3A_779 = arith.addi %mul3A_776, %mul3A_778 : i32
      %run_scoped3A_780 = arith.constant 5 : i32
      "tpu.region"() ({
        %run_scoped3A_883 = tpu.sem_alloc : memref<!tpu.dma_semaphore, #tpu.memory_space<semaphore_mem>>
        %dma_start3A_884 = arith.constant 0 : i32
        %dma_start3A_885 = tpu.memref_slice %arg7[%run_scoped3A_780, %dma_start3A_884] : memref<8x128xi32, #tpu.memory_space<vmem>> -> memref<1x128xi32, #tpu.memory_space<vmem>>
        %dma_start3A_886 = tpu.memref_squeeze %dma_start3A_885 : memref<1x128xi32, #tpu.memory_space<vmem>> -> memref<128xi32, #tpu.memory_space<vmem>>
        %dma_start3A_887 = tpu.memref_slice %arg2[%add3A_779] : memref<328704xi32, #tpu.memory_space<hbm>> -> memref<128xi32, #tpu.memory_space<hbm>>
        %dma_start3A_888 = arith.constant 0 : i32
        %dma_start3A_889 = tpu.memref_slice %arg7[%run_scoped3A_780, %dma_start3A_888] : memref<8x128xi32, #tpu.memory_space<vmem>> -> memref<1x128xi32, #tpu.memory_space<vmem>>
        %dma_start3A_890 = tpu.memref_squeeze %dma_start3A_889 : memref<1x128xi32, #tpu.memory_space<vmem>> -> memref<128xi32, #tpu.memory_space<vmem>>
        %dma_start3A_891 = tpu.memref_slice %arg2[%add3A_779] : memref<328704xi32, #tpu.memory_space<hbm>> -> memref<128xi32, #tpu.memory_space<hbm>>
        tpu.enqueue_dma source(%dma_start3A_891 : memref<128xi32, #tpu.memory_space<hbm>>) target(%dma_start3A_890 : memref<128xi32, #tpu.memory_space<vmem>>) target_semaphore(%run_scoped3A_883 : memref<!tpu.dma_semaphore, #tpu.memory_space<semaphore_mem>>)
        %dma_wait3A_892 = arith.constant 0 : i32
        %dma_wait3A_893 = tpu.memref_slice %arg7[%run_scoped3A_780, %dma_wait3A_892] : memref<8x128xi32, #tpu.memory_space<vmem>> -> memref<1x128xi32, #tpu.memory_space<vmem>>
        %dma_wait3A_894 = tpu.memref_squeeze %dma_wait3A_893 : memref<1x128xi32, #tpu.memory_space<vmem>> -> memref<128xi32, #tpu.memory_space<vmem>>
        %dma_wait3A_895 = tpu.memref_slice %arg2[%add3A_779] : memref<328704xi32, #tpu.memory_space<hbm>> -> memref<128xi32, #tpu.memory_space<hbm>>
        %dma_wait3A_896 = arith.constant 0 : i32
        %dma_wait3A_897 = tpu.memref_slice %arg7[%run_scoped3A_780, %dma_wait3A_896] : memref<8x128xi32, #tpu.memory_space<vmem>> -> memref<1x128xi32, #tpu.memory_space<vmem>>
        %dma_wait3A_898 = tpu.memref_squeeze %dma_wait3A_897 : memref<1x128xi32, #tpu.memory_space<vmem>> -> memref<128xi32, #tpu.memory_space<vmem>>
        %dma_wait3A_899 = tpu.memref_slice %arg2[%add3A_779] : memref<328704xi32, #tpu.memory_space<hbm>> -> memref<128xi32, #tpu.memory_space<hbm>>
        tpu.wait_dma2 semaphore(%run_scoped3A_883 : memref<!tpu.dma_semaphore, #tpu.memory_space<semaphore_mem>>) src(%dma_wait3A_899 : memref<128xi32, #tpu.memory_space<hbm>>) dst(%dma_wait3A_898 : memref<128xi32, #tpu.memory_space<vmem>>)
        tpu.yield
      }) : () -> ()
      %run_scoped3A_781 = arith.constant 5 : i32
      "tpu.region"() ({
        %run_scoped3A_883 = tpu.sem_alloc : memref<!tpu.dma_semaphore, #tpu.memory_space<semaphore_mem>>
        %dma_start3A_884 = arith.constant 0 : i32
        %dma_start3A_885 = tpu.memref_slice %arg8[%run_scoped3A_781, %dma_start3A_884] : memref<8x128xi32, #tpu.memory_space<vmem>> -> memref<1x128xi32, #tpu.memory_space<vmem>>
        %dma_start3A_886 = tpu.memref_squeeze %dma_start3A_885 : memref<1x128xi32, #tpu.memory_space<vmem>> -> memref<128xi32, #tpu.memory_space<vmem>>
        %dma_start3A_887 = tpu.memref_slice %arg3[%add3A_779] : memref<328704xi32, #tpu.memory_space<hbm>> -> memref<128xi32, #tpu.memory_space<hbm>>
        %dma_start3A_888 = arith.constant 0 : i32
        %dma_start3A_889 = tpu.memref_slice %arg8[%run_scoped3A_781, %dma_start3A_888] : memref<8x128xi32, #tpu.memory_space<vmem>> -> memref<1x128xi32, #tpu.memory_space<vmem>>
        %dma_start3A_890 = tpu.memref_squeeze %dma_start3A_889 : memref<1x128xi32, #tpu.memory_space<vmem>> -> memref<128xi32, #tpu.memory_space<vmem>>
        %dma_start3A_891 = tpu.memref_slice %arg3[%add3A_779] : memref<328704xi32, #tpu.memory_space<hbm>> -> memref<128xi32, #tpu.memory_space<hbm>>
        tpu.enqueue_dma source(%dma_start3A_891 : memref<128xi32, #tpu.memory_space<hbm>>) target(%dma_start3A_890 : memref<128xi32, #tpu.memory_space<vmem>>) target_semaphore(%run_scoped3A_883 : memref<!tpu.dma_semaphore, #tpu.memory_space<semaphore_mem>>)
        %dma_wait3A_892 = arith.constant 0 : i32
        %dma_wait3A_893 = tpu.memref_slice %arg8[%run_scoped3A_781, %dma_wait3A_892] : memref<8x128xi32, #tpu.memory_space<vmem>> -> memref<1x128xi32, #tpu.memory_space<vmem>>
        %dma_wait3A_894 = tpu.memref_squeeze %dma_wait3A_893 : memref<1x128xi32, #tpu.memory_space<vmem>> -> memref<128xi32, #tpu.memory_space<vmem>>
        %dma_wait3A_895 = tpu.memref_slice %arg3[%add3A_779] : memref<328704xi32, #tpu.memory_space<hbm>> -> memref<128xi32, #tpu.memory_space<hbm>>
        %dma_wait3A_896 = arith.constant 0 : i32
        %dma_wait3A_897 = tpu.memref_slice %arg8[%run_scoped3A_781, %dma_wait3A_896] : memref<8x128xi32, #tpu.memory_space<vmem>> -> memref<1x128xi32, #tpu.memory_space<vmem>>
        %dma_wait3A_898 = tpu.memref_squeeze %dma_wait3A_897 : memref<1x128xi32, #tpu.memory_space<vmem>> -> memref<128xi32, #tpu.memory_space<vmem>>
        %dma_wait3A_899 = tpu.memref_slice %arg3[%add3A_779] : memref<328704xi32, #tpu.memory_space<hbm>> -> memref<128xi32, #tpu.memory_space<hbm>>
        tpu.wait_dma2 semaphore(%run_scoped3A_883 : memref<!tpu.dma_semaphore, #tpu.memory_space<semaphore_mem>>) src(%dma_wait3A_899 : memref<128xi32, #tpu.memory_space<hbm>>) dst(%dma_wait3A_898 : memref<128xi32, #tpu.memory_space<vmem>>)
        tpu.yield
      }) : () -> ()
      %dma_start3A_782 = arith.constant 5 : i32
      %dma_start3A_783 = arith.constant 5 : i32
      %dma_start3A_784 = arith.constant 5 : i32
      %dma_start3A_785 = arith.constant 0 : i32
      %dma_start3A_786 = arith.constant 0 : i32
      %dma_start3A_787 = tpu.memref_slice %arg9[%dma_start3A_783, %dma_start3A_785, %dma_start3A_786] : memref<8x128x128xi16, #tpu.memory_space<vmem>> -> memref<1x128x128xi16, #tpu.memory_space<vmem>>
      %dma_start3A_788 = tpu.memref_squeeze %dma_start3A_787 : memref<1x128x128xi16, #tpu.memory_space<vmem>> -> memref<128x128xi16, #tpu.memory_space<vmem>>
      %dma_start3A_789 = arith.constant 0 : i32
      %dma_start3A_790 = tpu.memref_slice %arg7[%dma_start3A_782, %dma_start3A_789] : memref<8x128xi32, #tpu.memory_space<vmem>> -> memref<1x128xi32, #tpu.memory_space<vmem>>
      %dma_start3A_791 = tpu.memref_squeeze %dma_start3A_790 : memref<1x128xi32, #tpu.memory_space<vmem>> -> memref<128xi32, #tpu.memory_space<vmem>>
      %dma_start3A_792 = arith.constant 0 : i32
      %dma_start3A_793 = arith.constant 0 : i32
      %dma_start3A_794 = tpu.memref_slice %arg4[%dma_start3A_792, %dma_start3A_793] : memref<10000x128xi16, #tpu.memory_space<hbm>> -> memref<10000x128xi16, #tpu.memory_space<hbm>>
      %dma_start3A_795 = tpu.memref_slice %arg11[%dma_start3A_784] : memref<8x!tpu.dma_semaphore, #tpu.memory_space<semaphore_mem>> -> memref<1x!tpu.dma_semaphore, #tpu.memory_space<semaphore_mem>>
      %dma_start3A_796 = tpu.memref_squeeze %dma_start3A_795 : memref<1x!tpu.dma_semaphore, #tpu.memory_space<semaphore_mem>> -> memref<!tpu.dma_semaphore, #tpu.memory_space<semaphore_mem>>
      tpu.enqueue_indirect_dma source(%dma_start3A_794 : memref<10000x128xi16, #tpu.memory_space<hbm>>) target(%dma_start3A_788 : memref<128x128xi16, #tpu.memory_space<vmem>>) offsets(%dma_start3A_791 : memref<128xi32, #tpu.memory_space<vmem>>) semaphore(%dma_start3A_796 : memref<!tpu.dma_semaphore, #tpu.memory_space<semaphore_mem>>)
      %add3A_797 = arith.constant 1 : i32
      %add3A_798 = arith.addi %scan3A_298, %add3A_797 : i32
      %mul3A_799 = arith.constant 8 : i32
      %mul3A_800 = arith.muli %mul3A_799, %add3A_798 : i32
      %add3A_801 = arith.constant 6 : i32
      %add3A_802 = arith.addi %mul3A_800, %add3A_801 : i32
      %dma_wait3A_803 = arith.constant 6 : i32
      %dma_wait3A_804 = arith.constant 6 : i32
      %dma_wait3A_805 = arith.constant 6 : i32
      %dma_wait3A_806 = arith.constant 0 : i32
      %dma_wait3A_807 = arith.constant 0 : i32
      %dma_wait3A_808 = tpu.memref_slice %arg9[%dma_wait3A_803, %dma_wait3A_806, %dma_wait3A_807] : memref<8x128x128xi16, #tpu.memory_space<vmem>> -> memref<1x128x128xi16, #tpu.memory_space<vmem>>
      %dma_wait3A_809 = tpu.memref_squeeze %dma_wait3A_808 : memref<1x128x128xi16, #tpu.memory_space<vmem>> -> memref<128x128xi16, #tpu.memory_space<vmem>>
      %dma_wait3A_810 = arith.constant 0 : i32
      %dma_wait3A_811 = tpu.memref_slice %arg8[%dma_wait3A_804, %dma_wait3A_810] : memref<8x128xi32, #tpu.memory_space<vmem>> -> memref<1x128xi32, #tpu.memory_space<vmem>>
      %dma_wait3A_812 = tpu.memref_squeeze %dma_wait3A_811 : memref<1x128xi32, #tpu.memory_space<vmem>> -> memref<128xi32, #tpu.memory_space<vmem>>
      %dma_wait3A_813 = arith.constant 0 : i32
      %dma_wait3A_814 = arith.constant 0 : i32
      %dma_wait3A_815 = tpu.memref_slice %arg10[%dma_wait3A_813, %dma_wait3A_814] : memref<10240x128xi16, #tpu.memory_space<vmem_shared>> -> memref<10240x128xi16, #tpu.memory_space<vmem_shared>>
      %dma_wait3A_816 = tpu.memref_slice %arg12[%dma_wait3A_805] : memref<8x!tpu.dma_semaphore, #tpu.memory_space<semaphore_mem>> -> memref<1x!tpu.dma_semaphore, #tpu.memory_space<semaphore_mem>>
      %dma_wait3A_817 = tpu.memref_squeeze %dma_wait3A_816 : memref<1x!tpu.dma_semaphore, #tpu.memory_space<semaphore_mem>> -> memref<!tpu.dma_semaphore, #tpu.memory_space<semaphore_mem>>
      tpu.wait_indirect_dma semaphore(%dma_wait3A_817 : memref<!tpu.dma_semaphore, #tpu.memory_space<semaphore_mem>>) src(%dma_wait3A_809 : memref<128x128xi16, #tpu.memory_space<vmem>>) dst(%dma_wait3A_815 : memref<10240x128xi16, #tpu.memory_space<vmem_shared>>)
      %mul3A_818 = arith.constant 10240 : i32
      %mul3A_819 = arith.muli %add3A, %mul3A_818 : i32
      %mul3A_820 = arith.constant 128 : i32
      %mul3A_821 = arith.muli %add3A_802, %mul3A_820 : i32
      %add3A_822 = arith.addi %mul3A_819, %mul3A_821 : i32
      %run_scoped3A_823 = arith.constant 6 : i32
      "tpu.region"() ({
        %run_scoped3A_883 = tpu.sem_alloc : memref<!tpu.dma_semaphore, #tpu.memory_space<semaphore_mem>>
        %dma_start3A_884 = arith.constant 0 : i32
        %dma_start3A_885 = tpu.memref_slice %arg7[%run_scoped3A_823, %dma_start3A_884] : memref<8x128xi32, #tpu.memory_space<vmem>> -> memref<1x128xi32, #tpu.memory_space<vmem>>
        %dma_start3A_886 = tpu.memref_squeeze %dma_start3A_885 : memref<1x128xi32, #tpu.memory_space<vmem>> -> memref<128xi32, #tpu.memory_space<vmem>>
        %dma_start3A_887 = tpu.memref_slice %arg2[%add3A_822] : memref<328704xi32, #tpu.memory_space<hbm>> -> memref<128xi32, #tpu.memory_space<hbm>>
        %dma_start3A_888 = arith.constant 0 : i32
        %dma_start3A_889 = tpu.memref_slice %arg7[%run_scoped3A_823, %dma_start3A_888] : memref<8x128xi32, #tpu.memory_space<vmem>> -> memref<1x128xi32, #tpu.memory_space<vmem>>
        %dma_start3A_890 = tpu.memref_squeeze %dma_start3A_889 : memref<1x128xi32, #tpu.memory_space<vmem>> -> memref<128xi32, #tpu.memory_space<vmem>>
        %dma_start3A_891 = tpu.memref_slice %arg2[%add3A_822] : memref<328704xi32, #tpu.memory_space<hbm>> -> memref<128xi32, #tpu.memory_space<hbm>>
        tpu.enqueue_dma source(%dma_start3A_891 : memref<128xi32, #tpu.memory_space<hbm>>) target(%dma_start3A_890 : memref<128xi32, #tpu.memory_space<vmem>>) target_semaphore(%run_scoped3A_883 : memref<!tpu.dma_semaphore, #tpu.memory_space<semaphore_mem>>)
        %dma_wait3A_892 = arith.constant 0 : i32
        %dma_wait3A_893 = tpu.memref_slice %arg7[%run_scoped3A_823, %dma_wait3A_892] : memref<8x128xi32, #tpu.memory_space<vmem>> -> memref<1x128xi32, #tpu.memory_space<vmem>>
        %dma_wait3A_894 = tpu.memref_squeeze %dma_wait3A_893 : memref<1x128xi32, #tpu.memory_space<vmem>> -> memref<128xi32, #tpu.memory_space<vmem>>
        %dma_wait3A_895 = tpu.memref_slice %arg2[%add3A_822] : memref<328704xi32, #tpu.memory_space<hbm>> -> memref<128xi32, #tpu.memory_space<hbm>>
        %dma_wait3A_896 = arith.constant 0 : i32
        %dma_wait3A_897 = tpu.memref_slice %arg7[%run_scoped3A_823, %dma_wait3A_896] : memref<8x128xi32, #tpu.memory_space<vmem>> -> memref<1x128xi32, #tpu.memory_space<vmem>>
        %dma_wait3A_898 = tpu.memref_squeeze %dma_wait3A_897 : memref<1x128xi32, #tpu.memory_space<vmem>> -> memref<128xi32, #tpu.memory_space<vmem>>
        %dma_wait3A_899 = tpu.memref_slice %arg2[%add3A_822] : memref<328704xi32, #tpu.memory_space<hbm>> -> memref<128xi32, #tpu.memory_space<hbm>>
        tpu.wait_dma2 semaphore(%run_scoped3A_883 : memref<!tpu.dma_semaphore, #tpu.memory_space<semaphore_mem>>) src(%dma_wait3A_899 : memref<128xi32, #tpu.memory_space<hbm>>) dst(%dma_wait3A_898 : memref<128xi32, #tpu.memory_space<vmem>>)
        tpu.yield
      }) : () -> ()
      %run_scoped3A_824 = arith.constant 6 : i32
      "tpu.region"() ({
        %run_scoped3A_883 = tpu.sem_alloc : memref<!tpu.dma_semaphore, #tpu.memory_space<semaphore_mem>>
        %dma_start3A_884 = arith.constant 0 : i32
        %dma_start3A_885 = tpu.memref_slice %arg8[%run_scoped3A_824, %dma_start3A_884] : memref<8x128xi32, #tpu.memory_space<vmem>> -> memref<1x128xi32, #tpu.memory_space<vmem>>
        %dma_start3A_886 = tpu.memref_squeeze %dma_start3A_885 : memref<1x128xi32, #tpu.memory_space<vmem>> -> memref<128xi32, #tpu.memory_space<vmem>>
        %dma_start3A_887 = tpu.memref_slice %arg3[%add3A_822] : memref<328704xi32, #tpu.memory_space<hbm>> -> memref<128xi32, #tpu.memory_space<hbm>>
        %dma_start3A_888 = arith.constant 0 : i32
        %dma_start3A_889 = tpu.memref_slice %arg8[%run_scoped3A_824, %dma_start3A_888] : memref<8x128xi32, #tpu.memory_space<vmem>> -> memref<1x128xi32, #tpu.memory_space<vmem>>
        %dma_start3A_890 = tpu.memref_squeeze %dma_start3A_889 : memref<1x128xi32, #tpu.memory_space<vmem>> -> memref<128xi32, #tpu.memory_space<vmem>>
        %dma_start3A_891 = tpu.memref_slice %arg3[%add3A_822] : memref<328704xi32, #tpu.memory_space<hbm>> -> memref<128xi32, #tpu.memory_space<hbm>>
        tpu.enqueue_dma source(%dma_start3A_891 : memref<128xi32, #tpu.memory_space<hbm>>) target(%dma_start3A_890 : memref<128xi32, #tpu.memory_space<vmem>>) target_semaphore(%run_scoped3A_883 : memref<!tpu.dma_semaphore, #tpu.memory_space<semaphore_mem>>)
        %dma_wait3A_892 = arith.constant 0 : i32
        %dma_wait3A_893 = tpu.memref_slice %arg8[%run_scoped3A_824, %dma_wait3A_892] : memref<8x128xi32, #tpu.memory_space<vmem>> -> memref<1x128xi32, #tpu.memory_space<vmem>>
        %dma_wait3A_894 = tpu.memref_squeeze %dma_wait3A_893 : memref<1x128xi32, #tpu.memory_space<vmem>> -> memref<128xi32, #tpu.memory_space<vmem>>
        %dma_wait3A_895 = tpu.memref_slice %arg3[%add3A_822] : memref<328704xi32, #tpu.memory_space<hbm>> -> memref<128xi32, #tpu.memory_space<hbm>>
        %dma_wait3A_896 = arith.constant 0 : i32
        %dma_wait3A_897 = tpu.memref_slice %arg8[%run_scoped3A_824, %dma_wait3A_896] : memref<8x128xi32, #tpu.memory_space<vmem>> -> memref<1x128xi32, #tpu.memory_space<vmem>>
        %dma_wait3A_898 = tpu.memref_squeeze %dma_wait3A_897 : memref<1x128xi32, #tpu.memory_space<vmem>> -> memref<128xi32, #tpu.memory_space<vmem>>
        %dma_wait3A_899 = tpu.memref_slice %arg3[%add3A_822] : memref<328704xi32, #tpu.memory_space<hbm>> -> memref<128xi32, #tpu.memory_space<hbm>>
        tpu.wait_dma2 semaphore(%run_scoped3A_883 : memref<!tpu.dma_semaphore, #tpu.memory_space<semaphore_mem>>) src(%dma_wait3A_899 : memref<128xi32, #tpu.memory_space<hbm>>) dst(%dma_wait3A_898 : memref<128xi32, #tpu.memory_space<vmem>>)
        tpu.yield
      }) : () -> ()
      %dma_start3A_825 = arith.constant 6 : i32
      %dma_start3A_826 = arith.constant 6 : i32
      %dma_start3A_827 = arith.constant 6 : i32
      %dma_start3A_828 = arith.constant 0 : i32
      %dma_start3A_829 = arith.constant 0 : i32
      %dma_start3A_830 = tpu.memref_slice %arg9[%dma_start3A_826, %dma_start3A_828, %dma_start3A_829] : memref<8x128x128xi16, #tpu.memory_space<vmem>> -> memref<1x128x128xi16, #tpu.memory_space<vmem>>
      %dma_start3A_831 = tpu.memref_squeeze %dma_start3A_830 : memref<1x128x128xi16, #tpu.memory_space<vmem>> -> memref<128x128xi16, #tpu.memory_space<vmem>>
      %dma_start3A_832 = arith.constant 0 : i32
      %dma_start3A_833 = tpu.memref_slice %arg7[%dma_start3A_825, %dma_start3A_832] : memref<8x128xi32, #tpu.memory_space<vmem>> -> memref<1x128xi32, #tpu.memory_space<vmem>>
      %dma_start3A_834 = tpu.memref_squeeze %dma_start3A_833 : memref<1x128xi32, #tpu.memory_space<vmem>> -> memref<128xi32, #tpu.memory_space<vmem>>
      %dma_start3A_835 = arith.constant 0 : i32
      %dma_start3A_836 = arith.constant 0 : i32
      %dma_start3A_837 = tpu.memref_slice %arg4[%dma_start3A_835, %dma_start3A_836] : memref<10000x128xi16, #tpu.memory_space<hbm>> -> memref<10000x128xi16, #tpu.memory_space<hbm>>
      %dma_start3A_838 = tpu.memref_slice %arg11[%dma_start3A_827] : memref<8x!tpu.dma_semaphore, #tpu.memory_space<semaphore_mem>> -> memref<1x!tpu.dma_semaphore, #tpu.memory_space<semaphore_mem>>
      %dma_start3A_839 = tpu.memref_squeeze %dma_start3A_838 : memref<1x!tpu.dma_semaphore, #tpu.memory_space<semaphore_mem>> -> memref<!tpu.dma_semaphore, #tpu.memory_space<semaphore_mem>>
      tpu.enqueue_indirect_dma source(%dma_start3A_837 : memref<10000x128xi16, #tpu.memory_space<hbm>>) target(%dma_start3A_831 : memref<128x128xi16, #tpu.memory_space<vmem>>) offsets(%dma_start3A_834 : memref<128xi32, #tpu.memory_space<vmem>>) semaphore(%dma_start3A_839 : memref<!tpu.dma_semaphore, #tpu.memory_space<semaphore_mem>>)
      %add3A_840 = arith.constant 1 : i32
      %add3A_841 = arith.addi %scan3A_298, %add3A_840 : i32
      %mul3A_842 = arith.constant 8 : i32
      %mul3A_843 = arith.muli %mul3A_842, %add3A_841 : i32
      %add3A_844 = arith.constant 7 : i32
      %add3A_845 = arith.addi %mul3A_843, %add3A_844 : i32
      %dma_wait3A_846 = arith.constant 7 : i32
      %dma_wait3A_847 = arith.constant 7 : i32
      %dma_wait3A_848 = arith.constant 7 : i32
      %dma_wait3A_849 = arith.constant 0 : i32
      %dma_wait3A_850 = arith.constant 0 : i32
      %dma_wait3A_851 = tpu.memref_slice %arg9[%dma_wait3A_846, %dma_wait3A_849, %dma_wait3A_850] : memref<8x128x128xi16, #tpu.memory_space<vmem>> -> memref<1x128x128xi16, #tpu.memory_space<vmem>>
      %dma_wait3A_852 = tpu.memref_squeeze %dma_wait3A_851 : memref<1x128x128xi16, #tpu.memory_space<vmem>> -> memref<128x128xi16, #tpu.memory_space<vmem>>
      %dma_wait3A_853 = arith.constant 0 : i32
      %dma_wait3A_854 = tpu.memref_slice %arg8[%dma_wait3A_847, %dma_wait3A_853] : memref<8x128xi32, #tpu.memory_space<vmem>> -> memref<1x128xi32, #tpu.memory_space<vmem>>
      %dma_wait3A_855 = tpu.memref_squeeze %dma_wait3A_854 : memref<1x128xi32, #tpu.memory_space<vmem>> -> memref<128xi32, #tpu.memory_space<vmem>>
      %dma_wait3A_856 = arith.constant 0 : i32
      %dma_wait3A_857 = arith.constant 0 : i32
      %dma_wait3A_858 = tpu.memref_slice %arg10[%dma_wait3A_856, %dma_wait3A_857] : memref<10240x128xi16, #tpu.memory_space<vmem_shared>> -> memref<10240x128xi16, #tpu.memory_space<vmem_shared>>
      %dma_wait3A_859 = tpu.memref_slice %arg12[%dma_wait3A_848] : memref<8x!tpu.dma_semaphore, #tpu.memory_space<semaphore_mem>> -> memref<1x!tpu.dma_semaphore, #tpu.memory_space<semaphore_mem>>
      %dma_wait3A_860 = tpu.memref_squeeze %dma_wait3A_859 : memref<1x!tpu.dma_semaphore, #tpu.memory_space<semaphore_mem>> -> memref<!tpu.dma_semaphore, #tpu.memory_space<semaphore_mem>>
      tpu.wait_indirect_dma semaphore(%dma_wait3A_860 : memref<!tpu.dma_semaphore, #tpu.memory_space<semaphore_mem>>) src(%dma_wait3A_852 : memref<128x128xi16, #tpu.memory_space<vmem>>) dst(%dma_wait3A_858 : memref<10240x128xi16, #tpu.memory_space<vmem_shared>>)
      %mul3A_861 = arith.constant 10240 : i32
      %mul3A_862 = arith.muli %add3A, %mul3A_861 : i32
      %mul3A_863 = arith.constant 128 : i32
      %mul3A_864 = arith.muli %add3A_845, %mul3A_863 : i32
      %add3A_865 = arith.addi %mul3A_862, %mul3A_864 : i32
      %run_scoped3A_866 = arith.constant 7 : i32
      "tpu.region"() ({
        %run_scoped3A_883 = tpu.sem_alloc : memref<!tpu.dma_semaphore, #tpu.memory_space<semaphore_mem>>
        %dma_start3A_884 = arith.constant 0 : i32
        %dma_start3A_885 = tpu.memref_slice %arg7[%run_scoped3A_866, %dma_start3A_884] : memref<8x128xi32, #tpu.memory_space<vmem>> -> memref<1x128xi32, #tpu.memory_space<vmem>>
        %dma_start3A_886 = tpu.memref_squeeze %dma_start3A_885 : memref<1x128xi32, #tpu.memory_space<vmem>> -> memref<128xi32, #tpu.memory_space<vmem>>
        %dma_start3A_887 = tpu.memref_slice %arg2[%add3A_865] : memref<328704xi32, #tpu.memory_space<hbm>> -> memref<128xi32, #tpu.memory_space<hbm>>
        %dma_start3A_888 = arith.constant 0 : i32
        %dma_start3A_889 = tpu.memref_slice %arg7[%run_scoped3A_866, %dma_start3A_888] : memref<8x128xi32, #tpu.memory_space<vmem>> -> memref<1x128xi32, #tpu.memory_space<vmem>>
        %dma_start3A_890 = tpu.memref_squeeze %dma_start3A_889 : memref<1x128xi32, #tpu.memory_space<vmem>> -> memref<128xi32, #tpu.memory_space<vmem>>
        %dma_start3A_891 = tpu.memref_slice %arg2[%add3A_865] : memref<328704xi32, #tpu.memory_space<hbm>> -> memref<128xi32, #tpu.memory_space<hbm>>
        tpu.enqueue_dma source(%dma_start3A_891 : memref<128xi32, #tpu.memory_space<hbm>>) target(%dma_start3A_890 : memref<128xi32, #tpu.memory_space<vmem>>) target_semaphore(%run_scoped3A_883 : memref<!tpu.dma_semaphore, #tpu.memory_space<semaphore_mem>>)
        %dma_wait3A_892 = arith.constant 0 : i32
        %dma_wait3A_893 = tpu.memref_slice %arg7[%run_scoped3A_866, %dma_wait3A_892] : memref<8x128xi32, #tpu.memory_space<vmem>> -> memref<1x128xi32, #tpu.memory_space<vmem>>
        %dma_wait3A_894 = tpu.memref_squeeze %dma_wait3A_893 : memref<1x128xi32, #tpu.memory_space<vmem>> -> memref<128xi32, #tpu.memory_space<vmem>>
        %dma_wait3A_895 = tpu.memref_slice %arg2[%add3A_865] : memref<328704xi32, #tpu.memory_space<hbm>> -> memref<128xi32, #tpu.memory_space<hbm>>
        %dma_wait3A_896 = arith.constant 0 : i32
        %dma_wait3A_897 = tpu.memref_slice %arg7[%run_scoped3A_866, %dma_wait3A_896] : memref<8x128xi32, #tpu.memory_space<vmem>> -> memref<1x128xi32, #tpu.memory_space<vmem>>
        %dma_wait3A_898 = tpu.memref_squeeze %dma_wait3A_897 : memref<1x128xi32, #tpu.memory_space<vmem>> -> memref<128xi32, #tpu.memory_space<vmem>>
        %dma_wait3A_899 = tpu.memref_slice %arg2[%add3A_865] : memref<328704xi32, #tpu.memory_space<hbm>> -> memref<128xi32, #tpu.memory_space<hbm>>
        tpu.wait_dma2 semaphore(%run_scoped3A_883 : memref<!tpu.dma_semaphore, #tpu.memory_space<semaphore_mem>>) src(%dma_wait3A_899 : memref<128xi32, #tpu.memory_space<hbm>>) dst(%dma_wait3A_898 : memref<128xi32, #tpu.memory_space<vmem>>)
        tpu.yield
      }) : () -> ()
      %run_scoped3A_867 = arith.constant 7 : i32
      "tpu.region"() ({
        %run_scoped3A_883 = tpu.sem_alloc : memref<!tpu.dma_semaphore, #tpu.memory_space<semaphore_mem>>
        %dma_start3A_884 = arith.constant 0 : i32
        %dma_start3A_885 = tpu.memref_slice %arg8[%run_scoped3A_867, %dma_start3A_884] : memref<8x128xi32, #tpu.memory_space<vmem>> -> memref<1x128xi32, #tpu.memory_space<vmem>>
        %dma_start3A_886 = tpu.memref_squeeze %dma_start3A_885 : memref<1x128xi32, #tpu.memory_space<vmem>> -> memref<128xi32, #tpu.memory_space<vmem>>
        %dma_start3A_887 = tpu.memref_slice %arg3[%add3A_865] : memref<328704xi32, #tpu.memory_space<hbm>> -> memref<128xi32, #tpu.memory_space<hbm>>
        %dma_start3A_888 = arith.constant 0 : i32
        %dma_start3A_889 = tpu.memref_slice %arg8[%run_scoped3A_867, %dma_start3A_888] : memref<8x128xi32, #tpu.memory_space<vmem>> -> memref<1x128xi32, #tpu.memory_space<vmem>>
        %dma_start3A_890 = tpu.memref_squeeze %dma_start3A_889 : memref<1x128xi32, #tpu.memory_space<vmem>> -> memref<128xi32, #tpu.memory_space<vmem>>
        %dma_start3A_891 = tpu.memref_slice %arg3[%add3A_865] : memref<328704xi32, #tpu.memory_space<hbm>> -> memref<128xi32, #tpu.memory_space<hbm>>
        tpu.enqueue_dma source(%dma_start3A_891 : memref<128xi32, #tpu.memory_space<hbm>>) target(%dma_start3A_890 : memref<128xi32, #tpu.memory_space<vmem>>) target_semaphore(%run_scoped3A_883 : memref<!tpu.dma_semaphore, #tpu.memory_space<semaphore_mem>>)
        %dma_wait3A_892 = arith.constant 0 : i32
        %dma_wait3A_893 = tpu.memref_slice %arg8[%run_scoped3A_867, %dma_wait3A_892] : memref<8x128xi32, #tpu.memory_space<vmem>> -> memref<1x128xi32, #tpu.memory_space<vmem>>
        %dma_wait3A_894 = tpu.memref_squeeze %dma_wait3A_893 : memref<1x128xi32, #tpu.memory_space<vmem>> -> memref<128xi32, #tpu.memory_space<vmem>>
        %dma_wait3A_895 = tpu.memref_slice %arg3[%add3A_865] : memref<328704xi32, #tpu.memory_space<hbm>> -> memref<128xi32, #tpu.memory_space<hbm>>
        %dma_wait3A_896 = arith.constant 0 : i32
        %dma_wait3A_897 = tpu.memref_slice %arg8[%run_scoped3A_867, %dma_wait3A_896] : memref<8x128xi32, #tpu.memory_space<vmem>> -> memref<1x128xi32, #tpu.memory_space<vmem>>
        %dma_wait3A_898 = tpu.memref_squeeze %dma_wait3A_897 : memref<1x128xi32, #tpu.memory_space<vmem>> -> memref<128xi32, #tpu.memory_space<vmem>>
        %dma_wait3A_899 = tpu.memref_slice %arg3[%add3A_865] : memref<328704xi32, #tpu.memory_space<hbm>> -> memref<128xi32, #tpu.memory_space<hbm>>
        tpu.wait_dma2 semaphore(%run_scoped3A_883 : memref<!tpu.dma_semaphore, #tpu.memory_space<semaphore_mem>>) src(%dma_wait3A_899 : memref<128xi32, #tpu.memory_space<hbm>>) dst(%dma_wait3A_898 : memref<128xi32, #tpu.memory_space<vmem>>)
        tpu.yield
      }) : () -> ()
      %dma_start3A_868 = arith.constant 7 : i32
      %dma_start3A_869 = arith.constant 7 : i32
      %dma_start3A_870 = arith.constant 7 : i32
      %dma_start3A_871 = arith.constant 0 : i32
      %dma_start3A_872 = arith.constant 0 : i32
      %dma_start3A_873 = tpu.memref_slice %arg9[%dma_start3A_869, %dma_start3A_871, %dma_start3A_872] : memref<8x128x128xi16, #tpu.memory_space<vmem>> -> memref<1x128x128xi16, #tpu.memory_space<vmem>>
      %dma_start3A_874 = tpu.memref_squeeze %dma_start3A_873 : memref<1x128x128xi16, #tpu.memory_space<vmem>> -> memref<128x128xi16, #tpu.memory_space<vmem>>
      %dma_start3A_875 = arith.constant 0 : i32
      %dma_start3A_876 = tpu.memref_slice %arg7[%dma_start3A_868, %dma_start3A_875] : memref<8x128xi32, #tpu.memory_space<vmem>> -> memref<1x128xi32, #tpu.memory_space<vmem>>
      %dma_start3A_877 = tpu.memref_squeeze %dma_start3A_876 : memref<1x128xi32, #tpu.memory_space<vmem>> -> memref<128xi32, #tpu.memory_space<vmem>>
      %dma_start3A_878 = arith.constant 0 : i32
      %dma_start3A_879 = arith.constant 0 : i32
      %dma_start3A_880 = tpu.memref_slice %arg4[%dma_start3A_878, %dma_start3A_879] : memref<10000x128xi16, #tpu.memory_space<hbm>> -> memref<10000x128xi16, #tpu.memory_space<hbm>>
      %dma_start3A_881 = tpu.memref_slice %arg11[%dma_start3A_870] : memref<8x!tpu.dma_semaphore, #tpu.memory_space<semaphore_mem>> -> memref<1x!tpu.dma_semaphore, #tpu.memory_space<semaphore_mem>>
      %dma_start3A_882 = tpu.memref_squeeze %dma_start3A_881 : memref<1x!tpu.dma_semaphore, #tpu.memory_space<semaphore_mem>> -> memref<!tpu.dma_semaphore, #tpu.memory_space<semaphore_mem>>
      tpu.enqueue_indirect_dma source(%dma_start3A_880 : memref<10000x128xi16, #tpu.memory_space<hbm>>) target(%dma_start3A_874 : memref<128x128xi16, #tpu.memory_space<vmem>>) offsets(%dma_start3A_877 : memref<128xi32, #tpu.memory_space<vmem>>) semaphore(%dma_start3A_882 : memref<!tpu.dma_semaphore, #tpu.memory_space<semaphore_mem>>)
    }
    %scan3A_173 = arith.constant 10 : i32
    %dma_wait3A = arith.constant 0 : i32
    %dma_wait3A_174 = arith.constant 0 : i32
    %dma_wait3A_175 = arith.constant 0 : i32
    %dma_wait3A_176 = arith.constant 0 : i32
    %dma_wait3A_177 = arith.constant 0 : i32
    %dma_wait3A_178 = tpu.memref_slice %arg9[%dma_wait3A_174, %dma_wait3A_176, %dma_wait3A_177] : memref<8x128x128xi16, #tpu.memory_space<vmem>> -> memref<1x128x128xi16, #tpu.memory_space<vmem>>
    %dma_wait3A_179 = tpu.memref_squeeze %dma_wait3A_178 : memref<1x128x128xi16, #tpu.memory_space<vmem>> -> memref<128x128xi16, #tpu.memory_space<vmem>>
    %dma_wait3A_180 = arith.constant 0 : i32
    %dma_wait3A_181 = tpu.memref_slice %arg7[%dma_wait3A, %dma_wait3A_180] : memref<8x128xi32, #tpu.memory_space<vmem>> -> memref<1x128xi32, #tpu.memory_space<vmem>>
    %dma_wait3A_182 = tpu.memref_squeeze %dma_wait3A_181 : memref<1x128xi32, #tpu.memory_space<vmem>> -> memref<128xi32, #tpu.memory_space<vmem>>
    %dma_wait3A_183 = arith.constant 0 : i32
    %dma_wait3A_184 = arith.constant 0 : i32
    %dma_wait3A_185 = tpu.memref_slice %arg4[%dma_wait3A_183, %dma_wait3A_184] : memref<10000x128xi16, #tpu.memory_space<hbm>> -> memref<10000x128xi16, #tpu.memory_space<hbm>>
    %dma_wait3A_186 = tpu.memref_slice %arg11[%dma_wait3A_175] : memref<8x!tpu.dma_semaphore, #tpu.memory_space<semaphore_mem>> -> memref<1x!tpu.dma_semaphore, #tpu.memory_space<semaphore_mem>>
    %dma_wait3A_187 = tpu.memref_squeeze %dma_wait3A_186 : memref<1x!tpu.dma_semaphore, #tpu.memory_space<semaphore_mem>> -> memref<!tpu.dma_semaphore, #tpu.memory_space<semaphore_mem>>
    tpu.wait_indirect_dma semaphore(%dma_wait3A_187 : memref<!tpu.dma_semaphore, #tpu.memory_space<semaphore_mem>>) src(%dma_wait3A_185 : memref<10000x128xi16, #tpu.memory_space<hbm>>) dst(%dma_wait3A_179 : memref<128x128xi16, #tpu.memory_space<vmem>>)
    %dma_wait3A_188 = arith.constant 1 : i32
    %dma_wait3A_189 = arith.constant 1 : i32
    %dma_wait3A_190 = arith.constant 1 : i32
    %dma_wait3A_191 = arith.constant 0 : i32
    %dma_wait3A_192 = arith.constant 0 : i32
    %dma_wait3A_193 = tpu.memref_slice %arg9[%dma_wait3A_189, %dma_wait3A_191, %dma_wait3A_192] : memref<8x128x128xi16, #tpu.memory_space<vmem>> -> memref<1x128x128xi16, #tpu.memory_space<vmem>>
    %dma_wait3A_194 = tpu.memref_squeeze %dma_wait3A_193 : memref<1x128x128xi16, #tpu.memory_space<vmem>> -> memref<128x128xi16, #tpu.memory_space<vmem>>
    %dma_wait3A_195 = arith.constant 0 : i32
    %dma_wait3A_196 = tpu.memref_slice %arg7[%dma_wait3A_188, %dma_wait3A_195] : memref<8x128xi32, #tpu.memory_space<vmem>> -> memref<1x128xi32, #tpu.memory_space<vmem>>
    %dma_wait3A_197 = tpu.memref_squeeze %dma_wait3A_196 : memref<1x128xi32, #tpu.memory_space<vmem>> -> memref<128xi32, #tpu.memory_space<vmem>>
    %dma_wait3A_198 = arith.constant 0 : i32
    %dma_wait3A_199 = arith.constant 0 : i32
    %dma_wait3A_200 = tpu.memref_slice %arg4[%dma_wait3A_198, %dma_wait3A_199] : memref<10000x128xi16, #tpu.memory_space<hbm>> -> memref<10000x128xi16, #tpu.memory_space<hbm>>
    %dma_wait3A_201 = tpu.memref_slice %arg11[%dma_wait3A_190] : memref<8x!tpu.dma_semaphore, #tpu.memory_space<semaphore_mem>> -> memref<1x!tpu.dma_semaphore, #tpu.memory_space<semaphore_mem>>
    %dma_wait3A_202 = tpu.memref_squeeze %dma_wait3A_201 : memref<1x!tpu.dma_semaphore, #tpu.memory_space<semaphore_mem>> -> memref<!tpu.dma_semaphore, #tpu.memory_space<semaphore_mem>>
    tpu.wait_indirect_dma semaphore(%dma_wait3A_202 : memref<!tpu.dma_semaphore, #tpu.memory_space<semaphore_mem>>) src(%dma_wait3A_200 : memref<10000x128xi16, #tpu.memory_space<hbm>>) dst(%dma_wait3A_194 : memref<128x128xi16, #tpu.memory_space<vmem>>)
    %dma_wait3A_203 = arith.constant 2 : i32
    %dma_wait3A_204 = arith.constant 2 : i32
    %dma_wait3A_205 = arith.constant 2 : i32
    %dma_wait3A_206 = arith.constant 0 : i32
    %dma_wait3A_207 = arith.constant 0 : i32
    %dma_wait3A_208 = tpu.memref_slice %arg9[%dma_wait3A_204, %dma_wait3A_206, %dma_wait3A_207] : memref<8x128x128xi16, #tpu.memory_space<vmem>> -> memref<1x128x128xi16, #tpu.memory_space<vmem>>
    %dma_wait3A_209 = tpu.memref_squeeze %dma_wait3A_208 : memref<1x128x128xi16, #tpu.memory_space<vmem>> -> memref<128x128xi16, #tpu.memory_space<vmem>>
    %dma_wait3A_210 = arith.constant 0 : i32
    %dma_wait3A_211 = tpu.memref_slice %arg7[%dma_wait3A_203, %dma_wait3A_210] : memref<8x128xi32, #tpu.memory_space<vmem>> -> memref<1x128xi32, #tpu.memory_space<vmem>>
    %dma_wait3A_212 = tpu.memref_squeeze %dma_wait3A_211 : memref<1x128xi32, #tpu.memory_space<vmem>> -> memref<128xi32, #tpu.memory_space<vmem>>
    %dma_wait3A_213 = arith.constant 0 : i32
    %dma_wait3A_214 = arith.constant 0 : i32
    %dma_wait3A_215 = tpu.memref_slice %arg4[%dma_wait3A_213, %dma_wait3A_214] : memref<10000x128xi16, #tpu.memory_space<hbm>> -> memref<10000x128xi16, #tpu.memory_space<hbm>>
    %dma_wait3A_216 = tpu.memref_slice %arg11[%dma_wait3A_205] : memref<8x!tpu.dma_semaphore, #tpu.memory_space<semaphore_mem>> -> memref<1x!tpu.dma_semaphore, #tpu.memory_space<semaphore_mem>>
    %dma_wait3A_217 = tpu.memref_squeeze %dma_wait3A_216 : memref<1x!tpu.dma_semaphore, #tpu.memory_space<semaphore_mem>> -> memref<!tpu.dma_semaphore, #tpu.memory_space<semaphore_mem>>
    tpu.wait_indirect_dma semaphore(%dma_wait3A_217 : memref<!tpu.dma_semaphore, #tpu.memory_space<semaphore_mem>>) src(%dma_wait3A_215 : memref<10000x128xi16, #tpu.memory_space<hbm>>) dst(%dma_wait3A_209 : memref<128x128xi16, #tpu.memory_space<vmem>>)
    %dma_wait3A_218 = arith.constant 3 : i32
    %dma_wait3A_219 = arith.constant 3 : i32
    %dma_wait3A_220 = arith.constant 3 : i32
    %dma_wait3A_221 = arith.constant 0 : i32
    %dma_wait3A_222 = arith.constant 0 : i32
    %dma_wait3A_223 = tpu.memref_slice %arg9[%dma_wait3A_219, %dma_wait3A_221, %dma_wait3A_222] : memref<8x128x128xi16, #tpu.memory_space<vmem>> -> memref<1x128x128xi16, #tpu.memory_space<vmem>>
    %dma_wait3A_224 = tpu.memref_squeeze %dma_wait3A_223 : memref<1x128x128xi16, #tpu.memory_space<vmem>> -> memref<128x128xi16, #tpu.memory_space<vmem>>
    %dma_wait3A_225 = arith.constant 0 : i32
    %dma_wait3A_226 = tpu.memref_slice %arg7[%dma_wait3A_218, %dma_wait3A_225] : memref<8x128xi32, #tpu.memory_space<vmem>> -> memref<1x128xi32, #tpu.memory_space<vmem>>
    %dma_wait3A_227 = tpu.memref_squeeze %dma_wait3A_226 : memref<1x128xi32, #tpu.memory_space<vmem>> -> memref<128xi32, #tpu.memory_space<vmem>>
    %dma_wait3A_228 = arith.constant 0 : i32
    %dma_wait3A_229 = arith.constant 0 : i32
    %dma_wait3A_230 = tpu.memref_slice %arg4[%dma_wait3A_228, %dma_wait3A_229] : memref<10000x128xi16, #tpu.memory_space<hbm>> -> memref<10000x128xi16, #tpu.memory_space<hbm>>
    %dma_wait3A_231 = tpu.memref_slice %arg11[%dma_wait3A_220] : memref<8x!tpu.dma_semaphore, #tpu.memory_space<semaphore_mem>> -> memref<1x!tpu.dma_semaphore, #tpu.memory_space<semaphore_mem>>
    %dma_wait3A_232 = tpu.memref_squeeze %dma_wait3A_231 : memref<1x!tpu.dma_semaphore, #tpu.memory_space<semaphore_mem>> -> memref<!tpu.dma_semaphore, #tpu.memory_space<semaphore_mem>>
    tpu.wait_indirect_dma semaphore(%dma_wait3A_232 : memref<!tpu.dma_semaphore, #tpu.memory_space<semaphore_mem>>) src(%dma_wait3A_230 : memref<10000x128xi16, #tpu.memory_space<hbm>>) dst(%dma_wait3A_224 : memref<128x128xi16, #tpu.memory_space<vmem>>)
    %dma_wait3A_233 = arith.constant 4 : i32
    %dma_wait3A_234 = arith.constant 4 : i32
    %dma_wait3A_235 = arith.constant 4 : i32
    %dma_wait3A_236 = arith.constant 0 : i32
    %dma_wait3A_237 = arith.constant 0 : i32
    %dma_wait3A_238 = tpu.memref_slice %arg9[%dma_wait3A_234, %dma_wait3A_236, %dma_wait3A_237] : memref<8x128x128xi16, #tpu.memory_space<vmem>> -> memref<1x128x128xi16, #tpu.memory_space<vmem>>
    %dma_wait3A_239 = tpu.memref_squeeze %dma_wait3A_238 : memref<1x128x128xi16, #tpu.memory_space<vmem>> -> memref<128x128xi16, #tpu.memory_space<vmem>>
    %dma_wait3A_240 = arith.constant 0 : i32
    %dma_wait3A_241 = tpu.memref_slice %arg7[%dma_wait3A_233, %dma_wait3A_240] : memref<8x128xi32, #tpu.memory_space<vmem>> -> memref<1x128xi32, #tpu.memory_space<vmem>>
    %dma_wait3A_242 = tpu.memref_squeeze %dma_wait3A_241 : memref<1x128xi32, #tpu.memory_space<vmem>> -> memref<128xi32, #tpu.memory_space<vmem>>
    %dma_wait3A_243 = arith.constant 0 : i32
    %dma_wait3A_244 = arith.constant 0 : i32
    %dma_wait3A_245 = tpu.memref_slice %arg4[%dma_wait3A_243, %dma_wait3A_244] : memref<10000x128xi16, #tpu.memory_space<hbm>> -> memref<10000x128xi16, #tpu.memory_space<hbm>>
    %dma_wait3A_246 = tpu.memref_slice %arg11[%dma_wait3A_235] : memref<8x!tpu.dma_semaphore, #tpu.memory_space<semaphore_mem>> -> memref<1x!tpu.dma_semaphore, #tpu.memory_space<semaphore_mem>>
    %dma_wait3A_247 = tpu.memref_squeeze %dma_wait3A_246 : memref<1x!tpu.dma_semaphore, #tpu.memory_space<semaphore_mem>> -> memref<!tpu.dma_semaphore, #tpu.memory_space<semaphore_mem>>
    tpu.wait_indirect_dma semaphore(%dma_wait3A_247 : memref<!tpu.dma_semaphore, #tpu.memory_space<semaphore_mem>>) src(%dma_wait3A_245 : memref<10000x128xi16, #tpu.memory_space<hbm>>) dst(%dma_wait3A_239 : memref<128x128xi16, #tpu.memory_space<vmem>>)
    %dma_wait3A_248 = arith.constant 5 : i32
    %dma_wait3A_249 = arith.constant 5 : i32
    %dma_wait3A_250 = arith.constant 5 : i32
    %dma_wait3A_251 = arith.constant 0 : i32
    %dma_wait3A_252 = arith.constant 0 : i32
    %dma_wait3A_253 = tpu.memref_slice %arg9[%dma_wait3A_249, %dma_wait3A_251, %dma_wait3A_252] : memref<8x128x128xi16, #tpu.memory_space<vmem>> -> memref<1x128x128xi16, #tpu.memory_space<vmem>>
    %dma_wait3A_254 = tpu.memref_squeeze %dma_wait3A_253 : memref<1x128x128xi16, #tpu.memory_space<vmem>> -> memref<128x128xi16, #tpu.memory_space<vmem>>
    %dma_wait3A_255 = arith.constant 0 : i32
    %dma_wait3A_256 = tpu.memref_slice %arg7[%dma_wait3A_248, %dma_wait3A_255] : memref<8x128xi32, #tpu.memory_space<vmem>> -> memref<1x128xi32, #tpu.memory_space<vmem>>
    %dma_wait3A_257 = tpu.memref_squeeze %dma_wait3A_256 : memref<1x128xi32, #tpu.memory_space<vmem>> -> memref<128xi32, #tpu.memory_space<vmem>>
    %dma_wait3A_258 = arith.constant 0 : i32
    %dma_wait3A_259 = arith.constant 0 : i32
    %dma_wait3A_260 = tpu.memref_slice %arg4[%dma_wait3A_258, %dma_wait3A_259] : memref<10000x128xi16, #tpu.memory_space<hbm>> -> memref<10000x128xi16, #tpu.memory_space<hbm>>
    %dma_wait3A_261 = tpu.memref_slice %arg11[%dma_wait3A_250] : memref<8x!tpu.dma_semaphore, #tpu.memory_space<semaphore_mem>> -> memref<1x!tpu.dma_semaphore, #tpu.memory_space<semaphore_mem>>
    %dma_wait3A_262 = tpu.memref_squeeze %dma_wait3A_261 : memref<1x!tpu.dma_semaphore, #tpu.memory_space<semaphore_mem>> -> memref<!tpu.dma_semaphore, #tpu.memory_space<semaphore_mem>>
    tpu.wait_indirect_dma semaphore(%dma_wait3A_262 : memref<!tpu.dma_semaphore, #tpu.memory_space<semaphore_mem>>) src(%dma_wait3A_260 : memref<10000x128xi16, #tpu.memory_space<hbm>>) dst(%dma_wait3A_254 : memref<128x128xi16, #tpu.memory_space<vmem>>)
    %dma_wait3A_263 = arith.constant 6 : i32
    %dma_wait3A_264 = arith.constant 6 : i32
    %dma_wait3A_265 = arith.constant 6 : i32
    %dma_wait3A_266 = arith.constant 0 : i32
    %dma_wait3A_267 = arith.constant 0 : i32
    %dma_wait3A_268 = tpu.memref_slice %arg9[%dma_wait3A_264, %dma_wait3A_266, %dma_wait3A_267] : memref<8x128x128xi16, #tpu.memory_space<vmem>> -> memref<1x128x128xi16, #tpu.memory_space<vmem>>
    %dma_wait3A_269 = tpu.memref_squeeze %dma_wait3A_268 : memref<1x128x128xi16, #tpu.memory_space<vmem>> -> memref<128x128xi16, #tpu.memory_space<vmem>>
    %dma_wait3A_270 = arith.constant 0 : i32
    %dma_wait3A_271 = tpu.memref_slice %arg7[%dma_wait3A_263, %dma_wait3A_270] : memref<8x128xi32, #tpu.memory_space<vmem>> -> memref<1x128xi32, #tpu.memory_space<vmem>>
    %dma_wait3A_272 = tpu.memref_squeeze %dma_wait3A_271 : memref<1x128xi32, #tpu.memory_space<vmem>> -> memref<128xi32, #tpu.memory_space<vmem>>
    %dma_wait3A_273 = arith.constant 0 : i32
    %dma_wait3A_274 = arith.constant 0 : i32
    %dma_wait3A_275 = tpu.memref_slice %arg4[%dma_wait3A_273, %dma_wait3A_274] : memref<10000x128xi16, #tpu.memory_space<hbm>> -> memref<10000x128xi16, #tpu.memory_space<hbm>>
    %dma_wait3A_276 = tpu.memref_slice %arg11[%dma_wait3A_265] : memref<8x!tpu.dma_semaphore, #tpu.memory_space<semaphore_mem>> -> memref<1x!tpu.dma_semaphore, #tpu.memory_space<semaphore_mem>>
    %dma_wait3A_277 = tpu.memref_squeeze %dma_wait3A_276 : memref<1x!tpu.dma_semaphore, #tpu.memory_space<semaphore_mem>> -> memref<!tpu.dma_semaphore, #tpu.memory_space<semaphore_mem>>
    tpu.wait_indirect_dma semaphore(%dma_wait3A_277 : memref<!tpu.dma_semaphore, #tpu.memory_space<semaphore_mem>>) src(%dma_wait3A_275 : memref<10000x128xi16, #tpu.memory_space<hbm>>) dst(%dma_wait3A_269 : memref<128x128xi16, #tpu.memory_space<vmem>>)
    %dma_wait3A_278 = arith.constant 7 : i32
    %dma_wait3A_279 = arith.constant 7 : i32
    %dma_wait3A_280 = arith.constant 7 : i32
    %dma_wait3A_281 = arith.constant 0 : i32
    %dma_wait3A_282 = arith.constant 0 : i32
    %dma_wait3A_283 = tpu.memref_slice %arg9[%dma_wait3A_279, %dma_wait3A_281, %dma_wait3A_282] : memref<8x128x128xi16, #tpu.memory_space<vmem>> -> memref<1x128x128xi16, #tpu.memory_space<vmem>>
    %dma_wait3A_284 = tpu.memref_squeeze %dma_wait3A_283 : memref<1x128x128xi16, #tpu.memory_space<vmem>> -> memref<128x128xi16, #tpu.memory_space<vmem>>
    %dma_wait3A_285 = arith.constant 0 : i32
    %dma_wait3A_286 = tpu.memref_slice %arg7[%dma_wait3A_278, %dma_wait3A_285] : memref<8x128xi32, #tpu.memory_space<vmem>> -> memref<1x128xi32, #tpu.memory_space<vmem>>
    %dma_wait3A_287 = tpu.memref_squeeze %dma_wait3A_286 : memref<1x128xi32, #tpu.memory_space<vmem>> -> memref<128xi32, #tpu.memory_space<vmem>>
    %dma_wait3A_288 = arith.constant 0 : i32
    %dma_wait3A_289 = arith.constant 0 : i32
    %dma_wait3A_290 = tpu.memref_slice %arg4[%dma_wait3A_288, %dma_wait3A_289] : memref<10000x128xi16, #tpu.memory_space<hbm>> -> memref<10000x128xi16, #tpu.memory_space<hbm>>
    %dma_wait3A_291 = tpu.memref_slice %arg11[%dma_wait3A_280] : memref<8x!tpu.dma_semaphore, #tpu.memory_space<semaphore_mem>> -> memref<1x!tpu.dma_semaphore, #tpu.memory_space<semaphore_mem>>
    %dma_wait3A_292 = tpu.memref_squeeze %dma_wait3A_291 : memref<1x!tpu.dma_semaphore, #tpu.memory_space<semaphore_mem>> -> memref<!tpu.dma_semaphore, #tpu.memory_space<semaphore_mem>>
    tpu.wait_indirect_dma semaphore(%dma_wait3A_292 : memref<!tpu.dma_semaphore, #tpu.memory_space<semaphore_mem>>) src(%dma_wait3A_290 : memref<10000x128xi16, #tpu.memory_space<hbm>>) dst(%dma_wait3A_284 : memref<128x128xi16, #tpu.memory_space<vmem>>)
    %barrier3A_293 = arith.constant 0 : index
    tpu.barrier barrier_id(%barrier3A_293)
    %mul3A_294 = arith.constant 640 : i32
    %mul3A_295 = arith.muli %arg1, %mul3A_294 : i32
    %mul3A_296 = arith.constant 640 : i32
    %mul3A_297 = arith.muli %arg1, %mul3A_296 : i32
    "tpu.region"() ({
      %run_scoped3A_298 = tpu.sem_alloc : memref<!tpu.dma_semaphore, #tpu.memory_space<semaphore_mem>>
      %dma_start3A_299 = arith.constant 0 : i32
      %dma_start3A_300 = tpu.memref_slice %arg6[%arg0, %mul3A_297, %dma_start3A_299] : memref<2x10240x128xi16, #tpu.memory_space<hbm>> -> memref<1x640x128xi16, #tpu.memory_space<hbm>>
      %dma_start3A_301 = tpu.memref_squeeze %dma_start3A_300 : memref<1x640x128xi16, #tpu.memory_space<hbm>> -> memref<640x128xi16, #tpu.memory_space<hbm>>
      %dma_start3A_302 = arith.constant 0 : i32
      %dma_start3A_303 = tpu.memref_slice %arg10[%mul3A_295, %dma_start3A_302] : memref<10240x128xi16, #tpu.memory_space<vmem_shared>> -> memref<640x128xi16, #tpu.memory_space<vmem_shared>>
      tpu.enqueue_dma source(%dma_start3A_303 : memref<640x128xi16, #tpu.memory_space<vmem_shared>>) target(%dma_start3A_301 : memref<640x128xi16, #tpu.memory_space<hbm>>) target_semaphore(%run_scoped3A_298 : memref<!tpu.dma_semaphore, #tpu.memory_space<semaphore_mem>>)
      %dma_wait3A_304 = arith.constant 0 : i32
      %dma_wait3A_305 = tpu.memref_slice %arg6[%arg0, %mul3A_297, %dma_wait3A_304] : memref<2x10240x128xi16, #tpu.memory_space<hbm>> -> memref<1x640x128xi16, #tpu.memory_space<hbm>>
      %dma_wait3A_306 = tpu.memref_squeeze %dma_wait3A_305 : memref<1x640x128xi16, #tpu.memory_space<hbm>> -> memref<640x128xi16, #tpu.memory_space<hbm>>
      %dma_wait3A_307 = arith.constant 0 : i32
      %dma_wait3A_308 = tpu.memref_slice %arg10[%mul3A_295, %dma_wait3A_307] : memref<10240x128xi16, #tpu.memory_space<vmem_shared>> -> memref<640x128xi16, #tpu.memory_space<vmem_shared>>
      tpu.wait_dma2 semaphore(%run_scoped3A_298 : memref<!tpu.dma_semaphore, #tpu.memory_space<semaphore_mem>>) src(%dma_wait3A_308 : memref<640x128xi16, #tpu.memory_space<vmem_shared>>) dst(%dma_wait3A_306 : memref<640x128xi16, #tpu.memory_space<hbm>>)
      tpu.yield
    }) : () -> ()
    return
  }
}

module attributes {stable_mosaic.version = 14 : i64} {
  func.func @_mm_body(%arg0: i32, %arg1: memref<2000x128xf32, #tpu.memory_space<vmem>>, %arg2: memref<128x128xf32, #tpu.memory_space<vmem>>, %arg3: memref<2000x32xf32, #tpu.memory_space<vmem>>, %arg4: memref<2000x128xi16, #tpu.memory_space<vmem>>) attributes {dimension_semantics = [#tpu.dimension_semantics<arbitrary>], iteration_bounds = array<i64: 5>, scalar_prefetch = 0 : i64, scratch_operands = 0 : i64, tpu.core_type = #tpu.core_type<tc>, window_params = [{transform_indices = @transform_0, window_bounds = array<i64: 2000, 128>}, {pipeline_mode = #tpu.pipeline_mode<synchronous>, transform_indices = @transform_1, window_bounds = array<i64: 128, 128>}, {transform_indices = @transform_2, window_bounds = array<i64: 2000, 32>}, {transform_indices = @transform_3, window_bounds = array<i64: 2000, 128>}]} {
    %get3A = arith.constant 0 : index
    %get3A_0 = arith.constant 0 : index
    %get3A_1 = vector.load %arg3[%get3A, %get3A_0] : memref<2000x32xf32, #tpu.memory_space<vmem>>, vector<2000x32xf32>
    %reduce_sum3A = arith.constant dense<0.000000e+00> : vector<2000xf32>
    %reduce_sum3A_2 = vector.multi_reduction <add>, %get3A_1, %reduce_sum3A [1] : vector<2000x32xf32> to vector<2000xf32>
    %add3A = arith.constant 1.000000e+00 : f32
    %add3A_3 = vector.broadcast %add3A : f32 to vector<2000xf32>
    %add3A_4 = arith.addf %reduce_sum3A_2, %add3A_3 : vector<2000xf32>
    %rsqrt3A = math.rsqrt %add3A_4 : vector<2000xf32>
    %get3A_5 = arith.constant 0 : index
    %get3A_6 = arith.constant 0 : index
    %get3A_7 = vector.load %arg1[%get3A_5, %get3A_6] : memref<2000x128xf32, #tpu.memory_space<vmem>>, vector<2000x128xf32>
    %get3A_8 = arith.constant 0 : index
    %get3A_9 = arith.constant 0 : index
    %get3A_10 = vector.load %arg2[%get3A_8, %get3A_9] : memref<128x128xf32, #tpu.memory_space<vmem>>, vector<128x128xf32>
    %dot_general3A = arith.constant dense<0.000000e+00> : vector<2000x128xf32>
    %dot_general3A_11 = tpu.matmul %get3A_7, %get3A_10, %dot_general3A {dimension_numbers = #tpu.dot_dimension_numbers<[1], [0], [0], [1], [0, 0, 1, 1], [], []>, transpose_lhs_hint = false} : vector<2000x128xf32>, vector<128x128xf32>, vector<2000x128xf32> -> vector<2000x128xf32>
    %broadcast_in_dim3A = vector.shape_cast %rsqrt3A : vector<2000xf32> to vector<2000x1xf32>
    %mul3A = vector.broadcast %broadcast_in_dim3A : vector<2000x1xf32> to vector<2000x128xf32>
    %mul3A_12 = arith.mulf %dot_general3A_11, %mul3A : vector<2000x128xf32>
    %mul3A_13 = arith.constant 2.048000e+03 : f32
    %mul3A_14 = vector.broadcast %mul3A_13 : f32 to vector<2000x128xf32>
    %mul3A_15 = arith.mulf %mul3A_12, %mul3A_14 : vector<2000x128xf32>
    %round3A = math.roundeven %mul3A_15 : vector<2000x128xf32>
    %convert_element_type3A = arith.fptosi %round3A : vector<2000x128xf32> to vector<2000x128xi16>
    %swap3A = arith.constant 0 : index
    %swap3A_16 = arith.constant 0 : index
    %swap3A_17 = vector.load %arg4[%swap3A, %swap3A_16] : memref<2000x128xi16, #tpu.memory_space<vmem>>, vector<2000x128xi16>
    tpu.vector_store %arg4[%swap3A, %swap3A_16], %convert_element_type3A {strides = array<i32>} : memref<2000x128xi16, #tpu.memory_space<vmem>>, vector<2000x128xi16>,
    return
  }
  func.func @transform_0(%arg0: i32) -> (i32, i32) {
    %c0_i32 = arith.constant 0 : i32
    %c0_i32_0 = arith.constant 0 : i32
    return %arg0, %c0_i32 : i32, i32
  }
  func.func @transform_1(%arg0: i32) -> (i32, i32) {
    %c0_i32 = arith.constant 0 : i32
    %c0_i32_0 = arith.constant 0 : i32
    %c0_i32_1 = arith.constant 0 : i32
    return %c0_i32, %c0_i32_0 : i32, i32
  }
  func.func @transform_2(%arg0: i32) -> (i32, i32) {
    %c0_i32 = arith.constant 0 : i32
    %c0_i32_0 = arith.constant 0 : i32
    return %arg0, %c0_i32 : i32, i32
  }
  func.func @transform_3(%arg0: i32) -> (i32, i32) {
    %c0_i32 = arith.constant 0 : i32
    %c0_i32_0 = arith.constant 0 : i32
    return %arg0, %c0_i32 : i32, i32
  }
}

module attributes {stable_mosaic.version = 14 : i64} {
  func.func @_fin_body(%arg0: i32, %arg1: memref<2000x128xi16, #tpu.memory_space<vmem>>, %arg2: memref<2000x128xi16, #tpu.memory_space<vmem>>, %arg3: memref<2000x128xi16, #tpu.memory_space<vmem>>, %arg4: memref<2000x32xf32, #tpu.memory_space<vmem>>, %arg5: memref<1x128xf32, #tpu.memory_space<vmem>>, %arg6: memref<2x128xf32, #tpu.memory_space<vmem>>, %arg7: memref<1x2xf32, #tpu.memory_space<vmem>>, %arg8: memref<2000x2xf32, #tpu.memory_space<vmem>>) attributes {dimension_semantics = [#tpu.dimension_semantics<arbitrary>], iteration_bounds = array<i64: 5>, scalar_prefetch = 0 : i64, scratch_operands = 0 : i64, tpu.core_type = #tpu.core_type<tc>, window_params = [{transform_indices = @transform_0, window_bounds = array<i64: 2000, 128>}, {transform_indices = @transform_1, window_bounds = array<i64: 2000, 128>}, {transform_indices = @transform_2, window_bounds = array<i64: 2000, 128>}, {transform_indices = @transform_3, window_bounds = array<i64: 2000, 32>}, {pipeline_mode = #tpu.pipeline_mode<synchronous>, transform_indices = @transform_4, window_bounds = array<i64: 1, 128>}, {pipeline_mode = #tpu.pipeline_mode<synchronous>, transform_indices = @transform_5, window_bounds = array<i64: 2, 128>}, {pipeline_mode = #tpu.pipeline_mode<synchronous>, transform_indices = @transform_6, window_bounds = array<i64: 1, 2>}, {transform_indices = @transform_7, window_bounds = array<i64: 2000, 2>}]} {
    %get3A = arith.constant 0 : index
    %get3A_0 = arith.constant 0 : index
    %get3A_1 = vector.load %arg4[%get3A, %get3A_0] : memref<2000x32xf32, #tpu.memory_space<vmem>>, vector<2000x32xf32>
    %reduce_sum3A = arith.constant dense<0.000000e+00> : vector<2000xf32>
    %reduce_sum3A_2 = vector.multi_reduction <add>, %get3A_1, %reduce_sum3A [1] : vector<2000x32xf32> to vector<2000xf32>
    %add3A = arith.constant 1.000000e+00 : f32
    %add3A_3 = vector.broadcast %add3A : f32 to vector<2000xf32>
    %add3A_4 = arith.addf %reduce_sum3A_2, %add3A_3 : vector<2000xf32>
    %rsqrt3A = math.rsqrt %add3A_4 : vector<2000xf32>
    %get3A_5 = arith.constant 0 : index
    %get3A_6 = arith.constant 0 : index
    %get3A_7 = vector.load %arg1[%get3A_5, %get3A_6] : memref<2000x128xi16, #tpu.memory_space<vmem>>, vector<2000x128xi16>
    %convert_element_type3A = arith.extsi %get3A_7 : vector<2000x128xi16> to vector<2000x128xi32>
    %get3A_8 = arith.constant 0 : index
    %get3A_9 = arith.constant 0 : index
    %get3A_10 = vector.load %arg2[%get3A_8, %get3A_9] : memref<2000x128xi16, #tpu.memory_space<vmem>>, vector<2000x128xi16>
    %convert_element_type3A_11 = arith.extsi %get3A_10 : vector<2000x128xi16> to vector<2000x128xi32>
    %add3A_12 = arith.addi %convert_element_type3A, %convert_element_type3A_11 : vector<2000x128xi32>
    %get3A_13 = arith.constant 0 : index
    %get3A_14 = arith.constant 0 : index
    %get3A_15 = vector.load %arg3[%get3A_13, %get3A_14] : memref<2000x128xi16, #tpu.memory_space<vmem>>, vector<2000x128xi16>
    %convert_element_type3A_16 = arith.extsi %get3A_15 : vector<2000x128xi16> to vector<2000x128xi32>
    %add3A_17 = arith.addi %add3A_12, %convert_element_type3A_16 : vector<2000x128xi32>
    %convert_element_type3A_18 = arith.sitofp %add3A_17 : vector<2000x128xi32> to vector<2000x128xf32>
    %mul3A = arith.constant 4.8828125E-4 : f32
    %mul3A_19 = vector.broadcast %mul3A : f32 to vector<2000xf32>
    %mul3A_20 = arith.mulf %rsqrt3A, %mul3A_19 : vector<2000xf32>
    %broadcast_in_dim3A = vector.shape_cast %mul3A_20 : vector<2000xf32> to vector<2000x1xf32>
    %mul3A_21 = vector.broadcast %broadcast_in_dim3A : vector<2000x1xf32> to vector<2000x128xf32>
    %mul3A_22 = arith.mulf %convert_element_type3A_18, %mul3A_21 : vector<2000x128xf32>
    %get3A_23 = arith.constant 0 : index
    %get3A_24 = arith.constant 0 : index
    %get3A_25 = vector.load %arg5[%get3A_23, %get3A_24] : memref<1x128xf32, #tpu.memory_space<vmem>>, vector<1x128xf32>
    %add3A_26 = vector.broadcast %get3A_25 : vector<1x128xf32> to vector<2000x128xf32>
    %add3A_27 = arith.addf %mul3A_22, %add3A_26 : vector<2000x128xf32>
    %max3A = arith.constant 0.000000e+00 : f32
    %max3A_28 = vector.broadcast %max3A : f32 to vector<2000x128xf32>
    %max3A_29 = arith.maximumf %add3A_27, %max3A_28 : vector<2000x128xf32>
    %get3A_30 = arith.constant 0 : index
    %get3A_31 = arith.constant 0 : index
    %get3A_32 = vector.load %arg6[%get3A_30, %get3A_31] : memref<2x128xf32, #tpu.memory_space<vmem>>, vector<2x128xf32>
    %dot_general3A = arith.constant dense<0.000000e+00> : vector<2000x2xf32>
    %dot_general3A_33 = tpu.matmul %max3A_29, %get3A_32, %dot_general3A {dimension_numbers = #tpu.dot_dimension_numbers<[1], [1], [0], [0], [0, 0, 1, 0], [], []>, transpose_lhs_hint = false} : vector<2000x128xf32>, vector<2x128xf32>, vector<2000x2xf32> -> vector<2000x2xf32>
    %get3A_34 = arith.constant 0 : index
    %get3A_35 = arith.constant 0 : index
    %get3A_36 = vector.load %arg7[%get3A_34, %get3A_35] : memref<1x2xf32, #tpu.memory_space<vmem>>, vector<1x2xf32>
    %add3A_37 = vector.broadcast %get3A_36 : vector<1x2xf32> to vector<2000x2xf32>
    %add3A_38 = arith.addf %dot_general3A_33, %add3A_37 : vector<2000x2xf32>
    %reduce_max3A = arith.constant dense<0xFF800000> : vector<2000xf32>
    %reduce_max3A_39 = vector.multi_reduction <maximumf>, %add3A_38, %reduce_max3A [1] : vector<2000x2xf32> to vector<2000xf32>
    %broadcast_in_dim3A_40 = vector.shape_cast %reduce_max3A_39 : vector<2000xf32> to vector<2000x1xf32>
    %sub3A = vector.broadcast %broadcast_in_dim3A_40 : vector<2000x1xf32> to vector<2000x2xf32>
    %sub3A_41 = arith.subf %add3A_38, %sub3A : vector<2000x2xf32>
    %exp3A = math.exp %sub3A_41 : vector<2000x2xf32>
    %reduce_sum3A_42 = arith.constant dense<0.000000e+00> : vector<2000xf32>
    %reduce_sum3A_43 = vector.multi_reduction <add>, %exp3A, %reduce_sum3A_42 [1] : vector<2000x2xf32> to vector<2000xf32>
    %broadcast_in_dim3A_44 = vector.shape_cast %reduce_sum3A_43 : vector<2000xf32> to vector<2000x1xf32>
    %log3A = math.log %broadcast_in_dim3A_44 : vector<2000x1xf32>
    %add3A_45 = arith.addf %broadcast_in_dim3A_40, %log3A : vector<2000x1xf32>
    %sub3A_46 = vector.broadcast %add3A_45 : vector<2000x1xf32> to vector<2000x2xf32>
    %sub3A_47 = arith.subf %add3A_38, %sub3A_46 : vector<2000x2xf32>
    %swap3A = arith.constant 0 : index
    %swap3A_48 = arith.constant 0 : index
    %swap3A_49 = vector.load %arg8[%swap3A, %swap3A_48] : memref<2000x2xf32, #tpu.memory_space<vmem>>, vector<2000x2xf32>
    tpu.vector_store %arg8[%swap3A, %swap3A_48], %sub3A_47 {strides = array<i32>} : memref<2000x2xf32, #tpu.memory_space<vmem>>, vector<2000x2xf32>,
    return
  }
  func.func @transform_0(%arg0: i32) -> (i32, i32) {
    %c0_i32 = arith.constant 0 : i32
    %c0_i32_0 = arith.constant 0 : i32
    return %arg0, %c0_i32 : i32, i32
  }
  func.func @transform_1(%arg0: i32) -> (i32, i32) {
    %c0_i32 = arith.constant 0 : i32
    %c0_i32_0 = arith.constant 0 : i32
    return %arg0, %c0_i32 : i32, i32
  }
  func.func @transform_2(%arg0: i32) -> (i32, i32) {
    %c0_i32 = arith.constant 0 : i32
    %c0_i32_0 = arith.constant 0 : i32
    return %arg0, %c0_i32 : i32, i32
  }
  func.func @transform_3(%arg0: i32) -> (i32, i32) {
    %c0_i32 = arith.constant 0 : i32
    %c0_i32_0 = arith.constant 0 : i32
    return %arg0, %c0_i32 : i32, i32
  }
  func.func @transform_4(%arg0: i32) -> (i32, i32) {
    %c0_i32 = arith.constant 0 : i32
    %c0_i32_0 = arith.constant 0 : i32
    %c0_i32_1 = arith.constant 0 : i32
    return %c0_i32, %c0_i32_0 : i32, i32
  }
  func.func @transform_5(%arg0: i32) -> (i32, i32) {
    %c0_i32 = arith.constant 0 : i32
    %c0_i32_0 = arith.constant 0 : i32
    %c0_i32_1 = arith.constant 0 : i32
    return %c0_i32, %c0_i32_0 : i32, i32
  }
  func.func @transform_6(%arg0: i32) -> (i32, i32) {
    %c0_i32 = arith.constant 0 : i32
    %c0_i32_0 = arith.constant 0 : i32
    %c0_i32_1 = arith.constant 0 : i32
    return %c0_i32, %c0_i32_0 : i32, i32
  }
  func.func @transform_7(%arg0: i32) -> (i32, i32) {
    %c0_i32 = arith.constant 0 : i32
    %c0_i32_0 = arith.constant 0 : i32
    return %arg0, %c0_i32 : i32, i32
  }
}

</mosaic_0001>

<sc_bundles>
// kernel: kernel.6.cloned.1.call-start
scs
__scs_entry_jumppad:
0x0: {  	(pc) =	sbr.rel $0x88, $3  }
0x1: {  	(tag) =	ssettag $0x0;
	lr =	simm.s32 $0x1  }
0x2: {  	[smem:$0x3F9B] =	sst lr;
	_ =	strace $0xD0000000  }
0x3: {  	_ = 	snop  }
0x4: {  	_ = 	snop  }
0x5: {  	_ = 	snop  }
0x6: {  	_ = 	snop  }
0x7: {  	_ = 	snop  }
__scs_overlays_trampoline_lowered:
0x8: {  	[smem:$0x3FAA] =	sst s0  }
0x9: {  	[smem:$0x3FAB] =	sst s1  }
0xa: {  	[smem:$0x3FAC] =	sst s2  }
0xb: {  	[smem:$0x3FAD] =	sst s3  }
0xc: {  	[smem:$0x3FAE] =	sst s4  }
0xd: {  	[smem:$0x3FAF] =	sst s5  }
0xe: {  	[smem:$0x3FB0] =	sst s6  }
0xf: {  	[smem:$0x3FB1] =	sst s7  }
0x10: {  	[smem:$0x3FB2] =	sst s8  }
0x11: {  	[smem:$0x3FB3] =	sst s9;
	s0 =	simm.s32 @!p0 $0x0  }
0x12: {  	s1 =	sld [smem:$0x3F99];
	s0 =	simm.s32 @p0 $0x1  }
0x13: {  	[smem:$0x3FB4] =	sst s0;
	s0 =	simm.s32 @!p1 $0x0  }
0x14: {  	s2 =	sld [smem:$0x3F98];
	s0 =	simm.s32 @p1 $0x1  }
0x15: {  	[smem:$0x3FB5] =	sst s0;
	s0 =	simm.s32 @!p2 $0x0  }
0x16: {  	s3 =	sld [smem:$0x3FDB];
	s0 =	simm.s32 @p2 $0x1  }
0x17: {  	s4 =	simm.s32 $0x1BF5;
	[smem:$0x3FB7] =	sst s0  }
0x18: {  	s0 =	sld [smem:$0x3F9A];
	_ =	swait.ge [sflag:s4], $0x0  }
0x19: {  	s7 =	sld [smem:$0x3F9B]  }
0x1a: {  	s8 =	sadd.s32 $0xFFFFE003, lr  }
0x1b: {  	s9 =	sadd.s32 $0xFFFFFEF7, lr;
	s5 =	simm.s32 $0xFFFFFFFF;
	p2 =	slt.u32 s8, $0xFFFFF086  }
0x1c: {  	p1 =	slt.u32 s9, $0xF7A;
	s5 =	simm.s32 @!p2 $0x0  }
0x1d: {  	s5 =	simm.s32 @p1 $0x1;
	p0 =	seq.s32 s7, s2  }
0x1e: {  	s7 =	smul.u32 @!p0 $0xF7A, s2;
	p2 =	seq.s32 @!p0 s5, $0x0  }
0x1f: {  	s9 =	smul.u32 $0xF7A, s1;
	s8 =	simm.s32 @!p0 $0x1BF5;
	p2 =	por !p2, p0  }
0x20: {  	[sflag:s8] =	ssyncset.s32 @!p0 $0xFFFFF086;
	s6 =	sadd.s32 @!p0 s3, s7;
	s7 =	simm.s32 @!p0 $0x108  }
0x21: {  	s3 =	sadd.s32 s3, s9;
	s6 =	sadd.s32 @!p0 $0x88, s6;
	s7 =	simm.s32 @p2 $0x1082  }
0x22: {  	[simem:s7], [sflag:s8] =	dma.local @!p0 [hbm:s6], $0xF7A  }
0x23: {  	s9 =	sor.u32 $0xD0000000, s2;
	s6 =	simm.s32 $0x108;
	_ =	swait.ge @!p0 [sflag:s8], $0x0  }
0x24: {  	s3 =	sadd.s32 $0x88, s3;
	s6 =	simm.s32 @!p1 $0x1082;
	[sflag:s4] =	ssyncset.s32 $0xFFFFF086  }
0x25: {  	[simem:s6], [sflag:s4] =	dma.local [hbm:s3], $0xF7A  }
0x26: {  	[smem:$0x3F9B] =	sst s1;
	(tag) =	ssettag s2;
	_ =	strace s9  }
0x27: {  	s1 =	sld [smem:$0x3FAB]  }
0x28: {  	s2 =	sld [smem:$0x3FAC]  }
0x29: {  	s4 =	sld [smem:$0x3FAE]  }
0x2a: {  	p0 =	seq.s32 s5, $0x0;
	s5 =	sld [smem:$0x3FAF]  }
0x2b: {  	s6 =	sld [smem:$0x3FB0]  }
0x2c: {  	s7 =	sld [smem:$0x3FB1]  }
0x2d: {  	s3 =	simm.s32 $0x108;
	s8 =	sld [smem:$0x3FB2]  }
0x2e: {  	s3 =	simm.s32 @!p0 $0x1082;
	s9 =	sld [smem:$0x3FB3]  }
0x2f: {  	lr =	sadd.s32 s0, s3;
	s0 =	sld [smem:$0x3FAA]  }
0x30: {  	s3 =	sld [smem:$0x3FAD]  }
0x31: {  	[smem:$0x3FB6] =	sst s10  }
0x32: {  	s10 =	sld [smem:$0x3FB4];
	_ =	sdelay $0x3  }
0x33: {  	p0 =	seq.s32 s10, $0x1;
	s10 =	sld [smem:$0x3FB6];
	_ =	sdelay $0x3  }
0x34: {  	[smem:$0x3FB6] =	sst s10  }
0x35: {  	s10 =	sld [smem:$0x3FB5];
	_ =	sdelay $0x3  }
0x36: {  	p1 =	seq.s32 s10, $0x1;
	s10 =	sld [smem:$0x3FB6];
	_ =	sdelay $0x3  }
0x37: {  	[smem:$0x3FB6] =	sst s10  }
0x38: {  	s10 =	sld [smem:$0x3FB7]  }
0x39: {  	_ = 	snop;
	(pc) =	sbr.ind lr, $3  }
0x3a: {  	_ = 	snop  }
0x3b: {  	_ = 	snop  }
0x3c: {  	p2 =	seq.s32 s10, $0x1;
	s10 =	sld [smem:$0x3FB6]  }
0x3d: {  	_ =	shalt  }
0x3e: {  	_ =	shalt  }
0x3f: {  	_ =	shalt  }
0x40: {  	_ =	shalt  }
0x41: {  	_ =	shalt  }
0x42: {  	_ =	shalt  }
0x43: {  	_ =	shalt  }
0x44: {  	_ =	shalt  }
0x45: {  	_ =	shalt  }
0x46: {  	_ =	shalt  }
0x47: {  	_ =	shalt  }
0x48: {  	_ =	shalt  }
0x49: {  	_ =	shalt  }
0x4a: {  	_ =	shalt  }
0x4b: {  	_ =	shalt  }
0x4c: {  	_ =	shalt  }
0x4d: {  	_ =	shalt  }
0x4e: {  	_ =	shalt  }
0x4f: {  	_ =	shalt  }
0x50: {  	_ =	shalt  }
0x51: {  	_ =	shalt  }
0x52: {  	_ =	shalt  }
0x53: {  	_ =	shalt  }
0x54: {  	_ =	shalt  }
0x55: {  	_ =	shalt  }
0x56: {  	_ =	shalt  }
0x57: {  	_ =	shalt  }
0x58: {  	_ =	shalt  }
0x59: {  	_ =	shalt  }
0x5a: {  	_ =	shalt  }
0x5b: {  	_ =	shalt  }
0x5c: {  	_ =	shalt  }
0x5d: {  	_ =	shalt  }
0x5e: {  	_ =	shalt  }
0x5f: {  	_ =	shalt  }
0x60: {  	_ =	shalt  }
0x61: {  	_ =	shalt  }
0x62: {  	_ =	shalt  }
0x63: {  	_ =	shalt  }
0x64: {  	_ =	shalt  }
0x65: {  	_ =	shalt  }
0x66: {  	_ =	shalt  }
0x67: {  	_ =	shalt  }
0x68: {  	_ =	shalt  }
0x69: {  	_ =	shalt  }
0x6a: {  	_ =	shalt  }
0x6b: {  	_ =	shalt  }
0x6c: {  	_ =	shalt  }
0x6d: {  	_ =	shalt  }
0x6e: {  	_ =	shalt  }
0x6f: {  	_ =	shalt  }
0x70: {  	_ =	shalt  }
0x71: {  	_ =	shalt  }
0x72: {  	_ =	shalt  }
0x73: {  	_ =	shalt  }
0x74: {  	_ =	shalt  }
0x75: {  	_ =	shalt  }
0x76: {  	_ =	shalt  }
0x77: {  	_ =	shalt  }
0x78: {  	_ =	shalt  }
0x79: {  	_ =	shalt  }
0x7a: {  	_ =	shalt  }
0x7b: {  	_ =	shalt  }
0x7c: {  	_ =	shalt  }
0x7d: {  	_ =	shalt  }
0x7e: {  	_ =	shalt  }
0x7f: {  	_ =	shalt  }
0x80: {  	_ =	shalt  }
0x81: {  	_ =	shalt  }
0x82: {  	_ =	shalt  }
0x83: {  	_ =	shalt  }
0x84: {  	_ =	shalt  }
0x85: {  	_ =	shalt  }
0x86: {  	_ =	shalt  }
0x87: {  	_ =	shalt  }
.Lfunc_end0:
.L_simem_size_0:
called_computation_lowered:
.L_overlay_start_0:
0x88: {  	s2 =	sld [smem:$0x3FD9]  }
0x89: {  	s3 =	sld [smem:$0x3FFE];
	_ =	sdelay $0x1  }
0x8a: {  	s1 =	srdreg.scid  }
0x8b: {  	s0 =	sand.u32 $0x1, s1  }
0x8c: {  	s16 =	sshll.u32 s0, $0xA;
	s2 =	sadd.s32 s3, s2  }
0x8d: {  	s2 =	sadd.s32 s2, s16  }
0x8e: {  	[smem:$0x3FC2] =	sst s2  }
0x8f: {  	_ = 	snop  }
0x90: {  	(tm) =	ssettm $0x1  }
0x91: {  	s17 =	sld [smem:$0x3FFB];
	_ =	sdelay $0x3  }
0x92: {  	_ =	strace s17  }
0x93: {  	s2 =	sld [smem:$0x3FFC];
	_ =	sdelay $0x3  }
0x94: {  	_ =	strace s2  }
0x95: {  	s2 =	sld [smem:$0x3FFD];
	_ =	sdelay $0x3  }
0x96: {  	_ =	strace s2  }
0x97: {  	_ =	strace $0x8FFFFFFF  }
0x98: {  	s18 =	sld [smem:$0x3FDB];
	_ =	sdelay $0x1  }
0x99: {  	s19 =	simm.s32 $_scs_section_size  }
0x9a: {  	s4 =	simm.s32 $_size__tile_overlayer_lowered;
	s5 =	simm.s32 $_tile_overlayer_lowered  }
0x9b: {  	s22 =	simm.s32 $0x1BFF;
	s21 =	sshll.u32 s5, $0x1;
	s2 =	sadd.s32 s19, s18  }
0x9c: {  	s6 =	simm.s32 $0x0;
	s20 =	sshll.u32 s4, $0x1;
	s4 =	sadd.s32 s21, s2  }
0x9d: {  	[timem:s6], [sflag:s22] =	dma.local [hbm:s4], s20  }
0x9e: {  	_ =	swait.ge [sflag:s22], s20  }
0x9f: {  	s3 =	ssub.s32 $0x0, s20;
	[sflag:s22] =	ssyncset.done $0x0  }
0xa0: {  	[sflag:s22] =	ssyncadd.s32 s3;
	_ =	sdelay $0x1  }
0xa1: {  	s23 =	simm.s32 $0x1B8B  }
0xa2: {  	_ =	swait.ge [sflag:s23], $0x1  }
0xa3: {  	[sflag:s23] =	ssyncset.done $0x0  }
0xa4: {  	s25 =	simm.s32 $0x1B8E;
	s24 =	sld [smem:$0x3FFE];
	[sflag:s23] =	ssyncadd.s32 $0xFFFFFFFF  }
0xa5: {  	s26 =	simm.s32 $execute0_lowered;
	[smem:$0x3FD2] =	sst s25  }
0xa6: {  	s4 =	sshll.u32 s26, $0x1;
	_ =	strace $0x80000046;
	[dreg:$0x1] =	wrdreg $0xFFFFFFFF  }
0xa7: {  	s28 =	simm.s32 $_size_execute0_lowered;
	s2 =	sadd.s32 s2, s4;
	[dreg:$0x0] =	wrdreg $0x0  }
0xa8: {  	s4 =	sshll.u32 s28, $0x1;
	[dreg:$0x2] =	wrdreg s2  }
0xa9: {  	[dreg:$0x3] =	wrdreg s4  }
0xaa: {  	[dreg:$0x4] =	wrdreg $0xC0  }
0xab: {  	_ =	task [dreg:s6], $0x5FFFF  }
0xac: {  	[dreg:$0x1] =	wrdreg $0xFFFFFFFF  }
0xad: {  	[dreg:$0x0] =	wrdreg $0x60  }
0xae: {  	[dreg:$0x2] =	wrdreg s24  }
0xaf: {  	[dreg:$0x3] =	wrdreg $0x9  }
0xb0: {  	_ =	task.clear_ibuf [dreg:s6], $0x4FFFF;
	_ =	strace $0x90000046  }
0xb1: {  	s29 =	simm.s32 $0x9;
	_ =	strace $0x80000048  }
0xb2: {  	_ =	swait.ge [sflag:s29], $0x1  }
0xb3: {  	[sflag:s29] =	ssyncadd.s32 $0xFFFFFFFF  }
0xb4: {  	_ =	strace $0x90000048  }
0xb5: {  	_ =	sfence  }
0xb6: {  	s30 =	sld [smem:$0x0];
	_ =	sdelay $0x2  }
0xb7: {  	s31 =	sshll.u32 s1, $0xD;
	s1 =	sshrl.u32 s1, $0x2  }
0xb8: {  	s3 =	sand.u32 $0x4000, s31;
	s1 =	sadd.s32 s1, s30  }
0xb9: {  	s0 =	sor.u32 s3, s0;
	s1 =	sshll.u32 s1, $0x11  }
0xba: {  	s0 =	sor.u32 s1, s0  }
0xbb: {  	s0 =	sadd.s32 $0x8F2B, s0  }
0xbc: {  	[sflag:s0] =	ssyncadd.remote.s32 $0x1  }
0xbd: {  	_ =	sfence.sel $0xFFFF  }
0xbe: {  	[dreg:$0x0] =	wrdreg $0xFFFFFFFF;
	(pc) =	sbr.abs _section_cstart, $3  }
0xbf: {  	[dreg:$0x1] =	wrdreg $0xFFFFFFFF  }
0xc0: {  	_ =	task.clear_ibuf [dreg:s6], $0x2FFFF;
	_ =	strace $0x9FFFFFFF  }
0xc1: {  	(tm) =	ssettm $0x7FFFFFFF  }
tec
execute0_lowered:
.L_overlay_start_1:
0x0: {  	(tag) =	ssettag $0x1  }
0x1: {  	s3 =	rddreg [dreg:$0x0];
	s2 =	srdreg.scid  }
0x2: {  	s0 =	rddreg [dreg:$0x1];
	s1 =	stileid.u32  }
0x3: {  	s11 =	simm.s32 $0x100;
	s12 =	simm.s32 $0x2;
	s13 =	simm.s32 $0x3  }
0x4: {  	s14 =	simm.s32 $0x0;
	s4 =	sand.u32 $0x1, s2;
	s7 =	smul.u32 $0x2800, s1  }
0x5: {  	s2 =	simm.s32 $0x0;
	s6 =	sshll.u32 s1, $0x1;
	s29 =	smul.u32 $0x5000, s1  }
0x6: {  	s8 =	sadd.s32 $0x1200, s3;
	s5 =	smul.u32 $0x28000, s4;
	[smem:$0x7FF] =	sst s2  }
0x7: {  	s6 =	sor.u32 s4, s6;
	s9 =	ssub.s32 $0x2, s4;
	s4 =	smul.u32 $0x2800, s4  }
0x8: {  	_ =	strace $0x80000047;
	s6 =	smul.u32 $0x2800, s6;
	s30 =	sshrl.u32 s9, $0x1  }
0x9: {  	s5 =	sadd.s32 s7, s5;
	s9 =	ssub.s32 s9, s30;
	s31 =	sadd.s32 s4, s29  }
0xa: {  	s5 =	sshrl.u32 s5, $0x3;
	s6 =	sshrl.u32 s6, $0x3;
	s7 =	sor.u32 $0x180, s31  }
0xb: {  	s5 =	sadd.s32 s5, s3;
	s3 =	sadd.s32 s8, s6;
	s6 =	sor.u32 $0x100, s31  }
0xc: {  	s7 =	sshrl.u32 s7, $0x3;
	s4 =	sadd.s32 $0x10, s3;
	s5 =	sadd.s32 $0xB400, s5  }
0xd: {  	s10 =	sshrl.u32 s6, $0x3;
	s6 =	smax.u32 s9, $0x1;
	s7 =	sadd.s32 s7, s8  }
0xe: {  	v0 =	vimm.f32 $0.0e+00;
	v1 =	vimm.f32 $1.000000000e+00;
	s9 =	simm.s32 $0x80;
	s8 =	sadd.s32 s10, s8;
	s10 =	simm.s32 $0x1  }
.LBB2_1:
0xf: {  	s15 =	simm.s32 $0x40;
	s16 =	simm.s32 $0x0  }
.LBB2_2:
0x10: {  	p0 =	sne.s32 s15, $0x9FC0;
	[tilespmem:s16+$0x100] =	vst v0;
	s16 =	smov.u32 s15;
	s15 =	sadd.s32 $0x40, s15  }
.Ltmp0:
0x11: {  	(pc) =	sbr.rel @p0 .LBB2_2-.Ltmp0, $2  }
0x12: {  	_ =	sdelay $0x2  }
0x13: {  	s16 =	sshra.s32 s16, $0x2  }
0x14: {  	[tilespmem:s16+$0x100] =	vst v0;
	s15 =	simm.s32 $0x0  }
0x15: {  	[tilespmem:s15], [sflag:$0x1] =	stream.linear.gather [hbm4b:s3+s15], $0x80, $0x38;
	[tilespmem:$0x2900] =	vst v63  }
0x16: {  	_ = 	snop  }
0x17: {  	[tilespmem:s9], [sflag:$0x2] =	stream.linear.gather [hbm4b:s4+s15], $0x80, $0x38;
	[tilespmem:$0x2900] =	vst v63  }
.LBB2_4:
0x18: {  	_ =	swait.ge [sflag:s10], $0x80  }
0x19: {  	[sflag:s10] =	ssyncset.done $0x0  }
0x1a: {  	[sflag:s10] =	ssyncadd.s32 $0xFFFFFF80  }
0x1b: {  	v2 =	vld [tilespmem:$0x0];
	_ =	sdelay $0x7  }
0x1c: {  	[tilespmem:v2+s11+$0x0] =	vst.idx.add.f32.msk $0xffff, v1  }
0x1d: {  	v2 =	vld [tilespmem:$0x10];
	_ =	sdelay $0x7  }
0x1e: {  	[tilespmem:v2+s11+$0x0] =	vst.idx.add.f32.msk $0xffff, v1  }
0x1f: {  	v2 =	vld [tilespmem:$0x20];
	_ =	sdelay $0x7  }
0x20: {  	[tilespmem:v2+s11+$0x0] =	vst.idx.add.f32.msk $0xffff, v1  }
0x21: {  	v2 =	vld [tilespmem:$0x30];
	_ =	sdelay $0x7  }
0x22: {  	[tilespmem:v2+s11+$0x0] =	vst.idx.add.f32.msk $0xffff, v1  }
0x23: {  	v2 =	vld [tilespmem:$0x40];
	_ =	sdelay $0x7  }
0x24: {  	[tilespmem:v2+s11+$0x0] =	vst.idx.add.f32.msk $0xffff, v1  }
0x25: {  	v2 =	vld [tilespmem:$0x50];
	_ =	sdelay $0x7  }
0x26: {  	[tilespmem:v2+s11+$0x0] =	vst.idx.add.f32.msk $0xffff, v1  }
0x27: {  	v2 =	vld [tilespmem:$0x60];
	_ =	sdelay $0x7  }
0x28: {  	[tilespmem:v2+s11+$0x0] =	vst.idx.add.f32.msk $0xffff, v1  }
0x29: {  	v2 =	vld [tilespmem:$0x70];
	_ =	sdelay $0x7  }
0x2a: {  	s16 =	sadd.s32 s15, s8;
	[tilespmem:v2+s11+$0x0] =	vst.idx.add.f32.msk $0xffff, v1  }
0x2b: {  	[tilespmem:s2], [sflag:$0x1] =	stream.linear.gather [hbm4b:s16+s2], $0x80, $0x38;
	[tilespmem:$0x2900] =	vst v63  }
0x2c: {  	_ =	swait.ge [sflag:s12], $0x80  }
0x2d: {  	[sflag:s12] =	ssyncset.done $0x0  }
0x2e: {  	[sflag:s12] =	ssyncadd.s32 $0xFFFFFF80  }
0x2f: {  	v2 =	vld [tilespmem:$0x80];
	_ =	sdelay $0x7  }
0x30: {  	[tilespmem:v2+s11+$0x0] =	vst.idx.add.f32.msk $0xffff, v1  }
0x31: {  	v2 =	vld [tilespmem:$0x90];
	_ =	sdelay $0x7  }
0x32: {  	[tilespmem:v2+s11+$0x0] =	vst.idx.add.f32.msk $0xffff, v1  }
0x33: {  	v2 =	vld [tilespmem:$0xA0];
	_ =	sdelay $0x7  }
0x34: {  	[tilespmem:v2+s11+$0x0] =	vst.idx.add.f32.msk $0xffff, v1  }
0x35: {  	v2 =	vld [tilespmem:$0xB0];
	_ =	sdelay $0x7  }
0x36: {  	[tilespmem:v2+s11+$0x0] =	vst.idx.add.f32.msk $0xffff, v1  }
0x37: {  	v2 =	vld [tilespmem:$0xC0];
	_ =	sdelay $0x7  }
0x38: {  	[tilespmem:v2+s11+$0x0] =	vst.idx.add.f32.msk $0xffff, v1  }
0x39: {  	v2 =	vld [tilespmem:$0xD0];
	_ =	sdelay $0x7  }
0x3a: {  	[tilespmem:v2+s11+$0x0] =	vst.idx.add.f32.msk $0xffff, v1  }
0x3b: {  	v2 =	vld [tilespmem:$0xE0];
	_ =	sdelay $0x7  }
0x3c: {  	[tilespmem:v2+s11+$0x0] =	vst.idx.add.f32.msk $0xffff, v1  }
0x3d: {  	v2 =	vld [tilespmem:$0xF0];
	_ =	sdelay $0x3  }
0x3e: {  	p0 =	sne.s32 s15, $0x4E0  }
.Ltmp1:
0x3f: {  	_ = 	snop;
	(pc) =	sbr.rel @p0 .LBB2_4-.Ltmp1, $3  }
0x40: {  	_ =	sdelay $0x1  }
0x41: {  	s31 =	sadd.s32 s15, s7;
	s15 =	sadd.s32 $0x20, s15;
	[tilespmem:v2+s11+$0x0] =	vst.idx.add.f32.msk $0xffff, v1  }
0x42: {  	[tilespmem:s9], [sflag:$0x2] =	stream.linear.gather [hbm4b:s31+s2], $0x80, $0x38;
	[tilespmem:$0x2900] =	vst v63  }
0x43: {  	_ =	swait.ge [sflag:s10], $0x80  }
0x44: {  	[sflag:s10] =	ssyncset.done $0x0  }
0x45: {  	[sflag:s10] =	ssyncadd.s32 $0xFFFFFF80  }
0x46: {  	s14 =	sadd.s32 $0x1, s14;
	_ =	swait.ge [sflag:s12], $0x80  }
0x47: {  	p0 =	sne.s32 s14, s6;
	[sflag:s12] =	ssyncset.done $0x0  }
.Ltmp2:
0x48: {  	[sflag:s12] =	ssyncadd.s32 $0xFFFFFF80;
	(pc) =	sbr.rel @p0 .LBB2_1-.Ltmp2, $4  }
0x49: {  	[hbm4b:s5+s2] =	stream.linear.scatter [tilespmem:s11], [sflag:$0x3], $0x2800, $0x38;
	[tilespmem:$0x2900] =	vst v63  }
0x4a: {  	_ =	swait.ge [sflag:s13], $0x2800  }
0x4b: {  	[sflag:s13] =	ssyncset.done $0x0  }
0x4c: {  	[sflag:s13] =	ssyncadd.s32 $0xFFFFD800  }
0x4d: {  	_ =	sfence.sel $0x180000  }
0x4e: {  	[bflag:$0x0] =	sbarrier.arrive $0xFFFF  }
0x4f: {  	p0 =	sne.s32 s1, $0x0;
	_ =	strace $0x90000047  }
0x50: {  	s0 =	sadd.s32 @!p0 $0x100000, s0;
	[bflag:$0x2] =	sbarrier.arrive $0xFFFF  }
0x51: {  	[sflag:s0] =	ssyncadd.tile.s32 @!p0 $0x1;
	_ =	shalt  }
.Lfunc_end2:
_tile_overlayer_lowered:
.L_overlay_start_2:
0x52: {  	(tag) =	ssettag $0x2  }
0x53: {  	s0 =	rddreg [dreg:$0x0];
	s2 =	stileid.u32  }
0x54: {  	s1 =	rddreg [dreg:$0x1];
	p0 =	sne.s32 s2, $0x0  }
0x55: {  	s3 =	rddreg [dreg:$0x2];
	[bflag:$0x3] =	sbarrier.arrive $0xFFFF;
	s2 =	simm.s32 @!p0 $0x1C03  }
0x56: {  	[timem:s3], [sflag:s2] =	dma.local @!p0 [hbm:s0], s1  }
0x57: {  	s0 =	simm.s32 @!p0 $0x3  }
0x58: {  	_ =	swait.ge @!p0 [sflag:s0], s1  }
0x59: {  	s1 =	ssub.s32 @!p0 $0x0, s1;
	[sflag:s0] =	ssyncset.done @!p0 $0x0  }
0x5a: {  	[sflag:s0] =	ssyncadd.s32 @!p0 s1  }
0x5b: {  	[bflag:$0x3] =	sbarrier.arrive $0xFFFF  }
0x5c: {  	_ =	shalt  }

// kernel: kernel.9.cloned.1.call-start
scs
__scs_entry_jumppad:
0x0: {  	(pc) =	sbr.rel $0x88, $3  }
0x1: {  	(tag) =	ssettag $0x0;
	lr =	simm.s32 $0x1  }
0x2: {  	[smem:$0x3F9B] =	sst lr;
	_ =	strace $0xD0000000  }
0x3: {  	_ = 	snop  }
0x4: {  	_ = 	snop  }
0x5: {  	_ = 	snop  }
0x6: {  	_ = 	snop  }
0x7: {  	_ = 	snop  }
__scs_overlays_trampoline_lowered:
0x8: {  	[smem:$0x3FAA] =	sst s0  }
0x9: {  	[smem:$0x3FAB] =	sst s1  }
0xa: {  	[smem:$0x3FAC] =	sst s2  }
0xb: {  	[smem:$0x3FAD] =	sst s3  }
0xc: {  	[smem:$0x3FAE] =	sst s4  }
0xd: {  	[smem:$0x3FAF] =	sst s5  }
0xe: {  	[smem:$0x3FB0] =	sst s6  }
0xf: {  	[smem:$0x3FB1] =	sst s7  }
0x10: {  	[smem:$0x3FB2] =	sst s8  }
0x11: {  	[smem:$0x3FB3] =	sst s9;
	s0 =	simm.s32 @!p0 $0x0  }
0x12: {  	s1 =	sld [smem:$0x3F99];
	s0 =	simm.s32 @p0 $0x1  }
0x13: {  	[smem:$0x3FB4] =	sst s0;
	s0 =	simm.s32 @!p1 $0x0  }
0x14: {  	s2 =	sld [smem:$0x3F98];
	s0 =	simm.s32 @p1 $0x1  }
0x15: {  	[smem:$0x3FB5] =	sst s0;
	s0 =	simm.s32 @!p2 $0x0  }
0x16: {  	s3 =	sld [smem:$0x3FDB];
	s0 =	simm.s32 @p2 $0x1  }
0x17: {  	s4 =	simm.s32 $0x1BF5;
	[smem:$0x3FB7] =	sst s0  }
0x18: {  	s0 =	sld [smem:$0x3F9A];
	_ =	swait.ge [sflag:s4], $0x0  }
0x19: {  	s7 =	sld [smem:$0x3F9B]  }
0x1a: {  	s8 =	sadd.s32 $0xFFFFE003, lr  }
0x1b: {  	s9 =	sadd.s32 $0xFFFFFEF7, lr;
	s5 =	simm.s32 $0xFFFFFFFF;
	p2 =	slt.u32 s8, $0xFFFFF086  }
0x1c: {  	p1 =	slt.u32 s9, $0xF7A;
	s5 =	simm.s32 @!p2 $0x0  }
0x1d: {  	s5 =	simm.s32 @p1 $0x1;
	p0 =	seq.s32 s7, s2  }
0x1e: {  	s7 =	smul.u32 @!p0 $0xF7A, s2;
	p2 =	seq.s32 @!p0 s5, $0x0  }
0x1f: {  	s9 =	smul.u32 $0xF7A, s1;
	s8 =	simm.s32 @!p0 $0x1BF5;
	p2 =	por !p2, p0  }
0x20: {  	[sflag:s8] =	ssyncset.s32 @!p0 $0xFFFFF086;
	s6 =	sadd.s32 @!p0 s3, s7;
	s7 =	simm.s32 @!p0 $0x108  }
0x21: {  	s3 =	sadd.s32 s3, s9;
	s6 =	sadd.s32 @!p0 $0x88, s6;
	s7 =	simm.s32 @p2 $0x1082  }
0x22: {  	[simem:s7], [sflag:s8] =	dma.local @!p0 [hbm:s6], $0xF7A  }
0x23: {  	s9 =	sor.u32 $0xD0000000, s2;
	s6 =	simm.s32 $0x108;
	_ =	swait.ge @!p0 [sflag:s8], $0x0  }
0x24: {  	s3 =	sadd.s32 $0x88, s3;
	s6 =	simm.s32 @!p1 $0x1082;
	[sflag:s4] =	ssyncset.s32 $0xFFFFF086  }
0x25: {  	[simem:s6], [sflag:s4] =	dma.local [hbm:s3], $0xF7A  }
0x26: {  	[smem:$0x3F9B] =	sst s1;
	(tag) =	ssettag s2;
	_ =	strace s9  }
0x27: {  	s1 =	sld [smem:$0x3FAB]  }
0x28: {  	s2 =	sld [smem:$0x3FAC]  }
0x29: {  	s4 =	sld [smem:$0x3FAE]  }
0x2a: {  	p0 =	seq.s32 s5, $0x0;
	s5 =	sld [smem:$0x3FAF]  }
0x2b: {  	s6 =	sld [smem:$0x3FB0]  }
0x2c: {  	s7 =	sld [smem:$0x3FB1]  }
0x2d: {  	s3 =	simm.s32 $0x108;
	s8 =	sld [smem:$0x3FB2]  }
0x2e: {  	s3 =	simm.s32 @!p0 $0x1082;
	s9 =	sld [smem:$0x3FB3]  }
0x2f: {  	lr =	sadd.s32 s0, s3;
	s0 =	sld [smem:$0x3FAA]  }
0x30: {  	s3 =	sld [smem:$0x3FAD]  }
0x31: {  	[smem:$0x3FB6] =	sst s10  }
0x32: {  	s10 =	sld [smem:$0x3FB4];
	_ =	sdelay $0x3  }
0x33: {  	p0 =	seq.s32 s10, $0x1;
	s10 =	sld [smem:$0x3FB6];
	_ =	sdelay $0x3  }
0x34: {  	[smem:$0x3FB6] =	sst s10  }
0x35: {  	s10 =	sld [smem:$0x3FB5];
	_ =	sdelay $0x3  }
0x36: {  	p1 =	seq.s32 s10, $0x1;
	s10 =	sld [smem:$0x3FB6];
	_ =	sdelay $0x3  }
0x37: {  	[smem:$0x3FB6] =	sst s10  }
0x38: {  	s10 =	sld [smem:$0x3FB7]  }
0x39: {  	_ = 	snop;
	(pc) =	sbr.ind lr, $3  }
0x3a: {  	_ = 	snop  }
0x3b: {  	_ = 	snop  }
0x3c: {  	p2 =	seq.s32 s10, $0x1;
	s10 =	sld [smem:$0x3FB6]  }
0x3d: {  	_ =	shalt  }
0x3e: {  	_ =	shalt  }
0x3f: {  	_ =	shalt  }
0x40: {  	_ =	shalt  }
0x41: {  	_ =	shalt  }
0x42: {  	_ =	shalt  }
0x43: {  	_ =	shalt  }
0x44: {  	_ =	shalt  }
0x45: {  	_ =	shalt  }
0x46: {  	_ =	shalt  }
0x47: {  	_ =	shalt  }
0x48: {  	_ =	shalt  }
0x49: {  	_ =	shalt  }
0x4a: {  	_ =	shalt  }
0x4b: {  	_ =	shalt  }
0x4c: {  	_ =	shalt  }
0x4d: {  	_ =	shalt  }
0x4e: {  	_ =	shalt  }
0x4f: {  	_ =	shalt  }
0x50: {  	_ =	shalt  }
0x51: {  	_ =	shalt  }
0x52: {  	_ =	shalt  }
0x53: {  	_ =	shalt  }
0x54: {  	_ =	shalt  }
0x55: {  	_ =	shalt  }
0x56: {  	_ =	shalt  }
0x57: {  	_ =	shalt  }
0x58: {  	_ =	shalt  }
0x59: {  	_ =	shalt  }
0x5a: {  	_ =	shalt  }
0x5b: {  	_ =	shalt  }
0x5c: {  	_ =	shalt  }
0x5d: {  	_ =	shalt  }
0x5e: {  	_ =	shalt  }
0x5f: {  	_ =	shalt  }
0x60: {  	_ =	shalt  }
0x61: {  	_ =	shalt  }
0x62: {  	_ =	shalt  }
0x63: {  	_ =	shalt  }
0x64: {  	_ =	shalt  }
0x65: {  	_ =	shalt  }
0x66: {  	_ =	shalt  }
0x67: {  	_ =	shalt  }
0x68: {  	_ =	shalt  }
0x69: {  	_ =	shalt  }
0x6a: {  	_ =	shalt  }
0x6b: {  	_ =	shalt  }
0x6c: {  	_ =	shalt  }
0x6d: {  	_ =	shalt  }
0x6e: {  	_ =	shalt  }
0x6f: {  	_ =	shalt  }
0x70: {  	_ =	shalt  }
0x71: {  	_ =	shalt  }
0x72: {  	_ =	shalt  }
0x73: {  	_ =	shalt  }
0x74: {  	_ =	shalt  }
0x75: {  	_ =	shalt  }
0x76: {  	_ =	shalt  }
0x77: {  	_ =	shalt  }
0x78: {  	_ =	shalt  }
0x79: {  	_ =	shalt  }
0x7a: {  	_ =	shalt  }
0x7b: {  	_ =	shalt  }
0x7c: {  	_ =	shalt  }
0x7d: {  	_ =	shalt  }
0x7e: {  	_ =	shalt  }
0x7f: {  	_ =	shalt  }
0x80: {  	_ =	shalt  }
0x81: {  	_ =	shalt  }
0x82: {  	_ =	shalt  }
0x83: {  	_ =	shalt  }
0x84: {  	_ =	shalt  }
0x85: {  	_ =	shalt  }
0x86: {  	_ =	shalt  }
0x87: {  	_ =	shalt  }
.Lfunc_end0:
.L_simem_size_0:
called_computation.1_lowered:
.L_overlay_start_0:
0x88: {  	s2 =	sld [smem:$0x3FD9]  }
0x89: {  	s3 =	sld [smem:$0x3FFE];
	_ =	sdelay $0x1  }
0x8a: {  	s1 =	srdreg.scid  }
0x8b: {  	s0 =	sand.u32 $0x1, s1  }
0x8c: {  	s16 =	sshll.u32 s0, $0xA;
	s2 =	sadd.s32 s3, s2  }
0x8d: {  	s2 =	sadd.s32 s2, s16  }
0x8e: {  	[smem:$0x3FC2] =	sst s2  }
0x8f: {  	_ = 	snop  }
0x90: {  	(tm) =	ssettm $0x1  }
0x91: {  	s17 =	sld [smem:$0x3FFB];
	_ =	sdelay $0x3  }
0x92: {  	_ =	strace s17  }
0x93: {  	s2 =	sld [smem:$0x3FFC];
	_ =	sdelay $0x3  }
0x94: {  	_ =	strace s2  }
0x95: {  	s2 =	sld [smem:$0x3FFD];
	_ =	sdelay $0x3  }
0x96: {  	_ =	strace s2  }
0x97: {  	_ =	strace $0x8FFFFFFF  }
0x98: {  	s18 =	sld [smem:$0x3FDB];
	_ =	sdelay $0x1  }
0x99: {  	s19 =	simm.s32 $_scs_section_size  }
0x9a: {  	s4 =	simm.s32 $_size__tile_overlayer_lowered;
	s5 =	simm.s32 $_tile_overlayer_lowered  }
0x9b: {  	s22 =	simm.s32 $0x1BFF;
	s21 =	sshll.u32 s5, $0x1;
	s2 =	sadd.s32 s19, s18  }
0x9c: {  	s6 =	simm.s32 $0x0;
	s20 =	sshll.u32 s4, $0x1;
	s4 =	sadd.s32 s21, s2  }
0x9d: {  	[timem:s6], [sflag:s22] =	dma.local [hbm:s4], s20  }
0x9e: {  	_ =	swait.ge [sflag:s22], s20  }
0x9f: {  	s3 =	ssub.s32 $0x0, s20;
	[sflag:s22] =	ssyncset.done $0x0  }
0xa0: {  	[sflag:s22] =	ssyncadd.s32 s3;
	_ =	sdelay $0x1  }
0xa1: {  	s23 =	simm.s32 $0x1B8B  }
0xa2: {  	_ =	swait.ge [sflag:s23], $0x1  }
0xa3: {  	[sflag:s23] =	ssyncset.done $0x0  }
0xa4: {  	s25 =	simm.s32 $0x1B8E;
	s24 =	sld [smem:$0x3FFE];
	[sflag:s23] =	ssyncadd.s32 $0xFFFFFFFF  }
0xa5: {  	s26 =	simm.s32 $execute0_lowered;
	[smem:$0x3FD2] =	sst s25  }
0xa6: {  	s4 =	sshll.u32 s26, $0x1;
	_ =	strace $0x80000049;
	[dreg:$0x1] =	wrdreg $0xFFFFFFFF  }
0xa7: {  	s28 =	simm.s32 $_size_execute0_lowered;
	s2 =	sadd.s32 s2, s4;
	[dreg:$0x0] =	wrdreg $0x0  }
0xa8: {  	s4 =	sshll.u32 s28, $0x1;
	[dreg:$0x2] =	wrdreg s2  }
0xa9: {  	[dreg:$0x3] =	wrdreg s4  }
0xaa: {  	[dreg:$0x4] =	wrdreg $0xC0  }
0xab: {  	_ =	task [dreg:s6], $0x5FFFF  }
0xac: {  	[dreg:$0x1] =	wrdreg $0xFFFFFFFF  }
0xad: {  	[dreg:$0x0] =	wrdreg $0x60  }
0xae: {  	[dreg:$0x2] =	wrdreg s24  }
0xaf: {  	[dreg:$0x3] =	wrdreg $0x108000  }
0xb0: {  	[dreg:$0x4] =	wrdreg $0x9  }
0xb1: {  	_ =	task.clear_ibuf [dreg:s6], $0x5FFFF;
	_ =	strace $0x90000049  }
0xb2: {  	s29 =	simm.s32 $0x9;
	_ =	strace $0x8000004B  }
0xb3: {  	_ =	swait.ge [sflag:s29], $0x1  }
0xb4: {  	[sflag:s29] =	ssyncadd.s32 $0xFFFFFFFF  }
0xb5: {  	_ =	strace $0x9000004B  }
0xb6: {  	_ =	sfence  }
0xb7: {  	s30 =	sld [smem:$0x0];
	_ =	sdelay $0x2  }
0xb8: {  	s31 =	sshll.u32 s1, $0xD;
	s1 =	sshrl.u32 s1, $0x2  }
0xb9: {  	s3 =	sand.u32 $0x4000, s31;
	s1 =	sadd.s32 s1, s30  }
0xba: {  	s0 =	sor.u32 s3, s0;
	s1 =	sshll.u32 s1, $0x11  }
0xbb: {  	s0 =	sor.u32 s1, s0  }
0xbc: {  	s0 =	sadd.s32 $0x8F2B, s0  }
0xbd: {  	[sflag:s0] =	ssyncadd.remote.s32 $0x1  }
0xbe: {  	_ =	sfence.sel $0xFFFF  }
0xbf: {  	[dreg:$0x0] =	wrdreg $0xFFFFFFFF;
	(pc) =	sbr.abs _section_cstart, $3  }
0xc0: {  	[dreg:$0x1] =	wrdreg $0xFFFFFFFF  }
0xc1: {  	_ =	task.clear_ibuf [dreg:s6], $0x2FFFF;
	_ =	strace $0x9FFFFFFF  }
0xc2: {  	(tm) =	ssettm $0x7FFFFFFF  }
0xc3: {  	_ =	shalt  }
tec
execute0_lowered:
.L_overlay_start_1:
0x0: {  	(tag) =	ssettag $0x1  }
0x1: {  	s0 =	rddreg [dreg:$0x0]  }
0x2: {  	s1 =	srdreg.scid;
	s14 =	stileid.u32  }
0x3: {  	s2 =	rddreg [dreg:$0x1];
	s9 =	sand.u32 $0x1, s1;
	s18 =	smul.u32 $0x5000, s14  }
0x4: {  	s3 =	simm.s32 $0x0;
	s4 =	sshll.u32 s14, $0x1;
	s7 =	smul.u32 $0x140000, s9  }
0x5: {  	s4 =	sor.u32 s9, s4;
	s10 =	ssub.s32 $0x2, s9;
	s9 =	smul.u32 $0x2800, s9  }
0x6: {  	[smem:$0x7FF] =	sst s3;
	s4 =	smul.u32 $0x2800, s4  }
0x7: {  	s5 =	sadd.s32 $0x16800, s0;
	s6 =	sadd.s32 $0x1200, s0;
	_ =	strace $0x8000004A  }
0x8: {  	s11 =	sshrl.u32 s10, $0x1;
	s9 =	sadd.s32 s9, s18;
	s8 =	sshrl.u32 s4, $0x3  }
0x9: {  	s4 =	ssub.s32 s10, s11;
	s11 =	sor.u32 $0x780, s9;
	s15 =	sadd.s32 s5, s8  }
0xa: {  	s16 =	sadd.s32 s6, s8;
	s17 =	sor.u32 $0x10, s8;
	[dreg:$0x13] =	wrdreg s15  }
0xb: {  	s13 =	sor.u32 $0x700, s9;
	[dreg:$0x14] =	wrdreg s16;
	s12 =	sadd.s32 s5, s17  }
0xc: {  	s19 =	sor.u32 $0x20, s8;
	s10 =	sadd.s32 s6, s17;
	[dreg:$0x15] =	wrdreg s12  }
0xd: {  	s21 =	sor.u32 $0x30, s8;
	s20 =	sadd.s32 s5, s19;
	[dreg:$0x16] =	wrdreg s10  }
0xe: {  	s23 =	sor.u32 $0x40, s8;
	s22 =	sadd.s32 s5, s21;
	[dreg:$0x17] =	wrdreg s20  }
0xf: {  	s25 =	sshrl.u32 s11, $0x3;
	s24 =	sadd.s32 s5, s23;
	[dreg:$0x19] =	wrdreg s22  }
0x10: {  	s28 =	sshrl.u32 s13, $0x3;
	s26 =	sadd.s32 s25, s6;
	[dreg:$0x1b] =	wrdreg s24  }
0x11: {  	s1 =	smul.u32 $0x14000, s14;
	s30 =	sadd.s32 s28, s6;
	[dreg:$0x3] =	wrdreg s26  }
0x12: {  	s31 =	sor.u32 $0x680, s9;
	s12 =	sadd.s32 s6, s19;
	[dreg:$0x5] =	wrdreg s30  }
0x13: {  	s15 =	sshrl.u32 s31, $0x3;
	s10 =	sadd.s32 s6, s21;
	[dreg:$0x18] =	wrdreg s12  }
0x14: {  	s29 =	simm.s32 $0x80;
	s16 =	sadd.s32 s15, s6;
	[dreg:$0x1a] =	wrdreg s10  }
0x15: {  	s7 =	sadd.s32 s1, s7;
	s18 =	sadd.s32 s15, s5;
	[dreg:$0x7] =	wrdreg s16  }
0x16: {  	s17 =	sor.u32 $0x600, s9;
	s10 =	sadd.s32 s6, s23;
	[dreg:$0x8] =	wrdreg s18  }
0x17: {  	s19 =	sshrl.u32 s17, $0x3;
	s12 =	sadd.s32 s28, s5;
	[dreg:$0x1c] =	wrdreg s10  }
0x18: {  	s7 =	sshrl.u32 s7, $0x4;
	s20 =	sadd.s32 s19, s6;
	[dreg:$0x6] =	wrdreg s12  }
0x19: {  	s11 =	sor.u32 $0x50, s8;
	s22 =	sadd.s32 s19, s5;
	[dreg:$0x9] =	wrdreg s20  }
0x1a: {  	s31 =	sor.u32 $0x480, s9;
	s19 =	sadd.s32 s5, s11;
	[dreg:$0xa] =	wrdreg s22  }
0x1b: {  	s21 =	sor.u32 $0x580, s9;
	s11 =	sadd.s32 s6, s11;
	[dreg:$0x1d] =	wrdreg s19  }
0x1c: {  	s16 =	sshrl.u32 s31, $0x3;
	s31 =	smax.u32 s4, $0x1;
	[dreg:$0x1e] =	wrdreg s11  }
0x1d: {  	s23 =	sshrl.u32 s21, $0x3;
	s10 =	sadd.s32 s25, s5;
	[smem:$0x7FC] =	sst s31  }
0x1e: {  	s13 =	simm.s32 $0x400;
	s24 =	sadd.s32 s23, s6;
	[dreg:$0x4] =	wrdreg s10  }
0x1f: {  	s21 =	sor.u32 $0x60, s8;
	s26 =	sadd.s32 s23, s5;
	[dreg:$0xb] =	wrdreg s24  }
0x20: {  	s8 =	sor.u32 $0x70, s8;
	s17 =	sadd.s32 s16, s6;
	[dreg:$0xc] =	wrdreg s26  }
0x21: {  	s25 =	sor.u32 $0x500, s9;
	s18 =	sadd.s32 s16, s5;
	[dreg:$0xf] =	wrdreg s17  }
0x22: {  	s9 =	sor.u32 $0x400, s9;
	s22 =	sadd.s32 s5, s21;
	[dreg:$0x10] =	wrdreg s18  }
0x23: {  	s23 =	sadd.s32 s6, s21;
	s21 =	simm.s32 $0x780;
	[dreg:$0x1f] =	wrdreg s22  }
0x24: {  	s28 =	sshrl.u32 s25, $0x3;
	[smem:$0x7F6] =	sst s23;
	s24 =	sadd.s32 s5, s8  }
0x25: {  	s9 =	sshrl.u32 s9, $0x3;
	s30 =	sadd.s32 s28, s6;
	[smem:$0x7F8] =	sst s24  }
0x26: {  	s25 =	sadd.s32 s7, s0;
	s15 =	sadd.s32 s28, s5;
	[dreg:$0xd] =	wrdreg s30  }
0x27: {  	s26 =	sshrl.u32 s1, $0x1;
	s20 =	sadd.s32 s9, s6;
	[dreg:$0xe] =	wrdreg s15  }
0x28: {  	s7 =	simm.s32 $0xC;
	s6 =	sadd.s32 s6, s8;
	[dreg:$0x11] =	wrdreg s20  }
0x29: {  	s5 =	sadd.s32 s9, s5;
	s28 =	sshll.u32 s14, $0x6;
	[smem:$0x7F7] =	sst s6  }
0x2a: {  	s20 =	sadd.s32 $0x20A00, s0;
	s0 =	sadd.s32 $0x15400, s0;
	[dreg:$0x12] =	wrdreg s5  }
0x2b: {  	s14 =	simm.s32 $0x800;
	s30 =	sadd.s32 $0x34400, s25;
	[smem:$0x7F9] =	sst s0  }
0x2c: {  	s8 =	simm.s32 $0xD;
	s12 =	sor.u32 $0x1C11, s28;
	[smem:$0x7FB] =	sst s30  }
0x2d: {  	s15 =	simm.s32 $0x0;
	s0 =	sadd.s32 s26, s2;
	[smem:$0x7FD] =	sst s12  }
0x2e: {  	s6 =	simm.s32 $0xB;
	s26 =	simm.s32 $0x11;
	[smem:$0x7FA] =	sst s0  }
.LBB2_1:
0x2f: {  	s11 =	sld [smem:$0x7FA];
	_ =	sdelay $0x1  }
0x30: {  	s16 =	sld [smem:$0x7F9]  }
0x31: {  	[smem:$0x7F4] =	sst s15;
	s11 =	sshrl.u32 s11, $0x3  }
0x32: {  	[smem:$0x7F5] =	sst s11  }
0x33: {  	[spmem:s11], [sflag:s12] =	dma.local [hbm:s16], $0x1400  }
0x34: {  	_ =	swait.ge [sflag:s26], $0x1400  }
0x35: {  	[sflag:s26] =	ssyncset.done $0x0  }
0x36: {  	[sflag:s26] =	ssyncadd.s32 $0xFFFFEC00  }
0x37: {  	[bflag:$0x0] =	sbarrier.arrive $0xFFFF  }
0x38: {  	s17 =	rddreg [dreg:$0x13]  }
0x39: {  	[tilespmem:s3], [sflag:$0x11] =	stream.linear.gather [hbm4b:s17+s3], $0x80, $0x38;
	[tilespmem:$0x1A800] =	vst v63  }
0x3a: {  	_ =	swait.ge [sflag:s26], $0x80  }
0x3b: {  	[sflag:s26] =	ssyncset.done $0x0  }
0x3c: {  	s18 =	rddreg [dreg:$0x14];
	[sflag:s26] =	ssyncadd.s32 $0xFFFFFF80  }
0x3d: {  	[tilespmem:s13], [sflag:$0x11] =	stream.linear.gather [hbm4b:s18+s3], $0x80, $0x38;
	[tilespmem:$0x1A800] =	vst v63  }
0x3e: {  	_ =	swait.ge [sflag:s26], $0x80  }
0x3f: {  	[sflag:s26] =	ssyncset.done $0x0  }
0x40: {  	[sflag:s26] =	ssyncadd.s32 $0xFFFFFF80  }
0x41: {  	[tilespmem:s14], [sflag:$0x1] =	stream.indirect.gather [hbm4b:s20+s29], $0x40, s3, s29, $0xb8;
	[tilespmem:$0x1A800] =	vst v63  }
0x42: {  	s19 =	rddreg [dreg:$0x15]  }
0x43: {  	[tilespmem:s29], [sflag:$0x11] =	stream.linear.gather [hbm4b:s19+s3], $0x80, $0x38;
	[tilespmem:$0x1A800] =	vst v63  }
0x44: {  	_ =	swait.ge [sflag:s26], $0x80  }
0x45: {  	[sflag:s26] =	ssyncset.done $0x0  }
0x46: {  	s15 =	simm.s32 $0x480;
	s22 =	rddreg [dreg:$0x16];
	[sflag:s26] =	ssyncadd.s32 $0xFFFFFF80  }
0x47: {  	[tilespmem:s15], [sflag:$0x11] =	stream.linear.gather [hbm4b:s22+s3], $0x80, $0x38;
	[tilespmem:$0x1A800] =	vst v63  }
0x48: {  	_ =	swait.ge [sflag:s26], $0x80  }
0x49: {  	[sflag:s26] =	ssyncset.done $0x0  }
0x4a: {  	s18 =	simm.s32 $0x2800;
	[sflag:s26] =	ssyncadd.s32 $0xFFFFFF80  }
0x4b: {  	[tilespmem:s18], [sflag:$0x2] =	stream.indirect.gather [hbm4b:s20+s29], $0x40, s29, s29, $0xb8;
	[tilespmem:$0x1A800] =	vst v63  }
0x4c: {  	s17 =	simm.s32 $0x100;
	s23 =	rddreg [dreg:$0x17]  }
0x4d: {  	[tilespmem:s17], [sflag:$0x11] =	stream.linear.gather [hbm4b:s23+s3], $0x80, $0x38;
	[tilespmem:$0x1A800] =	vst v63  }
0x4e: {  	_ =	swait.ge [sflag:s26], $0x80  }
0x4f: {  	[sflag:s26] =	ssyncset.done $0x0  }
0x50: {  	s22 =	simm.s32 $0x500;
	s24 =	rddreg [dreg:$0x18];
	[sflag:s26] =	ssyncadd.s32 $0xFFFFFF80  }
0x51: {  	[tilespmem:s22], [sflag:$0x11] =	stream.linear.gather [hbm4b:s24+s3], $0x80, $0x38;
	[tilespmem:$0x1A800] =	vst v63  }
0x52: {  	_ =	swait.ge [sflag:s26], $0x80  }
0x53: {  	[sflag:s26] =	ssyncset.done $0x0  }
0x54: {  	s23 =	simm.s32 $0x4800;
	[sflag:s26] =	ssyncadd.s32 $0xFFFFFF80  }
0x55: {  	[tilespmem:s23], [sflag:$0x3] =	stream.indirect.gather [hbm4b:s20+s29], $0x40, s17, s29, $0xb8;
	[tilespmem:$0x1A800] =	vst v63  }
0x56: {  	s24 =	simm.s32 $0x180;
	s25 =	rddreg [dreg:$0x19]  }
0x57: {  	[tilespmem:s24], [sflag:$0x11] =	stream.linear.gather [hbm4b:s25+s3], $0x80, $0x38;
	[tilespmem:$0x1A800] =	vst v63  }
0x58: {  	_ =	swait.ge [sflag:s26], $0x80  }
0x59: {  	[sflag:s26] =	ssyncset.done $0x0  }
0x5a: {  	s25 =	simm.s32 $0x580;
	s28 =	rddreg [dreg:$0x1a];
	[sflag:s26] =	ssyncadd.s32 $0xFFFFFF80  }
0x5b: {  	[tilespmem:s25], [sflag:$0x11] =	stream.linear.gather [hbm4b:s28+s3], $0x80, $0x38;
	[tilespmem:$0x1A800] =	vst v63  }
0x5c: {  	_ =	swait.ge [sflag:s26], $0x80  }
0x5d: {  	[sflag:s26] =	ssyncset.done $0x0  }
0x5e: {  	s28 =	simm.s32 $0x6800;
	[sflag:s26] =	ssyncadd.s32 $0xFFFFFF80  }
0x5f: {  	[tilespmem:s28], [sflag:$0x4] =	stream.indirect.gather [hbm4b:s20+s29], $0x40, s24, s29, $0xb8;
	[tilespmem:$0x1A800] =	vst v63  }
0x60: {  	s12 =	simm.s32 $0x200;
	s30 =	rddreg [dreg:$0x1b]  }
0x61: {  	[tilespmem:s12], [sflag:$0x11] =	stream.linear.gather [hbm4b:s30+s3], $0x80, $0x38;
	[tilespmem:$0x1A800] =	vst v63  }
0x62: {  	_ =	swait.ge [sflag:s26], $0x80  }
0x63: {  	[sflag:s26] =	ssyncset.done $0x0  }
0x64: {  	s30 =	simm.s32 $0x600;
	s31 =	rddreg [dreg:$0x1c];
	[sflag:s26] =	ssyncadd.s32 $0xFFFFFF80  }
0x65: {  	[tilespmem:s30], [sflag:$0x11] =	stream.linear.gather [hbm4b:s31+s3], $0x80, $0x38;
	[tilespmem:$0x1A800] =	vst v63  }
0x66: {  	_ =	swait.ge [sflag:s26], $0x80  }
0x67: {  	[sflag:s26] =	ssyncset.done $0x0  }
0x68: {  	s9 =	simm.s32 $0x8800;
	[sflag:s26] =	ssyncadd.s32 $0xFFFFFF80  }
0x69: {  	[tilespmem:s9], [sflag:$0x5] =	stream.indirect.gather [hbm4b:s20+s29], $0x40, s12, s29, $0xb8;
	[tilespmem:$0x1A800] =	vst v63  }
0x6a: {  	s16 =	simm.s32 $0x280;
	s0 =	rddreg [dreg:$0x1d]  }
0x6b: {  	[tilespmem:s16], [sflag:$0x11] =	stream.linear.gather [hbm4b:s0+s3], $0x80, $0x38;
	[tilespmem:$0x1A800] =	vst v63  }
0x6c: {  	_ =	swait.ge [sflag:s26], $0x80  }
0x6d: {  	[sflag:s26] =	ssyncset.done $0x0  }
0x6e: {  	s31 =	simm.s32 $0x680;
	s1 =	rddreg [dreg:$0x1e];
	[sflag:s26] =	ssyncadd.s32 $0xFFFFFF80  }
0x6f: {  	[tilespmem:s31], [sflag:$0x11] =	stream.linear.gather [hbm4b:s1+s3], $0x80, $0x38;
	[tilespmem:$0x1A800] =	vst v63  }
0x70: {  	_ =	swait.ge [sflag:s26], $0x80  }
0x71: {  	[sflag:s26] =	ssyncset.done $0x0  }
0x72: {  	s10 =	simm.s32 $0xA800;
	[sflag:s26] =	ssyncadd.s32 $0xFFFFFF80  }
0x73: {  	[tilespmem:s10], [sflag:$0x6] =	stream.indirect.gather [hbm4b:s20+s29], $0x40, s16, s29, $0xb8;
	[tilespmem:$0x1A800] =	vst v63  }
0x74: {  	s0 =	simm.s32 $0x300;
	s4 =	rddreg [dreg:$0x1f]  }
0x75: {  	[tilespmem:s0], [sflag:$0x11] =	stream.linear.gather [hbm4b:s4+s3], $0x80, $0x38;
	[tilespmem:$0x1A800] =	vst v63  }
0x76: {  	_ =	swait.ge [sflag:s26], $0x80  }
0x77: {  	s5 =	sld [smem:$0x7F6]  }
0x78: {  	[sflag:s26] =	ssyncset.done $0x0  }
0x79: {  	s1 =	simm.s32 $0x700;
	[sflag:s26] =	ssyncadd.s32 $0xFFFFFF80  }
0x7a: {  	[tilespmem:s1], [sflag:$0x11] =	stream.linear.gather [hbm4b:s5+s3], $0x80, $0x38;
	[tilespmem:$0x1A800] =	vst v63  }
0x7b: {  	_ =	swait.ge [sflag:s26], $0x80  }
0x7c: {  	[sflag:s26] =	ssyncset.done $0x0  }
0x7d: {  	s4 =	simm.s32 $0xC800;
	s19 =	sld [smem:$0x7F8];
	[sflag:s26] =	ssyncadd.s32 $0xFFFFFF80  }
0x7e: {  	[tilespmem:s4], [sflag:$0x7] =	stream.indirect.gather [hbm4b:s20+s29], $0x40, s0, s29, $0xb8;
	[tilespmem:$0x1A800] =	vst v63  }
0x7f: {  	s5 =	simm.s32 $0x380  }
0x80: {  	[tilespmem:s5], [sflag:$0x11] =	stream.linear.gather [hbm4b:s19+s3], $0x80, $0x38;
	[tilespmem:$0x1A800] =	vst v63  }
0x81: {  	_ =	swait.ge [sflag:s26], $0x80  }
0x82: {  	s19 =	sld [smem:$0x7F7]  }
0x83: {  	[sflag:s26] =	ssyncset.done $0x0  }
0x84: {  	[sflag:s26] =	ssyncadd.s32 $0xFFFFFF80  }
0x85: {  	[tilespmem:s21], [sflag:$0x11] =	stream.linear.gather [hbm4b:s19+s3], $0x80, $0x38;
	[tilespmem:$0x1A800] =	vst v63  }
0x86: {  	_ =	swait.ge [sflag:s26], $0x80  }
0x87: {  	[sflag:s26] =	ssyncset.done $0x0  }
0x88: {  	s11 =	simm.s32 $0xE800;
	s19 =	simm.s32 $0x1;
	[sflag:s26] =	ssyncadd.s32 $0xFFFFFF80  }
0x89: {  	[tilespmem:s11], [sflag:$0x8] =	stream.indirect.gather [hbm4b:s20+s29], $0x40, s5, s29, $0xb8;
	[tilespmem:$0x1A800] =	vst v63  }
0x8a: {  	_ =	swait.ge [sflag:s19], $0x2000  }
0x8b: {  	[sflag:s19] =	ssyncset.done $0x0  }
0x8c: {  	s5 =	simm.s32 $0x2;
	[sflag:s19] =	ssyncadd.s32 $0xFFFFE000  }
0x8d: {  	[spmem:s2] =	stream.indirect.scatter.add.s16 [tilespmem:s14], [sflag:$0x9], $0x40, s13, s29, $0xb8;
	[tilespmem:$0x1A800] =	vst v63  }
0x8e: {  	_ =	swait.ge [sflag:s5], $0x2000  }
0x8f: {  	[sflag:s5] =	ssyncset.done $0x0  }
0x90: {  	[sflag:s5] =	ssyncadd.s32 $0xFFFFE000;
	s5 =	simm.s32 $0x3  }
0x91: {  	[spmem:s2] =	stream.indirect.scatter.add.s16 [tilespmem:s18], [sflag:$0xA], $0x40, s15, s29, $0xb8;
	[tilespmem:$0x1A800] =	vst v63  }
0x92: {  	_ =	swait.ge [sflag:s5], $0x2000  }
0x93: {  	[sflag:s5] =	ssyncset.done $0x0  }
0x94: {  	[sflag:s5] =	ssyncadd.s32 $0xFFFFE000;
	s5 =	simm.s32 $0x4  }
0x95: {  	[spmem:s2] =	stream.indirect.scatter.add.s16 [tilespmem:s23], [sflag:$0xB], $0x40, s22, s29, $0xb8;
	[tilespmem:$0x1A800] =	vst v63  }
0x96: {  	_ =	swait.ge [sflag:s5], $0x2000  }
0x97: {  	[sflag:s5] =	ssyncset.done $0x0  }
0x98: {  	[sflag:s5] =	ssyncadd.s32 $0xFFFFE000;
	s5 =	simm.s32 $0x5  }
0x99: {  	[spmem:s2] =	stream.indirect.scatter.add.s16 [tilespmem:s28], [sflag:$0xC], $0x40, s25, s29, $0xb8;
	[tilespmem:$0x1A800] =	vst v63  }
0x9a: {  	_ =	swait.ge [sflag:s5], $0x2000  }
0x9b: {  	[sflag:s5] =	ssyncset.done $0x0  }
0x9c: {  	[sflag:s5] =	ssyncadd.s32 $0xFFFFE000;
	s5 =	simm.s32 $0x6  }
0x9d: {  	[spmem:s2] =	stream.indirect.scatter.add.s16 [tilespmem:s9], [sflag:$0xD], $0x40, s30, s29, $0xb8;
	[tilespmem:$0x1A800] =	vst v63  }
0x9e: {  	_ =	swait.ge [sflag:s5], $0x2000  }
0x9f: {  	[sflag:s5] =	ssyncset.done $0x0  }
0xa0: {  	[sflag:s5] =	ssyncadd.s32 $0xFFFFE000;
	s5 =	simm.s32 $0x7  }
0xa1: {  	[spmem:s2] =	stream.indirect.scatter.add.s16 [tilespmem:s10], [sflag:$0xE], $0x40, s31, s29, $0xb8;
	[tilespmem:$0x1A800] =	vst v63  }
0xa2: {  	_ =	swait.ge [sflag:s5], $0x2000  }
0xa3: {  	[sflag:s5] =	ssyncset.done $0x0  }
0xa4: {  	[sflag:s5] =	ssyncadd.s32 $0xFFFFE000;
	s5 =	simm.s32 $0x8  }
0xa5: {  	[spmem:s2] =	stream.indirect.scatter.add.s16 [tilespmem:s4], [sflag:$0xF], $0x40, s1, s29, $0xb8;
	[tilespmem:$0x1A800] =	vst v63  }
0xa6: {  	_ =	swait.ge [sflag:s5], $0x2000  }
0xa7: {  	[sflag:s5] =	ssyncset.done $0x0  }
0xa8: {  	[sflag:s5] =	ssyncadd.s32 $0xFFFFE000  }
0xa9: {  	[spmem:s2] =	stream.indirect.scatter.add.s16 [tilespmem:s11], [sflag:$0x10], $0x40, s21, s29, $0xb8;
	[tilespmem:$0x1A800] =	vst v63  }
0xaa: {  	s11 =	simm.s32 $0x9  }
0xab: {  	_ =	swait.ge [sflag:s11], $0x2000  }
0xac: {  	s19 =	rddreg [dreg:$0x12];
	[sflag:s11] =	ssyncset.done $0x0  }
0xad: {  	[sflag:s11] =	ssyncadd.s32 $0xFFFFE000;
	s11 =	sadd.s32 $0x0, s19  }
0xae: {  	[tilespmem:s3], [sflag:$0x11] =	stream.linear.gather [hbm4b:s11+s3], $0x80, $0x38;
	[tilespmem:$0x1A800] =	vst v63  }
0xaf: {  	_ =	swait.ge [sflag:s26], $0x80  }
0xb0: {  	s5 =	rddreg [dreg:$0x11];
	[sflag:s26] =	ssyncset.done $0x0  }
0xb1: {  	[sflag:s26] =	ssyncadd.s32 $0xFFFFFF80;
	s11 =	sadd.s32 $0x0, s5  }
0xb2: {  	[tilespmem:s13], [sflag:$0x11] =	stream.linear.gather [hbm4b:s11+s3], $0x80, $0x38;
	[tilespmem:$0x1A800] =	vst v63  }
0xb3: {  	_ =	swait.ge [sflag:s26], $0x80  }
0xb4: {  	[sflag:s26] =	ssyncset.done $0x0  }
0xb5: {  	s11 =	simm.s32 $0xA;
	[sflag:s26] =	ssyncadd.s32 $0xFFFFFF80  }
0xb6: {  	[tilespmem:s14], [sflag:$0x1] =	stream.indirect.gather [hbm4b:s20+s29], $0x40, s3, s29, $0xb8;
	[tilespmem:$0x1A800] =	vst v63  }
0xb7: {  	_ =	swait.ge [sflag:s11], $0x2000  }
0xb8: {  	s19 =	rddreg [dreg:$0x10];
	[sflag:s11] =	ssyncset.done $0x0  }
0xb9: {  	[sflag:s11] =	ssyncadd.s32 $0xFFFFE000;
	s11 =	sadd.s32 $0x0, s19  }
0xba: {  	[tilespmem:s29], [sflag:$0x11] =	stream.linear.gather [hbm4b:s11+s3], $0x80, $0x38;
	[tilespmem:$0x1A800] =	vst v63  }
0xbb: {  	_ =	swait.ge [sflag:s26], $0x80  }
0xbc: {  	s5 =	rddreg [dreg:$0xf];
	[sflag:s26] =	ssyncset.done $0x0  }
0xbd: {  	[sflag:s26] =	ssyncadd.s32 $0xFFFFFF80;
	s11 =	sadd.s32 $0x0, s5  }
0xbe: {  	[tilespmem:s15], [sflag:$0x11] =	stream.linear.gather [hbm4b:s11+s3], $0x80, $0x38;
	[tilespmem:$0x1A800] =	vst v63  }
0xbf: {  	_ =	swait.ge [sflag:s26], $0x80  }
0xc0: {  	[sflag:s26] =	ssyncset.done $0x0  }
0xc1: {  	[sflag:s26] =	ssyncadd.s32 $0xFFFFFF80  }
0xc2: {  	[tilespmem:s18], [sflag:$0x2] =	stream.indirect.gather [hbm4b:s20+s29], $0x40, s29, s29, $0xb8;
	[tilespmem:$0x1A800] =	vst v63  }
0xc3: {  	_ =	swait.ge [sflag:s6], $0x2000  }
0xc4: {  	s19 =	rddreg [dreg:$0xe];
	[sflag:s6] =	ssyncset.done $0x0  }
0xc5: {  	[sflag:s6] =	ssyncadd.s32 $0xFFFFE000;
	s11 =	sadd.s32 $0x0, s19  }
0xc6: {  	[tilespmem:s17], [sflag:$0x11] =	stream.linear.gather [hbm4b:s11+s3], $0x80, $0x38;
	[tilespmem:$0x1A800] =	vst v63  }
0xc7: {  	_ =	swait.ge [sflag:s26], $0x80  }
0xc8: {  	s5 =	rddreg [dreg:$0xd];
	[sflag:s26] =	ssyncset.done $0x0  }
0xc9: {  	[sflag:s26] =	ssyncadd.s32 $0xFFFFFF80;
	s11 =	sadd.s32 $0x0, s5  }
0xca: {  	[tilespmem:s22], [sflag:$0x11] =	stream.linear.gather [hbm4b:s11+s3], $0x80, $0x38;
	[tilespmem:$0x1A800] =	vst v63  }
0xcb: {  	_ =	swait.ge [sflag:s26], $0x80  }
0xcc: {  	[sflag:s26] =	ssyncset.done $0x0  }
0xcd: {  	[sflag:s26] =	ssyncadd.s32 $0xFFFFFF80  }
0xce: {  	[tilespmem:s23], [sflag:$0x3] =	stream.indirect.gather [hbm4b:s20+s29], $0x40, s17, s29, $0xb8;
	[tilespmem:$0x1A800] =	vst v63  }
0xcf: {  	_ =	swait.ge [sflag:s7], $0x2000  }
0xd0: {  	s15 =	rddreg [dreg:$0xc];
	[sflag:s7] =	ssyncset.done $0x0  }
0xd1: {  	[sflag:s7] =	ssyncadd.s32 $0xFFFFE000;
	s11 =	sadd.s32 $0x0, s15  }
0xd2: {  	[tilespmem:s24], [sflag:$0x11] =	stream.linear.gather [hbm4b:s11+s3], $0x80, $0x38;
	[tilespmem:$0x1A800] =	vst v63  }
0xd3: {  	_ =	swait.ge [sflag:s26], $0x80  }
0xd4: {  	s17 =	rddreg [dreg:$0xb];
	[sflag:s26] =	ssyncset.done $0x0  }
0xd5: {  	[sflag:s26] =	ssyncadd.s32 $0xFFFFFF80;
	s11 =	sadd.s32 $0x0, s17  }
0xd6: {  	[tilespmem:s25], [sflag:$0x11] =	stream.linear.gather [hbm4b:s11+s3], $0x80, $0x38;
	[tilespmem:$0x1A800] =	vst v63  }
0xd7: {  	_ =	swait.ge [sflag:s26], $0x80  }
0xd8: {  	[sflag:s26] =	ssyncset.done $0x0  }
0xd9: {  	[sflag:s26] =	ssyncadd.s32 $0xFFFFFF80  }
0xda: {  	[tilespmem:s28], [sflag:$0x4] =	stream.indirect.gather [hbm4b:s20+s29], $0x40, s24, s29, $0xb8;
	[tilespmem:$0x1A800] =	vst v63  }
0xdb: {  	_ =	swait.ge [sflag:s8], $0x2000  }
0xdc: {  	s18 =	rddreg [dreg:$0xa];
	[sflag:s8] =	ssyncset.done $0x0  }
0xdd: {  	[sflag:s8] =	ssyncadd.s32 $0xFFFFE000;
	s11 =	sadd.s32 $0x0, s18  }
0xde: {  	[tilespmem:s12], [sflag:$0x11] =	stream.linear.gather [hbm4b:s11+s3], $0x80, $0x38;
	[tilespmem:$0x1A800] =	vst v63  }
0xdf: {  	_ =	swait.ge [sflag:s26], $0x80  }
0xe0: {  	s19 =	rddreg [dreg:$0x9];
	[sflag:s26] =	ssyncset.done $0x0  }
0xe1: {  	[sflag:s26] =	ssyncadd.s32 $0xFFFFFF80;
	s11 =	sadd.s32 $0x0, s19  }
0xe2: {  	[tilespmem:s30], [sflag:$0x11] =	stream.linear.gather [hbm4b:s11+s3], $0x80, $0x38;
	[tilespmem:$0x1A800] =	vst v63  }
0xe3: {  	_ =	swait.ge [sflag:s26], $0x80  }
0xe4: {  	[sflag:s26] =	ssyncset.done $0x0  }
0xe5: {  	[sflag:s26] =	ssyncadd.s32 $0xFFFFFF80  }
0xe6: {  	[tilespmem:s9], [sflag:$0x5] =	stream.indirect.gather [hbm4b:s20+s29], $0x40, s12, s29, $0xb8;
	[tilespmem:$0x1A800] =	vst v63  }
0xe7: {  	s9 =	simm.s32 $0xE  }
0xe8: {  	_ =	swait.ge [sflag:s9], $0x2000  }
0xe9: {  	s22 =	rddreg [dreg:$0x8];
	[sflag:s9] =	ssyncset.done $0x0  }
0xea: {  	[sflag:s9] =	ssyncadd.s32 $0xFFFFE000;
	s11 =	sadd.s32 $0x0, s22  }
0xeb: {  	[tilespmem:s16], [sflag:$0x11] =	stream.linear.gather [hbm4b:s11+s3], $0x80, $0x38;
	[tilespmem:$0x1A800] =	vst v63  }
0xec: {  	_ =	swait.ge [sflag:s26], $0x80  }
0xed: {  	s23 =	rddreg [dreg:$0x7];
	[sflag:s26] =	ssyncset.done $0x0  }
0xee: {  	[sflag:s26] =	ssyncadd.s32 $0xFFFFFF80;
	s11 =	sadd.s32 $0x0, s23  }
0xef: {  	[tilespmem:s31], [sflag:$0x11] =	stream.linear.gather [hbm4b:s11+s3], $0x80, $0x38;
	[tilespmem:$0x1A800] =	vst v63  }
0xf0: {  	_ =	swait.ge [sflag:s26], $0x80  }
0xf1: {  	[sflag:s26] =	ssyncset.done $0x0  }
0xf2: {  	[sflag:s26] =	ssyncadd.s32 $0xFFFFFF80  }
0xf3: {  	[tilespmem:s10], [sflag:$0x6] =	stream.indirect.gather [hbm4b:s20+s29], $0x40, s16, s29, $0xb8;
	[tilespmem:$0x1A800] =	vst v63  }
0xf4: {  	s10 =	simm.s32 $0xF  }
0xf5: {  	_ =	swait.ge [sflag:s10], $0x2000  }
0xf6: {  	s24 =	rddreg [dreg:$0x6];
	[sflag:s10] =	ssyncset.done $0x0  }
0xf7: {  	[sflag:s10] =	ssyncadd.s32 $0xFFFFE000;
	s11 =	sadd.s32 $0x0, s24  }
0xf8: {  	[tilespmem:s0], [sflag:$0x11] =	stream.linear.gather [hbm4b:s11+s3], $0x80, $0x38;
	[tilespmem:$0x1A800] =	vst v63  }
0xf9: {  	_ =	swait.ge [sflag:s26], $0x80  }
0xfa: {  	s25 =	rddreg [dreg:$0x5];
	[sflag:s26] =	ssyncset.done $0x0  }
0xfb: {  	[sflag:s26] =	ssyncadd.s32 $0xFFFFFF80;
	s11 =	sadd.s32 $0x0, s25  }
0xfc: {  	[tilespmem:s1], [sflag:$0x11] =	stream.linear.gather [hbm4b:s11+s3], $0x80, $0x38;
	[tilespmem:$0x1A800] =	vst v63  }
0xfd: {  	_ =	swait.ge [sflag:s26], $0x80  }
0xfe: {  	[sflag:s26] =	ssyncset.done $0x0  }
0xff: {  	[sflag:s26] =	ssyncadd.s32 $0xFFFFFF80  }
0x100: {  	[tilespmem:s4], [sflag:$0x7] =	stream.indirect.gather [hbm4b:s20+s29], $0x40, s0, s29, $0xb8;
	[tilespmem:$0x1A800] =	vst v63  }
0x101: {  	s4 =	simm.s32 $0x10  }
0x102: {  	_ =	swait.ge [sflag:s4], $0x2000  }
0x103: {  	s28 =	rddreg [dreg:$0x4];
	[sflag:s4] =	ssyncset.done $0x0  }
0x104: {  	s30 =	simm.s32 $0x380;
	[sflag:s4] =	ssyncadd.s32 $0xFFFFE000;
	s11 =	sadd.s32 $0x0, s28  }
0x105: {  	[tilespmem:s30], [sflag:$0x11] =	stream.linear.gather [hbm4b:s11+s3], $0x80, $0x38;
	[tilespmem:$0x1A800] =	vst v63  }
0x106: {  	_ =	swait.ge [sflag:s26], $0x80  }
0x107: {  	s31 =	rddreg [dreg:$0x3];
	[sflag:s26] =	ssyncset.done $0x0  }
0x108: {  	[sflag:s26] =	ssyncadd.s32 $0xFFFFFF80;
	s11 =	sadd.s32 $0x0, s31  }
0x109: {  	[tilespmem:s21], [sflag:$0x11] =	stream.linear.gather [hbm4b:s11+s3], $0x80, $0x38;
	[tilespmem:$0x1A800] =	vst v63  }
0x10a: {  	_ =	swait.ge [sflag:s26], $0x80  }
0x10b: {  	[sflag:s26] =	ssyncset.done $0x0  }
0x10c: {  	s11 =	simm.s32 $0x80;
	[sflag:s26] =	ssyncadd.s32 $0xFFFFFF80  }
.LBB2_2:
0x10d: {  	s21 =	simm.s32 $0x380;
	s17 =	simm.s32 $0xE800;
	s16 =	simm.s32 $0x1  }
0x10e: {  	[tilespmem:s17], [sflag:$0x8] =	stream.indirect.gather [hbm4b:s20+s29], $0x40, s21, s29, $0xb8;
	[tilespmem:$0x1A800] =	vst v63  }
0x10f: {  	_ =	swait.ge [sflag:s16], $0x2000  }
0x110: {  	[sflag:s16] =	ssyncset.done $0x0  }
0x111: {  	s30 =	simm.s32 $0x2;
	[sflag:s16] =	ssyncadd.s32 $0xFFFFE000  }
0x112: {  	[spmem:s2] =	stream.indirect.scatter.add.s16 [tilespmem:s14], [sflag:$0x9], $0x40, s13, s29, $0xb8;
	[tilespmem:$0x1A800] =	vst v63  }
0x113: {  	_ =	swait.ge [sflag:s30], $0x2000  }
0x114: {  	s18 =	simm.s32 $0x480;
	[sflag:s30] =	ssyncset.done $0x0  }
0x115: {  	s19 =	simm.s32 $0x2800;
	s31 =	simm.s32 $0x3;
	[sflag:s30] =	ssyncadd.s32 $0xFFFFE000  }
0x116: {  	[spmem:s2] =	stream.indirect.scatter.add.s16 [tilespmem:s19], [sflag:$0xA], $0x40, s18, s29, $0xb8;
	[tilespmem:$0x1A800] =	vst v63  }
0x117: {  	_ =	swait.ge [sflag:s31], $0x2000  }
0x118: {  	s22 =	simm.s32 $0x500;
	[sflag:s31] =	ssyncset.done $0x0  }
0x119: {  	s24 =	simm.s32 $0x4800;
	s0 =	simm.s32 $0x4;
	[sflag:s31] =	ssyncadd.s32 $0xFFFFE000  }
0x11a: {  	[spmem:s2] =	stream.indirect.scatter.add.s16 [tilespmem:s24], [sflag:$0xB], $0x40, s22, s29, $0xb8;
	[tilespmem:$0x1A800] =	vst v63  }
0x11b: {  	_ =	swait.ge [sflag:s0], $0x2000  }
0x11c: {  	s25 =	simm.s32 $0x580;
	[sflag:s0] =	ssyncset.done $0x0  }
0x11d: {  	s23 =	simm.s32 $0x6800;
	s1 =	simm.s32 $0x5;
	[sflag:s0] =	ssyncadd.s32 $0xFFFFE000  }
0x11e: {  	[spmem:s2] =	stream.indirect.scatter.add.s16 [tilespmem:s23], [sflag:$0xC], $0x40, s25, s29, $0xb8;
	[tilespmem:$0x1A800] =	vst v63  }
0x11f: {  	_ =	swait.ge [sflag:s1], $0x2000  }
0x120: {  	s28 =	simm.s32 $0x600;
	[sflag:s1] =	ssyncset.done $0x0  }
0x121: {  	s5 =	simm.s32 $0x6;
	s30 =	simm.s32 $0x8800;
	[sflag:s1] =	ssyncadd.s32 $0xFFFFE000  }
0x122: {  	[spmem:s2] =	stream.indirect.scatter.add.s16 [tilespmem:s30], [sflag:$0xD], $0x40, s28, s29, $0xb8;
	[tilespmem:$0x1A800] =	vst v63  }
0x123: {  	_ =	swait.ge [sflag:s5], $0x2000  }
0x124: {  	s14 =	simm.s32 $0x7;
	[sflag:s5] =	ssyncset.done $0x0  }
0x125: {  	s31 =	simm.s32 $0x680;
	s0 =	simm.s32 $0xA800;
	[sflag:s5] =	ssyncadd.s32 $0xFFFFE000  }
0x126: {  	[spmem:s2] =	stream.indirect.scatter.add.s16 [tilespmem:s0], [sflag:$0xE], $0x40, s31, s29, $0xb8;
	[tilespmem:$0x1A800] =	vst v63  }
0x127: {  	_ =	swait.ge [sflag:s14], $0x2000  }
0x128: {  	s16 =	simm.s32 $0x8;
	[sflag:s14] =	ssyncset.done $0x0  }
0x129: {  	s1 =	simm.s32 $0x700;
	s5 =	simm.s32 $0xC800;
	[sflag:s14] =	ssyncadd.s32 $0xFFFFE000  }
0x12a: {  	[spmem:s2] =	stream.indirect.scatter.add.s16 [tilespmem:s5], [sflag:$0xF], $0x40, s1, s29, $0xb8;
	[tilespmem:$0x1A800] =	vst v63  }
0x12b: {  	_ =	swait.ge [sflag:s16], $0x2000  }
0x12c: {  	[sflag:s16] =	ssyncset.done $0x0  }
0x12d: {  	s15 =	simm.s32 $0x780;
	s13 =	simm.s32 $0x9;
	[sflag:s16] =	ssyncadd.s32 $0xFFFFE000  }
0x12e: {  	[spmem:s2] =	stream.indirect.scatter.add.s16 [tilespmem:s17], [sflag:$0x10], $0x40, s15, s29, $0xb8;
	[tilespmem:$0x1A800] =	vst v63  }
0x12f: {  	_ =	swait.ge [sflag:s13], $0x2000  }
0x130: {  	s12 =	smov.u32 s11;
	s17 =	rddreg [dreg:$0x12];
	[sflag:s13] =	ssyncset.done $0x0  }
0x131: {  	[sflag:s13] =	ssyncadd.s32 $0xFFFFE000;
	s13 =	sadd.s32 s12, s17  }
0x132: {  	[tilespmem:s3], [sflag:$0x11] =	stream.linear.gather [hbm4b:s13+s3], $0x80, $0x38;
	[tilespmem:$0x1A800] =	vst v63  }
0x133: {  	_ =	swait.ge [sflag:s26], $0x80  }
0x134: {  	s17 =	rddreg [dreg:$0x11];
	[sflag:s26] =	ssyncset.done $0x0  }
0x135: {  	s14 =	simm.s32 $0x400;
	[sflag:s26] =	ssyncadd.s32 $0xFFFFFF80;
	s13 =	sadd.s32 s12, s17  }
0x136: {  	[tilespmem:s14], [sflag:$0x11] =	stream.linear.gather [hbm4b:s13+s3], $0x80, $0x38;
	[tilespmem:$0x1A800] =	vst v63  }
0x137: {  	_ =	swait.ge [sflag:s26], $0x80  }
0x138: {  	[sflag:s26] =	ssyncset.done $0x0  }
0x139: {  	s14 =	simm.s32 $0x800;
	s13 =	simm.s32 $0xA;
	[sflag:s26] =	ssyncadd.s32 $0xFFFFFF80  }
0x13a: {  	[tilespmem:s14], [sflag:$0x1] =	stream.indirect.gather [hbm4b:s20+s29], $0x40, s3, s29, $0xb8;
	[tilespmem:$0x1A800] =	vst v63  }
0x13b: {  	_ =	swait.ge [sflag:s13], $0x2000  }
0x13c: {  	s17 =	rddreg [dreg:$0x10];
	[sflag:s13] =	ssyncset.done $0x0  }
0x13d: {  	[sflag:s13] =	ssyncadd.s32 $0xFFFFE000;
	s13 =	sadd.s32 s12, s17  }
0x13e: {  	[tilespmem:s29], [sflag:$0x11] =	stream.linear.gather [hbm4b:s13+s3], $0x80, $0x38;
	[tilespmem:$0x1A800] =	vst v63  }
0x13f: {  	_ =	swait.ge [sflag:s26], $0x80  }
0x140: {  	s17 =	rddreg [dreg:$0xf];
	[sflag:s26] =	ssyncset.done $0x0  }
0x141: {  	[sflag:s26] =	ssyncadd.s32 $0xFFFFFF80;
	s13 =	sadd.s32 s12, s17  }
0x142: {  	[tilespmem:s18], [sflag:$0x11] =	stream.linear.gather [hbm4b:s13+s3], $0x80, $0x38;
	[tilespmem:$0x1A800] =	vst v63  }
0x143: {  	_ =	swait.ge [sflag:s26], $0x80  }
0x144: {  	[sflag:s26] =	ssyncset.done $0x0  }
0x145: {  	[sflag:s26] =	ssyncadd.s32 $0xFFFFFF80  }
0x146: {  	[tilespmem:s19], [sflag:$0x2] =	stream.indirect.gather [hbm4b:s20+s29], $0x40, s29, s29, $0xb8;
	[tilespmem:$0x1A800] =	vst v63  }
0x147: {  	_ =	swait.ge [sflag:s6], $0x2000  }
0x148: {  	s15 =	rddreg [dreg:$0xe];
	[sflag:s6] =	ssyncset.done $0x0  }
0x149: {  	s17 =	simm.s32 $0x100;
	[sflag:s6] =	ssyncadd.s32 $0xFFFFE000;
	s13 =	sadd.s32 s12, s15  }
0x14a: {  	[tilespmem:s17], [sflag:$0x11] =	stream.linear.gather [hbm4b:s13+s3], $0x80, $0x38;
	[tilespmem:$0x1A800] =	vst v63  }
0x14b: {  	_ =	swait.ge [sflag:s26], $0x80  }
0x14c: {  	s18 =	rddreg [dreg:$0xd];
	[sflag:s26] =	ssyncset.done $0x0  }
0x14d: {  	[sflag:s26] =	ssyncadd.s32 $0xFFFFFF80;
	s13 =	sadd.s32 s12, s18  }
0x14e: {  	[tilespmem:s22], [sflag:$0x11] =	stream.linear.gather [hbm4b:s13+s3], $0x80, $0x38;
	[tilespmem:$0x1A800] =	vst v63  }
0x14f: {  	_ =	swait.ge [sflag:s26], $0x80  }
0x150: {  	[sflag:s26] =	ssyncset.done $0x0  }
0x151: {  	[sflag:s26] =	ssyncadd.s32 $0xFFFFFF80  }
0x152: {  	[tilespmem:s24], [sflag:$0x3] =	stream.indirect.gather [hbm4b:s20+s29], $0x40, s17, s29, $0xb8;
	[tilespmem:$0x1A800] =	vst v63  }
0x153: {  	_ =	swait.ge [sflag:s7], $0x2000  }
0x154: {  	s19 =	rddreg [dreg:$0xc];
	[sflag:s7] =	ssyncset.done $0x0  }
0x155: {  	s22 =	simm.s32 $0x180;
	[sflag:s7] =	ssyncadd.s32 $0xFFFFE000;
	s13 =	sadd.s32 s12, s19  }
0x156: {  	[tilespmem:s22], [sflag:$0x11] =	stream.linear.gather [hbm4b:s13+s3], $0x80, $0x38;
	[tilespmem:$0x1A800] =	vst v63  }
0x157: {  	_ =	swait.ge [sflag:s26], $0x80  }
0x158: {  	s24 =	rddreg [dreg:$0xb];
	[sflag:s26] =	ssyncset.done $0x0  }
0x159: {  	[sflag:s26] =	ssyncadd.s32 $0xFFFFFF80;
	s13 =	sadd.s32 s12, s24  }
0x15a: {  	[tilespmem:s25], [sflag:$0x11] =	stream.linear.gather [hbm4b:s13+s3], $0x80, $0x38;
	[tilespmem:$0x1A800] =	vst v63  }
0x15b: {  	_ =	swait.ge [sflag:s26], $0x80  }
0x15c: {  	[sflag:s26] =	ssyncset.done $0x0  }
0x15d: {  	[sflag:s26] =	ssyncadd.s32 $0xFFFFFF80  }
0x15e: {  	[tilespmem:s23], [sflag:$0x4] =	stream.indirect.gather [hbm4b:s20+s29], $0x40, s22, s29, $0xb8;
	[tilespmem:$0x1A800] =	vst v63  }
0x15f: {  	_ =	swait.ge [sflag:s8], $0x2000  }
0x160: {  	s15 =	rddreg [dreg:$0xa];
	[sflag:s8] =	ssyncset.done $0x0  }
0x161: {  	s17 =	simm.s32 $0x200;
	[sflag:s8] =	ssyncadd.s32 $0xFFFFE000;
	s13 =	sadd.s32 s12, s15  }
0x162: {  	[tilespmem:s17], [sflag:$0x11] =	stream.linear.gather [hbm4b:s13+s3], $0x80, $0x38;
	[tilespmem:$0x1A800] =	vst v63  }
0x163: {  	_ =	swait.ge [sflag:s26], $0x80  }
0x164: {  	s18 =	rddreg [dreg:$0x9];
	[sflag:s26] =	ssyncset.done $0x0  }
0x165: {  	[sflag:s26] =	ssyncadd.s32 $0xFFFFFF80;
	s13 =	sadd.s32 s12, s18  }
0x166: {  	[tilespmem:s28], [sflag:$0x11] =	stream.linear.gather [hbm4b:s13+s3], $0x80, $0x38;
	[tilespmem:$0x1A800] =	vst v63  }
0x167: {  	_ =	swait.ge [sflag:s26], $0x80  }
0x168: {  	[sflag:s26] =	ssyncset.done $0x0  }
0x169: {  	[sflag:s26] =	ssyncadd.s32 $0xFFFFFF80  }
0x16a: {  	[tilespmem:s30], [sflag:$0x5] =	stream.indirect.gather [hbm4b:s20+s29], $0x40, s17, s29, $0xb8;
	[tilespmem:$0x1A800] =	vst v63  }
0x16b: {  	_ =	swait.ge [sflag:s9], $0x2000  }
0x16c: {  	s19 =	rddreg [dreg:$0x8];
	[sflag:s9] =	ssyncset.done $0x0  }
0x16d: {  	s22 =	simm.s32 $0x280;
	[sflag:s9] =	ssyncadd.s32 $0xFFFFE000;
	s13 =	sadd.s32 s12, s19  }
0x16e: {  	[tilespmem:s22], [sflag:$0x11] =	stream.linear.gather [hbm4b:s13+s3], $0x80, $0x38;
	[tilespmem:$0x1A800] =	vst v63  }
0x16f: {  	_ =	swait.ge [sflag:s26], $0x80  }
0x170: {  	s23 =	rddreg [dreg:$0x7];
	[sflag:s26] =	ssyncset.done $0x0  }
0x171: {  	[sflag:s26] =	ssyncadd.s32 $0xFFFFFF80;
	s13 =	sadd.s32 s12, s23  }
0x172: {  	[tilespmem:s31], [sflag:$0x11] =	stream.linear.gather [hbm4b:s13+s3], $0x80, $0x38;
	[tilespmem:$0x1A800] =	vst v63  }
0x173: {  	_ =	swait.ge [sflag:s26], $0x80  }
0x174: {  	[sflag:s26] =	ssyncset.done $0x0  }
0x175: {  	[sflag:s26] =	ssyncadd.s32 $0xFFFFFF80  }
0x176: {  	[tilespmem:s0], [sflag:$0x6] =	stream.indirect.gather [hbm4b:s20+s29], $0x40, s22, s29, $0xb8;
	[tilespmem:$0x1A800] =	vst v63  }
0x177: {  	_ =	swait.ge [sflag:s10], $0x2000  }
0x178: {  	s24 =	rddreg [dreg:$0x6];
	[sflag:s10] =	ssyncset.done $0x0  }
0x179: {  	s25 =	simm.s32 $0x300;
	[sflag:s10] =	ssyncadd.s32 $0xFFFFE000;
	s13 =	sadd.s32 s12, s24  }
0x17a: {  	[tilespmem:s25], [sflag:$0x11] =	stream.linear.gather [hbm4b:s13+s3], $0x80, $0x38;
	[tilespmem:$0x1A800] =	vst v63  }
0x17b: {  	_ =	swait.ge [sflag:s26], $0x80  }
0x17c: {  	s28 =	rddreg [dreg:$0x5];
	[sflag:s26] =	ssyncset.done $0x0  }
0x17d: {  	[sflag:s26] =	ssyncadd.s32 $0xFFFFFF80;
	s13 =	sadd.s32 s12, s28  }
0x17e: {  	[tilespmem:s1], [sflag:$0x11] =	stream.linear.gather [hbm4b:s13+s3], $0x80, $0x38;
	[tilespmem:$0x1A800] =	vst v63  }
0x17f: {  	_ =	swait.ge [sflag:s26], $0x80  }
0x180: {  	[sflag:s26] =	ssyncset.done $0x0  }
0x181: {  	[sflag:s26] =	ssyncadd.s32 $0xFFFFFF80  }
0x182: {  	[tilespmem:s5], [sflag:$0x7] =	stream.indirect.gather [hbm4b:s20+s29], $0x40, s25, s29, $0xb8;
	[tilespmem:$0x1A800] =	vst v63  }
0x183: {  	_ =	swait.ge [sflag:s4], $0x2000  }
0x184: {  	s30 =	rddreg [dreg:$0x4];
	[sflag:s4] =	ssyncset.done $0x0  }
0x185: {  	[sflag:s4] =	ssyncadd.s32 $0xFFFFE000;
	s13 =	sadd.s32 s12, s30  }
0x186: {  	[tilespmem:s21], [sflag:$0x11] =	stream.linear.gather [hbm4b:s13+s3], $0x80, $0x38;
	[tilespmem:$0x1A800] =	vst v63  }
0x187: {  	p0 =	sne.s32 s11, $0x480;
	_ =	swait.ge [sflag:s26], $0x80  }
0x188: {  	s21 =	simm.s32 $0x780;
	s31 =	rddreg [dreg:$0x3];
	[sflag:s26] =	ssyncset.done $0x0  }
.Ltmp0:
0x189: {  	[sflag:s26] =	ssyncadd.s32 $0xFFFFFF80;
	s12 =	sadd.s32 s12, s31;
	(pc) =	sbr.rel @p0 .LBB2_2-.Ltmp0, $4  }
0x18a: {  	[tilespmem:s21], [sflag:$0x11] =	stream.linear.gather [hbm4b:s12+s3], $0x80, $0x38;
	[tilespmem:$0x1A800] =	vst v63  }
0x18b: {  	_ =	swait.ge [sflag:s26], $0x80  }
0x18c: {  	s11 =	sadd.s32 $0x80, s11;
	s16 =	simm.s32 $0xE800;
	[sflag:s26] =	ssyncset.done $0x0  }
0x18d: {  	s15 =	simm.s32 $0x380;
	s13 =	simm.s32 $0x400;
	[sflag:s26] =	ssyncadd.s32 $0xFFFFFF80  }
0x18e: {  	[tilespmem:s16], [sflag:$0x8] =	stream.indirect.gather [hbm4b:s20+s29], $0x40, s15, s29, $0xb8;
	[tilespmem:$0x1A800] =	vst v63  }
0x18f: {  	s11 =	simm.s32 $0x1  }
0x190: {  	_ =	swait.ge [sflag:s11], $0x2000  }
0x191: {  	[sflag:s11] =	ssyncset.done $0x0  }
0x192: {  	s17 =	simm.s32 $0x2;
	[sflag:s11] =	ssyncadd.s32 $0xFFFFE000  }
0x193: {  	_ =	swait.ge [sflag:s17], $0x2000  }
0x194: {  	[sflag:s17] =	ssyncset.done $0x0  }
0x195: {  	s18 =	simm.s32 $0x3;
	[sflag:s17] =	ssyncadd.s32 $0xFFFFE000  }
0x196: {  	_ =	swait.ge [sflag:s18], $0x2000  }
0x197: {  	[sflag:s18] =	ssyncset.done $0x0  }
0x198: {  	s19 =	simm.s32 $0x4;
	[sflag:s18] =	ssyncadd.s32 $0xFFFFE000  }
0x199: {  	_ =	swait.ge [sflag:s19], $0x2000  }
0x19a: {  	[sflag:s19] =	ssyncset.done $0x0  }
0x19b: {  	s22 =	simm.s32 $0x5;
	[sflag:s19] =	ssyncadd.s32 $0xFFFFE000  }
0x19c: {  	_ =	swait.ge [sflag:s22], $0x2000  }
0x19d: {  	[sflag:s22] =	ssyncset.done $0x0  }
0x19e: {  	s23 =	simm.s32 $0x6;
	[sflag:s22] =	ssyncadd.s32 $0xFFFFE000  }
0x19f: {  	_ =	swait.ge [sflag:s23], $0x2000  }
0x1a0: {  	[sflag:s23] =	ssyncset.done $0x0  }
0x1a1: {  	s24 =	simm.s32 $0x7;
	[sflag:s23] =	ssyncadd.s32 $0xFFFFE000  }
0x1a2: {  	_ =	swait.ge [sflag:s24], $0x2000  }
0x1a3: {  	[sflag:s24] =	ssyncset.done $0x0  }
0x1a4: {  	s0 =	simm.s32 $0x8;
	[sflag:s24] =	ssyncadd.s32 $0xFFFFE000  }
0x1a5: {  	_ =	swait.ge [sflag:s0], $0x2000  }
0x1a6: {  	[sflag:s0] =	ssyncset.done $0x0  }
0x1a7: {  	[sflag:s0] =	ssyncadd.s32 $0xFFFFE000  }
0x1a8: {  	[bflag:$0x0] =	sbarrier.arrive $0xFFFF  }
0x1a9: {  	s12 =	sld [smem:$0x7FD]  }
0x1aa: {  	s25 =	sld [smem:$0x7FB]  }
0x1ab: {  	s28 =	sld [smem:$0x7F5];
	_ =	sdelay $0x2  }
0x1ac: {  	[hbm:s25], [sflag:s12] =	dma.local [spmem:s28], $0x1400  }
0x1ad: {  	_ =	swait.ge [sflag:s26], $0x1400  }
0x1ae: {  	s30 =	sld [smem:$0x7F4]  }
0x1af: {  	s31 =	sld [smem:$0x7FC];
	_ =	sdelay $0x1  }
0x1b0: {  	s15 =	sadd.s32 $0x1, s30  }
0x1b1: {  	p0 =	sne.s32 s15, s31  }
.Ltmp1:
0x1b2: {  	_ = 	snop;
	(pc) =	sbr.rel @p0 .LBB2_1-.Ltmp1, $3  }
0x1b3: {  	_ =	sdelay $0x1  }
0x1b4: {  	[sflag:s26] =	ssyncset.done $0x0  }
0x1b5: {  	[sflag:s26] =	ssyncadd.s32 $0xFFFFEC00  }
0x1b6: {  	_ =	sfence.sel $0x180000  }
0x1b7: {  	[bflag:$0x0] =	sbarrier.arrive $0xFFFF  }
0x1b8: {  	_ =	strace $0x9000004A  }
0x1b9: {  	s0 =	stileid.u32;
	[bflag:$0x2] =	sbarrier.arrive $0xFFFF  }
0x1ba: {  	p0 =	sne.s32 s0, $0x0;
	s0 =	rddreg [dreg:$0x2]  }
0x1bb: {  	s0 =	sadd.s32 @!p0 $0x100000, s0  }
0x1bc: {  	[sflag:s0] =	ssyncadd.tile.s32 @!p0 $0x1;
	_ =	shalt  }
.Lfunc_end2:
_tile_overlayer_lowered:
.L_overlay_start_2:
0x1bd: {  	(tag) =	ssettag $0x2  }
0x1be: {  	s0 =	rddreg [dreg:$0x0];
	s2 =	stileid.u32  }
0x1bf: {  	s1 =	rddreg [dreg:$0x1];
	p0 =	sne.s32 s2, $0x0  }
0x1c0: {  	s3 =	rddreg [dreg:$0x2];
	[bflag:$0x3] =	sbarrier.arrive $0xFFFF;
	s2 =	simm.s32 @!p0 $0x1C11  }
0x1c1: {  	[timem:s3], [sflag:s2] =	dma.local @!p0 [hbm:s0], s1  }
0x1c2: {  	s0 =	simm.s32 @!p0 $0x11  }
0x1c3: {  	_ =	swait.ge @!p0 [sflag:s0], s1  }
0x1c4: {  	s1 =	ssub.s32 @!p0 $0x0, s1;
	[sflag:s0] =	ssyncset.done @!p0 $0x0  }
0x1c5: {  	[sflag:s0] =	ssyncadd.s32 @!p0 s1  }
0x1c6: {  	[bflag:$0x3] =	sbarrier.arrive $0xFFFF  }
0x1c7: {  	_ =	shalt  }

</sc_bundles>
